<compile_context>
chip_gen: v7x
topology: tpu7x:2x2x1
jax: 0.10.2.dev20260603
libtpu: 0.0.44.dev20260713+nightly
codegen_flags: <defaults>
</compile_context>

<pallas_src>
import functools

import jax
import jax.numpy as jnp
from jax import lax
from jax.experimental import pallas as pl
from jax.experimental.pallas import tpu as pltpu
from jax.experimental.pallas import tpu_sc as plsc

_MESH_Z = -0.8
_FX, _FY = 248.0, 248.0
_B, _N, _C, _H, _W, _L = 8, 8192, 128, 56, 56, 4
_D = _L * _C
_DW = _D // 2
_OUTD = 3 + _D
_OUTP = 520
_P = _B * _N
_NW = 32
_PPW = _P // _NW
_G = 16
_NG = _PPW // _G
_GOUT = _G * _OUTD


def _sc_body(pp_hbm, table_hbm, out_hbm,
             buf3, pbuf, idxr, wtr, rows, obuf,
             gsem0, gsem1, osem0, osem1):
    cid = lax.axis_index("c")
    sid = lax.axis_index("s")
    wid = sid * 2 + cid

    pltpu.sync_copy(pp_hbm.at[pl.ds(wid * (3 * _PPW), 3 * _PPW)], buf3)
    pltpu.sync_copy(pp_hbm.at[pl.ds(_NW * 3 * _PPW, 64)], pbuf)
    oxv = pbuf[pl.ds(0, 16)]
    oyv = pbuf[pl.ds(16, 16)]
    hxv = pbuf[pl.ds(32, 16)]
    hyv = pbuf[pl.ds(48, 16)]
    iota = lax.iota(jnp.int32, 16)
    bbase = (wid // 4) * (_H * _W)

    def phase_a(i, carry):
        xs = buf3[pl.ds(i * 16, 16)]
        ys = buf3[pl.ds(_PPW + i * 16, 16)]
        zs = buf3[pl.ds(2 * _PPW + i * 16, 16)]
        pz = zs + _MESH_Z
        wn = (xs / pz) * (-_FX) + oxv
        hn = (ys / pz) * _FY + oyv
        wn = wn / hxv
        hn = hn / hyv
        wn = jnp.clip(wn, -1.0, 1.0)
        hn = jnp.clip(hn, -1.0, 1.0)
        x = (wn + 1.0) * 0.5 * (_W - 1.0)
        y = (hn + 1.0) * 0.5 * (_H - 1.0)
        x0 = x.astype(jnp.int32)
        y0 = y.astype(jnp.int32)
        fx = x - x0.astype(jnp.float32)
        fy = y - y0.astype(jnp.float32)
        x1 = jnp.minimum(x0 + 1, _W - 1)
        y1 = jnp.minimum(y0 + 1, _H - 1)
        bb = jnp.full((16,), bbase, jnp.int32)
        r0 = bb + y0 * _W
        r1 = bb + y1 * _W
        idxr[0, i, :] = r0 + x0
        idxr[1, i, :] = r0 + x1
        idxr[2, i, :] = r1 + x0
        idxr[3, i, :] = r1 + x1
        gx = 1.0 - fx
        gy = 1.0 - fy
        wtr[0, i, :] = gy * gx
        wtr[1, i, :] = gy * fx
        wtr[2, i, :] = fy * gx
        wtr[3, i, :] = fy * fx
        return carry

    lax.fori_loop(0, _NG, phase_a, 0)

    gsems = (gsem0, gsem1)
    osems = (osem0, osem1)

    def fire_gather(g, b):
        for c in range(4):
            pltpu.async_copy(table_hbm.at[idxr.at[c, g]], rows.at[b, c],
                             gsems[b])

    def drain_gather(g, b):
        for c in range(4):
            pltpu.make_async_copy(table_hbm.at[idxr.at[c, g]], rows.at[b, c],
                                  gsems[b]).wait()

    def out_slice(g):
        obase = wid * (_PPW * _OUTD) + g * _GOUT
        return out_hbm.at[pl.ds(obase, _GOUT)]

    fire_gather(0, 0)

    def phase_b_step(g, b):
        @pl.when(g + 1 < _NG)
        def _():
            fire_gather(g + 1, 1 - b)

        drain_gather(g, b)

        @pl.when(g >= 2)
        def _():
            pltpu.make_async_copy(obuf.at[b % 2], out_slice(g - 2),
                                  osems[b % 2]).wait()

        ob = obuf.at[b % 2]
        plsc.store_scatter(ob, [iota * _OUTD], buf3[pl.ds(g * 16, 16)])
        plsc.store_scatter(ob, [iota * _OUTD + 1],
                           buf3[pl.ds(_PPW + g * 16, 16)])
        plsc.store_scatter(ob, [iota * _OUTD + 2],
                           buf3[pl.ds(2 * _PPW + g * 16, 16)])

        sg = jnp.full((16,), g, jnp.int32)
        zeros = jnp.zeros((16,), jnp.int32)

        nblk = _DW // 32

        def load_block(p, j0):
            vs = []
            for dj in range(2):
                cs = pl.ds((j0 + dj) * 16, 16)
                vs.append([plsc.bitcast(rows[b, c, p, cs], jnp.bfloat16)
                           for c in range(4)])
            return vs

        def per_point(p, pc):
            sp = jnp.full((16,), p, jnp.int32)
            wb = []
            for c in range(4):
                wv = plsc.load_gather(wtr, [zeros + c, sg, sp])
                wb.append(plsc.pack(wv, wv, format=plsc.PackFormat.INTERLEAVED))
            base = jnp.full((16,), p * _OUTD + 3, jnp.int32) + iota
            vs = load_block(p, 0)
            for blk in range(nblk):
                nxt = load_block(p, (blk + 1) * 2) if blk + 1 < nblk else None
                m0 = [vs[dj][0] * wb[0] for dj in range(2)]
                m1 = [vs[dj][1] * wb[1] for dj in range(2)]
                m2 = [vs[dj][2] * wb[2] for dj in range(2)]
                m3 = [vs[dj][3] * wb[3] for dj in range(2)]
                s0 = [m0[dj] + m1[dj] for dj in range(2)]
                s1 = [m2[dj] + m3[dj] for dj in range(2)]
                accs = [s0[dj] + s1[dj] for dj in range(2)]
                for dj in range(2):
                    lo, hi = plsc.unpack(accs[dj],
                                         format=plsc.PackFormat.INTERLEAVED)
                    plsc.store_scatter(ob, [base + ((blk * 2 + dj) * 32)], lo)
                    plsc.store_scatter(ob, [base + ((blk * 2 + dj) * 32 + 16)],
                                       hi)
                vs = nxt
            return pc

        lax.fori_loop(0, _G, per_point, 0)
        pltpu.async_copy(ob, out_slice(g), osems[b % 2])

    def phase_b(i, carry):
        phase_b_step(i * 2, 0)
        phase_b_step(i * 2 + 1, 1)
        return carry

    lax.fori_loop(0, _NG // 2, phase_b, 0)
    pltpu.make_async_copy(obuf.at[0], out_slice(_NG - 2), osems[0]).wait()
    pltpu.make_async_copy(obuf.at[1], out_slice(_NG - 1), osems[1]).wait()


_OUT_SHAPE = (_B, _N, _OUTD)


@jax.jit
def _sc_call(pp, table):
    mesh = plsc.VectorSubcoreMesh(core_axis_name="c", subcore_axis_name="s",
                                  num_cores=2, num_subcores=16)
    return pl.kernel(
        _sc_body,
        out_type=jax.ShapeDtypeStruct((_P * _OUTD,), jnp.float32),
        mesh=mesh,
        scratch_types=[
            pltpu.VMEM((3 * _PPW,), jnp.float32),
            pltpu.VMEM((64,), jnp.float32),
            pltpu.VMEM((4, _NG, _G), jnp.int32),
            pltpu.VMEM((4, _NG, _G), jnp.float32),
            pltpu.VMEM((2, 4, _G, _DW), jnp.float32),
            pltpu.VMEM((2, _GOUT), jnp.float32),
            pltpu.SemaphoreType.DMA,
            pltpu.SemaphoreType.DMA,
            pltpu.SemaphoreType.DMA,
            pltpu.SemaphoreType.DMA,
        ],
        compiler_params=pltpu.CompilerParams(needs_layout_passes=False,
                                             use_tc_tiling_on_sc=False),
    )(pp, table)


def kernel(resolution, img_features, inputs):
    half = (resolution - 1.0) * 0.5
    off = jnp.float32(111.5) - half
    params = jnp.concatenate([
        jnp.full((16,), off[0], jnp.float32),
        jnp.full((16,), off[1], jnp.float32),
        jnp.full((16,), half[0], jnp.float32),
        jnp.full((16,), half[1], jnp.float32),
    ])
    table = img_features.astype(jnp.bfloat16)
    table = table.reshape(_L, _B, 4, 2, 16, _H, _W).transpose(1, 5, 6, 0, 2, 4, 3)
    table = jax.lax.bitcast_convert_type(
        table.reshape(_B * _H * _W, _DW, 2), jnp.float32)
    pts = jnp.transpose(inputs.reshape(_NW, _PPW, 3), (0, 2, 1))
    pp = jnp.concatenate([pts.reshape(-1), params])
    return _sc_call(pp, table).reshape(_B, _N, _OUTD)

# --- scband reference (transcript-rebuilt; emitter-appended) ---
"""Pipeline reference for scband-graph-projection-1400159338696 (READ-ONLY COPY).

The authoritative reference and input builder live on the scoring server;
editing this copy changes nothing except your own understanding.
"""

import jax, jax.numpy as jnp
import numpy as np

MESH_POS = jnp.array([0.0, 0.0, -0.8], dtype=jnp.float32)
CAMERA_F = (248.0, 248.0)
CAMERA_C = (111.5, 111.5)


def setup_inputs(seed: int = 0) -> dict:
    key = jax.random.key(seed)
    k1, k2, k3 = jax.random.split(key, 3)
    resolution = jax.random.randint(k1, (2,), 0, 512).astype(jnp.float32)
    img_features = jax.random.normal(k2, (4, 8, 128, 56, 56), dtype=jnp.float32)
    inputs = jax.random.normal(k3, (8, 8192, 3), dtype=jnp.float32)
    return {"resolution": resolution, "img_features": img_features, "inputs": inputs}


def _grid_sample_bilinear(img, pts):
    # img: [B, C, H, W]; pts: [B, N, 2] holding (x, y) in [-1, 1]; align_corners=True,
    # padding_mode='zeros' (points are pre-clamped to [-1,1] so borders behave identically).
    B, C, H, W = img.shape
    x = (pts[..., 0] + 1.0) * 0.5 * (W - 1)
    y = (pts[..., 1] + 1.0) * 0.5 * (H - 1)
    x0 = jnp.floor(x)
    y0 = jnp.floor(y)
    wx1 = x - x0
    wy1 = y - y0
    wx0 = 1.0 - wx1
    wy0 = 1.0 - wy1
    x0i = jnp.clip(x0, 0, W - 1).astype(jnp.int32)
    x1i = jnp.clip(x0 + 1.0, 0, W - 1).astype(jnp.int32)
    y0i = jnp.clip(y0, 0, H - 1).astype(jnp.int32)
    y1i = jnp.clip(y0 + 1.0, 0, H - 1).astype(jnp.int32)

    def gather(im, yy, xx):
        return im[:, yy, xx]  # [C, N]

    g = jax.vmap(gather)
    v00 = g(img, y0i, x0i)
    v01 = g(img, y0i, x1i)
    v10 = g(img, y1i, x0i)
    v11 = g(img, y1i, x1i)
    out = (v00 * (wy0 * wx0)[:, None, :] + v01 * (wy0 * wx1)[:, None, :]
           + v10 * (wy1 * wx0)[:, None, :] + v11 * (wy1 * wx1)[:, None, :])
    return jnp.transpose(out, (0, 2, 1))  # [B, N, C]


def reference(resolution, img_features, inputs):
    half_resolution = (resolution - 1.0) / 2.0
    camera_c_offset = jnp.array(CAMERA_C, dtype=jnp.float32) - half_resolution
    positions = inputs + MESH_POS
    w = -CAMERA_F[0] * (positions[:, :, 0] / positions[:, :, 2]) + camera_c_offset[0]
    h = CAMERA_F[1] * (positions[:, :, 1] / positions[:, :, 2]) + camera_c_offset[1]
    w = w / half_resolution[0]
    h = h / half_resolution[1]
    w = jnp.clip(w, -1.0, 1.0)
    h = jnp.clip(h, -1.0, 1.0)
    pts = jnp.stack([w, h], axis=-1)  # [B, N, 2]
    feats = [inputs]
    for i in range(img_features.shape[0]):
        feats.append(_grid_sample_bilinear(img_features[i], pts))
    return jnp.concatenate(feats, axis=2)

if __name__ == "__main__":
    import jax
    _d = setup_inputs()
    print(jax.jit(kernel)(*tuple(_d.values())))

</pallas_src>

<mosaic_0001>
#map = affine_map<(d0, d1) -> (0)>
#map1 = affine_map<(d0, d1) -> (0, 0)>
module attributes {stable_mosaic.version = 14 : i64} {
  func.func @_sc_body(%arg0: i32, %arg1: i32, %arg2: memref<196672xf32, #tpu.memory_space<hbm>>, %arg3: memref<25088x256xf32, #tpu.memory_space<hbm>>, %arg4: memref<33751040xf32, #tpu.memory_space<hbm>>, %arg5: memref<6144xf32, #tpu.memory_space<vmem>>, %arg6: memref<64xf32, #tpu.memory_space<vmem>>, %arg7: memref<4x128x16xi32, #tpu.memory_space<vmem>>, %arg8: memref<4x128x16xf32, #tpu.memory_space<vmem>>, %arg9: memref<2x4x16x256xf32, #tpu.memory_space<vmem>>, %arg10: memref<2x8240xf32, #tpu.memory_space<vmem>>, %arg11: memref<!tpu.dma_semaphore, #tpu.memory_space<semaphore_mem>>, %arg12: memref<!tpu.dma_semaphore, #tpu.memory_space<semaphore_mem>>, %arg13: memref<!tpu.dma_semaphore, #tpu.memory_space<semaphore_mem>>, %arg14: memref<!tpu.dma_semaphore, #tpu.memory_space<semaphore_mem>>) attributes {dimension_semantics = [#tpu.dimension_semantics<core_parallel>, #tpu.dimension_semantics<subcore_parallel>], iteration_bounds = array<i64: 2, 16>, scalar_prefetch = 0 : i64, scratch_operands = 10 : i64, tpu.core_type = #tpu.core_type<sc_vector_subcore>, window_params = [{transform_indices = #map}, {transform_indices = #map1}, {transform_indices = #map}]} {
    %mul3A = arith.constant 2 : i32
    %mul3A_0 = arith.muli %arg1, %mul3A : i32
    %add3A = arith.addi %mul3A_0, %arg0 : i32
    %mul3A_1 = arith.constant 6144 : i32
    %mul3A_2 = arith.muli %add3A, %mul3A_1 : i32
    "tpu.region"() ({
      %run_scoped3A = tpu.sem_alloc : memref<!tpu.dma_semaphore, #tpu.memory_space<semaphore_mem>>
      %dma_start3A_119 = tpu.memref_slice %arg2[%mul3A_2] : memref<196672xf32, #tpu.memory_space<hbm>> -> memref<6144xf32, #tpu.memory_space<hbm>>
      %dma_start3A_120 = tpu.memref_slice %arg2[%mul3A_2] : memref<196672xf32, #tpu.memory_space<hbm>> -> memref<6144xf32, #tpu.memory_space<hbm>>
      tpu.enqueue_dma source(%dma_start3A_120 : memref<6144xf32, #tpu.memory_space<hbm>>) target(%arg5 : memref<6144xf32, #tpu.memory_space<vmem>>) target_semaphore(%run_scoped3A : memref<!tpu.dma_semaphore, #tpu.memory_space<semaphore_mem>>)
      %dma_wait3A_121 = tpu.memref_slice %arg2[%mul3A_2] : memref<196672xf32, #tpu.memory_space<hbm>> -> memref<6144xf32, #tpu.memory_space<hbm>>
      %dma_wait3A_122 = tpu.memref_slice %arg2[%mul3A_2] : memref<196672xf32, #tpu.memory_space<hbm>> -> memref<6144xf32, #tpu.memory_space<hbm>>
      tpu.wait_dma2 semaphore(%run_scoped3A : memref<!tpu.dma_semaphore, #tpu.memory_space<semaphore_mem>>) src(%dma_wait3A_122 : memref<6144xf32, #tpu.memory_space<hbm>>) dst(%arg5 : memref<6144xf32, #tpu.memory_space<vmem>>)
      tpu.yield
    }) : () -> ()
    "tpu.region"() ({
      %run_scoped3A = tpu.sem_alloc : memref<!tpu.dma_semaphore, #tpu.memory_space<semaphore_mem>>
      %dma_start3A_119 = arith.constant 196608 : i32
      %dma_start3A_120 = tpu.memref_slice %arg2[%dma_start3A_119] : memref<196672xf32, #tpu.memory_space<hbm>> -> memref<64xf32, #tpu.memory_space<hbm>>
      %dma_start3A_121 = arith.constant 196608 : i32
      %dma_start3A_122 = tpu.memref_slice %arg2[%dma_start3A_121] : memref<196672xf32, #tpu.memory_space<hbm>> -> memref<64xf32, #tpu.memory_space<hbm>>
      tpu.enqueue_dma source(%dma_start3A_122 : memref<64xf32, #tpu.memory_space<hbm>>) target(%arg6 : memref<64xf32, #tpu.memory_space<vmem>>) target_semaphore(%run_scoped3A : memref<!tpu.dma_semaphore, #tpu.memory_space<semaphore_mem>>)
      %dma_wait3A_123 = arith.constant 196608 : i32
      %dma_wait3A_124 = tpu.memref_slice %arg2[%dma_wait3A_123] : memref<196672xf32, #tpu.memory_space<hbm>> -> memref<64xf32, #tpu.memory_space<hbm>>
      %dma_wait3A_125 = arith.constant 196608 : i32
      %dma_wait3A_126 = tpu.memref_slice %arg2[%dma_wait3A_125] : memref<196672xf32, #tpu.memory_space<hbm>> -> memref<64xf32, #tpu.memory_space<hbm>>
      tpu.wait_dma2 semaphore(%run_scoped3A : memref<!tpu.dma_semaphore, #tpu.memory_space<semaphore_mem>>) src(%dma_wait3A_126 : memref<64xf32, #tpu.memory_space<hbm>>) dst(%arg6 : memref<64xf32, #tpu.memory_space<vmem>>)
      tpu.yield
    }) : () -> ()
    %get3A = arith.constant 0 : index
    %get3A_3 = tpu.vector_load %arg6[%get3A] {strides = array<i32>} : memref<64xf32, #tpu.memory_space<vmem>>, vector<16xf32>,
    %get3A_4 = arith.constant 16 : index
    %get3A_5 = tpu.vector_load %arg6[%get3A_4] {strides = array<i32>} : memref<64xf32, #tpu.memory_space<vmem>>, vector<16xf32>,
    %get3A_6 = arith.constant 32 : index
    %get3A_7 = tpu.vector_load %arg6[%get3A_6] {strides = array<i32>} : memref<64xf32, #tpu.memory_space<vmem>>, vector<16xf32>,
    %get3A_8 = arith.constant 48 : index
    %get3A_9 = tpu.vector_load %arg6[%get3A_8] {strides = array<i32>} : memref<64xf32, #tpu.memory_space<vmem>>, vector<16xf32>,
    %iota3A = tpu.iota {dimensions = array<i32: 0>} : vector<16xi32>
    %jit3A = arith.constant 4 : i32
    %div3A = arith.divsi %add3A, %jit3A : i32
    %sign3A = arith.constant 0 : i32
    %sign3A_10 = arith.cmpi sgt, %add3A, %sign3A : i32
    %sign3A_11 = arith.extui %sign3A_10 : i1 to i32
    %sign3A_12 = arith.constant 0 : i32
    %sign3A_13 = arith.cmpi slt, %add3A, %sign3A_12 : i32
    %sign3A_14 = arith.extui %sign3A_13 : i1 to i32
    %sign3A_15 = arith.subi %sign3A_11, %sign3A_14 : i32
    %sign3A_16 = arith.constant 0 : i32
    %sign3A_17 = arith.cmpi sgt, %jit3A, %sign3A_16 : i32
    %sign3A_18 = arith.extui %sign3A_17 : i1 to i32
    %sign3A_19 = arith.constant 0 : i32
    %sign3A_20 = arith.cmpi slt, %jit3A, %sign3A_19 : i32
    %sign3A_21 = arith.extui %sign3A_20 : i1 to i32
    %sign3A_22 = arith.subi %sign3A_18, %sign3A_21 : i32
    %ne3A = arith.cmpi ne, %sign3A_15, %sign3A_22 : i32
    %rem3A = arith.remsi %add3A, %jit3A : i32
    %ne3A_23 = arith.constant 0 : i32
    %ne3A_24 = arith.cmpi ne, %rem3A, %ne3A_23 : i32
    %and3A = arith.andi %ne3A, %ne3A_24 : i1
    %sub3A = arith.constant 1 : i32
    %sub3A_25 = arith.subi %div3A, %sub3A : i32
    %select_n3A = arith.select %and3A, %sub3A_25, %div3A : i32
    %mul3A_26 = arith.constant 3136 : i32
    %mul3A_27 = arith.muli %select_n3A, %mul3A_26 : i32
    %scan3A = arith.constant 0 : i32
    %scan3A_28 = arith.constant 0 : i32
    %scan3A_29 = arith.constant 128 : i32
    %scan3A_30 = arith.addi %scan3A_28, %scan3A_29 : i32
    %scan3A_31 = arith.constant 1 : i32
    scf.for %scan3A_119 = %scan3A_28 to %scan3A_30 step %scan3A_31  : i32 {
      %mul3A_120 = arith.constant 16 : i32
      %mul3A_121 = arith.muli %scan3A_119, %mul3A_120 : i32
      %get3A_122 = arith.index_cast %mul3A_121 : i32 to index
      %get3A_123 = tpu.vector_load %arg5[%get3A_122] {strides = array<i32>} : memref<6144xf32, #tpu.memory_space<vmem>>, vector<16xf32>,
      %mul3A_124 = arith.constant 16 : i32
      %mul3A_125 = arith.muli %scan3A_119, %mul3A_124 : i32
      %add3A_126 = arith.constant 2048 : i32
      %add3A_127 = arith.addi %add3A_126, %mul3A_125 : i32
      %get3A_128 = arith.index_cast %add3A_127 : i32 to index
      %get3A_129 = tpu.vector_load %arg5[%get3A_128] {strides = array<i32>} : memref<6144xf32, #tpu.memory_space<vmem>>, vector<16xf32>,
      %mul3A_130 = arith.constant 16 : i32
      %mul3A_131 = arith.muli %scan3A_119, %mul3A_130 : i32
      %add3A_132 = arith.constant 4096 : i32
      %add3A_133 = arith.addi %add3A_132, %mul3A_131 : i32
      %get3A_134 = arith.index_cast %add3A_133 : i32 to index
      %get3A_135 = tpu.vector_load %arg5[%get3A_134] {strides = array<i32>} : memref<6144xf32, #tpu.memory_space<vmem>>, vector<16xf32>,
      %add3A_136 = arith.constant -8.000000e-01 : f32
      %add3A_137 = vector.broadcast %add3A_136 : f32 to vector<16xf32>
      %add3A_138 = arith.addf %get3A_135, %add3A_137 : vector<16xf32>
      %div3A_139 = arith.divf %get3A_123, %add3A_138 : vector<16xf32>
      %mul3A_140 = arith.constant -2.480000e+02 : f32
      %mul3A_141 = vector.broadcast %mul3A_140 : f32 to vector<16xf32>
      %mul3A_142 = arith.mulf %div3A_139, %mul3A_141 : vector<16xf32>
      %add3A_143 = arith.addf %mul3A_142, %get3A_3 : vector<16xf32>
      %div3A_144 = arith.divf %get3A_129, %add3A_138 : vector<16xf32>
      %mul3A_145 = arith.constant 2.480000e+02 : f32
      %mul3A_146 = vector.broadcast %mul3A_145 : f32 to vector<16xf32>
      %mul3A_147 = arith.mulf %div3A_144, %mul3A_146 : vector<16xf32>
      %add3A_148 = arith.addf %mul3A_147, %get3A_5 : vector<16xf32>
      %div3A_149 = arith.divf %add3A_143, %get3A_7 : vector<16xf32>
      %div3A_150 = arith.divf %add3A_148, %get3A_9 : vector<16xf32>
      %jit3A_151 = arith.constant -1.000000e+00 : f32
      %jit3A_152 = arith.constant 1.000000e+00 : f32
      %max3A = vector.broadcast %jit3A_151 : f32 to vector<16xf32>
      %max3A_153 = arith.maximumf %max3A, %div3A_149 : vector<16xf32>
      %min3A = vector.broadcast %jit3A_152 : f32 to vector<16xf32>
      %min3A_154 = arith.minimumf %min3A, %max3A_153 : vector<16xf32>
      %jit3A_155 = arith.constant -1.000000e+00 : f32
      %jit3A_156 = arith.constant 1.000000e+00 : f32
      %max3A_157 = vector.broadcast %jit3A_155 : f32 to vector<16xf32>
      %max3A_158 = arith.maximumf %max3A_157, %div3A_150 : vector<16xf32>
      %min3A_159 = vector.broadcast %jit3A_156 : f32 to vector<16xf32>
      %min3A_160 = arith.minimumf %min3A_159, %max3A_158 : vector<16xf32>
      %add3A_161 = arith.constant 1.000000e+00 : f32
      %add3A_162 = vector.broadcast %add3A_161 : f32 to vector<16xf32>
      %add3A_163 = arith.addf %min3A_154, %add3A_162 : vector<16xf32>
      %mul3A_164 = arith.constant 5.000000e-01 : f32
      %mul3A_165 = vector.broadcast %mul3A_164 : f32 to vector<16xf32>
      %mul3A_166 = arith.mulf %add3A_163, %mul3A_165 : vector<16xf32>
      %mul3A_167 = arith.constant 5.500000e+01 : f32
      %mul3A_168 = vector.broadcast %mul3A_167 : f32 to vector<16xf32>
      %mul3A_169 = arith.mulf %mul3A_166, %mul3A_168 : vector<16xf32>
      %add3A_170 = arith.constant 1.000000e+00 : f32
      %add3A_171 = vector.broadcast %add3A_170 : f32 to vector<16xf32>
      %add3A_172 = arith.addf %min3A_160, %add3A_171 : vector<16xf32>
      %mul3A_173 = arith.constant 5.000000e-01 : f32
      %mul3A_174 = vector.broadcast %mul3A_173 : f32 to vector<16xf32>
      %mul3A_175 = arith.mulf %add3A_172, %mul3A_174 : vector<16xf32>
      %mul3A_176 = arith.constant 5.500000e+01 : f32
      %mul3A_177 = vector.broadcast %mul3A_176 : f32 to vector<16xf32>
      %mul3A_178 = arith.mulf %mul3A_175, %mul3A_177 : vector<16xf32>
      %convert_element_type3A = arith.fptosi %mul3A_169 : vector<16xf32> to vector<16xi32>
      %convert_element_type3A_179 = arith.fptosi %mul3A_178 : vector<16xf32> to vector<16xi32>
      %convert_element_type3A_180 = arith.sitofp %convert_element_type3A : vector<16xi32> to vector<16xf32>
      %sub3A_181 = arith.subf %mul3A_169, %convert_element_type3A_180 : vector<16xf32>
      %convert_element_type3A_182 = arith.sitofp %convert_element_type3A_179 : vector<16xi32> to vector<16xf32>
      %sub3A_183 = arith.subf %mul3A_178, %convert_element_type3A_182 : vector<16xf32>
      %add3A_184 = arith.constant 1 : i32
      %add3A_185 = vector.broadcast %add3A_184 : i32 to vector<16xi32>
      %add3A_186 = arith.addi %convert_element_type3A, %add3A_185 : vector<16xi32>
      %min3A_187 = arith.constant 55 : i32
      %min3A_188 = vector.broadcast %min3A_187 : i32 to vector<16xi32>
      %min3A_189 = arith.minsi %add3A_186, %min3A_188 : vector<16xi32>
      %add3A_190 = arith.constant 1 : i32
      %add3A_191 = vector.broadcast %add3A_190 : i32 to vector<16xi32>
      %add3A_192 = arith.addi %convert_element_type3A_179, %add3A_191 : vector<16xi32>
      %min3A_193 = arith.constant 55 : i32
      %min3A_194 = vector.broadcast %min3A_193 : i32 to vector<16xi32>
      %min3A_195 = arith.minsi %add3A_192, %min3A_194 : vector<16xi32>
      %broadcast_in_dim3A = vector.broadcast %mul3A_27 : i32 to vector<16xi32>
      %mul3A_196 = arith.constant 56 : i32
      %mul3A_197 = vector.broadcast %mul3A_196 : i32 to vector<16xi32>
      %mul3A_198 = arith.muli %convert_element_type3A_179, %mul3A_197 : vector<16xi32>
      %add3A_199 = arith.addi %broadcast_in_dim3A, %mul3A_198 : vector<16xi32>
      %mul3A_200 = arith.constant 56 : i32
      %mul3A_201 = vector.broadcast %mul3A_200 : i32 to vector<16xi32>
      %mul3A_202 = arith.muli %min3A_195, %mul3A_201 : vector<16xi32>
      %add3A_203 = arith.addi %broadcast_in_dim3A, %mul3A_202 : vector<16xi32>
      %add3A_204 = arith.addi %add3A_199, %convert_element_type3A : vector<16xi32>
      %swap3A = arith.constant 0 : i32
      %swap3A_205 = arith.index_cast %swap3A : i32 to index
      %swap3A_206 = arith.index_cast %scan3A_119 : i32 to index
      %swap3A_207 = arith.constant 0 : index
      %swap3A_208 = tpu.vector_load %arg7[%swap3A_205, %swap3A_206, %swap3A_207] {strides = array<i32>} : memref<4x128x16xi32, #tpu.memory_space<vmem>>, vector<16xi32>,
      tpu.vector_store %arg7[%swap3A_205, %swap3A_206, %swap3A_207], %add3A_204 {strides = array<i32>} : memref<4x128x16xi32, #tpu.memory_space<vmem>>, vector<16xi32>,
      %add3A_209 = arith.addi %add3A_199, %min3A_189 : vector<16xi32>
      %swap3A_210 = arith.constant 1 : i32
      %swap3A_211 = arith.index_cast %swap3A_210 : i32 to index
      %swap3A_212 = arith.index_cast %scan3A_119 : i32 to index
      %swap3A_213 = arith.constant 0 : index
      %swap3A_214 = tpu.vector_load %arg7[%swap3A_211, %swap3A_212, %swap3A_213] {strides = array<i32>} : memref<4x128x16xi32, #tpu.memory_space<vmem>>, vector<16xi32>,
      tpu.vector_store %arg7[%swap3A_211, %swap3A_212, %swap3A_213], %add3A_209 {strides = array<i32>} : memref<4x128x16xi32, #tpu.memory_space<vmem>>, vector<16xi32>,
      %add3A_215 = arith.addi %add3A_203, %convert_element_type3A : vector<16xi32>
      %swap3A_216 = arith.constant 2 : i32
      %swap3A_217 = arith.index_cast %swap3A_216 : i32 to index
      %swap3A_218 = arith.index_cast %scan3A_119 : i32 to index
      %swap3A_219 = arith.constant 0 : index
      %swap3A_220 = tpu.vector_load %arg7[%swap3A_217, %swap3A_218, %swap3A_219] {strides = array<i32>} : memref<4x128x16xi32, #tpu.memory_space<vmem>>, vector<16xi32>,
      tpu.vector_store %arg7[%swap3A_217, %swap3A_218, %swap3A_219], %add3A_215 {strides = array<i32>} : memref<4x128x16xi32, #tpu.memory_space<vmem>>, vector<16xi32>,
      %add3A_221 = arith.addi %add3A_203, %min3A_189 : vector<16xi32>
      %swap3A_222 = arith.constant 3 : i32
      %swap3A_223 = arith.index_cast %swap3A_222 : i32 to index
      %swap3A_224 = arith.index_cast %scan3A_119 : i32 to index
      %swap3A_225 = arith.constant 0 : index
      %swap3A_226 = tpu.vector_load %arg7[%swap3A_223, %swap3A_224, %swap3A_225] {strides = array<i32>} : memref<4x128x16xi32, #tpu.memory_space<vmem>>, vector<16xi32>,
      tpu.vector_store %arg7[%swap3A_223, %swap3A_224, %swap3A_225], %add3A_221 {strides = array<i32>} : memref<4x128x16xi32, #tpu.memory_space<vmem>>, vector<16xi32>,
      %sub3A_227 = arith.constant 1.000000e+00 : f32
      %sub3A_228 = vector.broadcast %sub3A_227 : f32 to vector<16xf32>
      %sub3A_229 = arith.subf %sub3A_228, %sub3A_181 : vector<16xf32>
      %sub3A_230 = arith.constant 1.000000e+00 : f32
      %sub3A_231 = vector.broadcast %sub3A_230 : f32 to vector<16xf32>
      %sub3A_232 = arith.subf %sub3A_231, %sub3A_183 : vector<16xf32>
      %mul3A_233 = arith.mulf %sub3A_232, %sub3A_229 : vector<16xf32>
      %swap3A_234 = arith.constant 0 : i32
      %swap3A_235 = arith.index_cast %swap3A_234 : i32 to index
      %swap3A_236 = arith.index_cast %scan3A_119 : i32 to index
      %swap3A_237 = arith.constant 0 : index
      %swap3A_238 = tpu.vector_load %arg8[%swap3A_235, %swap3A_236, %swap3A_237] {strides = array<i32>} : memref<4x128x16xf32, #tpu.memory_space<vmem>>, vector<16xf32>,
      tpu.vector_store %arg8[%swap3A_235, %swap3A_236, %swap3A_237], %mul3A_233 {strides = array<i32>} : memref<4x128x16xf32, #tpu.memory_space<vmem>>, vector<16xf32>,
      %mul3A_239 = arith.mulf %sub3A_232, %sub3A_181 : vector<16xf32>
      %swap3A_240 = arith.constant 1 : i32
      %swap3A_241 = arith.index_cast %swap3A_240 : i32 to index
      %swap3A_242 = arith.index_cast %scan3A_119 : i32 to index
      %swap3A_243 = arith.constant 0 : index
      %swap3A_244 = tpu.vector_load %arg8[%swap3A_241, %swap3A_242, %swap3A_243] {strides = array<i32>} : memref<4x128x16xf32, #tpu.memory_space<vmem>>, vector<16xf32>,
      tpu.vector_store %arg8[%swap3A_241, %swap3A_242, %swap3A_243], %mul3A_239 {strides = array<i32>} : memref<4x128x16xf32, #tpu.memory_space<vmem>>, vector<16xf32>,
      %mul3A_245 = arith.mulf %sub3A_183, %sub3A_229 : vector<16xf32>
      %swap3A_246 = arith.constant 2 : i32
      %swap3A_247 = arith.index_cast %swap3A_246 : i32 to index
      %swap3A_248 = arith.index_cast %scan3A_119 : i32 to index
      %swap3A_249 = arith.constant 0 : index
      %swap3A_250 = tpu.vector_load %arg8[%swap3A_247, %swap3A_248, %swap3A_249] {strides = array<i32>} : memref<4x128x16xf32, #tpu.memory_space<vmem>>, vector<16xf32>,
      tpu.vector_store %arg8[%swap3A_247, %swap3A_248, %swap3A_249], %mul3A_245 {strides = array<i32>} : memref<4x128x16xf32, #tpu.memory_space<vmem>>, vector<16xf32>,
      %mul3A_251 = arith.mulf %sub3A_183, %sub3A_181 : vector<16xf32>
      %swap3A_252 = arith.constant 3 : i32
      %swap3A_253 = arith.index_cast %swap3A_252 : i32 to index
      %swap3A_254 = arith.index_cast %scan3A_119 : i32 to index
      %swap3A_255 = arith.constant 0 : index
      %swap3A_256 = tpu.vector_load %arg8[%swap3A_253, %swap3A_254, %swap3A_255] {strides = array<i32>} : memref<4x128x16xf32, #tpu.memory_space<vmem>>, vector<16xf32>,
      tpu.vector_store %arg8[%swap3A_253, %swap3A_254, %swap3A_255], %mul3A_251 {strides = array<i32>} : memref<4x128x16xf32, #tpu.memory_space<vmem>>, vector<16xf32>,
    }
    %scan3A_32 = arith.constant 128 : i32
    %dma_start3A = arith.constant 0 : i32
    %dma_start3A_33 = arith.constant 0 : i32
    %dma_start3A_34 = arith.constant 0 : i32
    %dma_start3A_35 = arith.constant 0 : i32
    %dma_start3A_36 = arith.constant 0 : i32
    %dma_start3A_37 = arith.constant 0 : i32
    %dma_start3A_38 = tpu.memref_slice %arg9[%dma_start3A_34, %dma_start3A_35, %dma_start3A_36, %dma_start3A_37] : memref<2x4x16x256xf32, #tpu.memory_space<vmem>> -> memref<1x1x16x256xf32, #tpu.memory_space<vmem>>
    %dma_start3A_39 = tpu.memref_squeeze %dma_start3A_38 : memref<1x1x16x256xf32, #tpu.memory_space<vmem>> -> memref<16x256xf32, #tpu.memory_space<vmem>>
    %dma_start3A_40 = arith.constant 0 : i32
    %dma_start3A_41 = tpu.memref_slice %arg7[%dma_start3A, %dma_start3A_33, %dma_start3A_40] : memref<4x128x16xi32, #tpu.memory_space<vmem>> -> memref<1x1x16xi32, #tpu.memory_space<vmem>>
    %dma_start3A_42 = tpu.memref_squeeze %dma_start3A_41 : memref<1x1x16xi32, #tpu.memory_space<vmem>> -> memref<16xi32, #tpu.memory_space<vmem>>
    %dma_start3A_43 = arith.constant 0 : i32
    %dma_start3A_44 = arith.constant 0 : i32
    %dma_start3A_45 = tpu.memref_slice %arg3[%dma_start3A_43, %dma_start3A_44] : memref<25088x256xf32, #tpu.memory_space<hbm>> -> memref<25088x256xf32, #tpu.memory_space<hbm>>
    tpu.enqueue_indirect_dma source(%dma_start3A_45 : memref<25088x256xf32, #tpu.memory_space<hbm>>) target(%dma_start3A_39 : memref<16x256xf32, #tpu.memory_space<vmem>>) offsets(%dma_start3A_42 : memref<16xi32, #tpu.memory_space<vmem>>) semaphore(%arg11 : memref<!tpu.dma_semaphore, #tpu.memory_space<semaphore_mem>>)
    %dma_start3A_46 = arith.constant 1 : i32
    %dma_start3A_47 = arith.constant 0 : i32
    %dma_start3A_48 = arith.constant 0 : i32
    %dma_start3A_49 = arith.constant 1 : i32
    %dma_start3A_50 = arith.constant 0 : i32
    %dma_start3A_51 = arith.constant 0 : i32
    %dma_start3A_52 = tpu.memref_slice %arg9[%dma_start3A_48, %dma_start3A_49, %dma_start3A_50, %dma_start3A_51] : memref<2x4x16x256xf32, #tpu.memory_space<vmem>> -> memref<1x1x16x256xf32, #tpu.memory_space<vmem>>
    %dma_start3A_53 = tpu.memref_squeeze %dma_start3A_52 : memref<1x1x16x256xf32, #tpu.memory_space<vmem>> -> memref<16x256xf32, #tpu.memory_space<vmem>>
    %dma_start3A_54 = arith.constant 0 : i32
    %dma_start3A_55 = tpu.memref_slice %arg7[%dma_start3A_46, %dma_start3A_47, %dma_start3A_54] : memref<4x128x16xi32, #tpu.memory_space<vmem>> -> memref<1x1x16xi32, #tpu.memory_space<vmem>>
    %dma_start3A_56 = tpu.memref_squeeze %dma_start3A_55 : memref<1x1x16xi32, #tpu.memory_space<vmem>> -> memref<16xi32, #tpu.memory_space<vmem>>
    %dma_start3A_57 = arith.constant 0 : i32
    %dma_start3A_58 = arith.constant 0 : i32
    %dma_start3A_59 = tpu.memref_slice %arg3[%dma_start3A_57, %dma_start3A_58] : memref<25088x256xf32, #tpu.memory_space<hbm>> -> memref<25088x256xf32, #tpu.memory_space<hbm>>
    tpu.enqueue_indirect_dma source(%dma_start3A_59 : memref<25088x256xf32, #tpu.memory_space<hbm>>) target(%dma_start3A_53 : memref<16x256xf32, #tpu.memory_space<vmem>>) offsets(%dma_start3A_56 : memref<16xi32, #tpu.memory_space<vmem>>) semaphore(%arg11 : memref<!tpu.dma_semaphore, #tpu.memory_space<semaphore_mem>>)
    %dma_start3A_60 = arith.constant 2 : i32
    %dma_start3A_61 = arith.constant 0 : i32
    %dma_start3A_62 = arith.constant 0 : i32
    %dma_start3A_63 = arith.constant 2 : i32
    %dma_start3A_64 = arith.constant 0 : i32
    %dma_start3A_65 = arith.constant 0 : i32
    %dma_start3A_66 = tpu.memref_slice %arg9[%dma_start3A_62, %dma_start3A_63, %dma_start3A_64, %dma_start3A_65] : memref<2x4x16x256xf32, #tpu.memory_space<vmem>> -> memref<1x1x16x256xf32, #tpu.memory_space<vmem>>
    %dma_start3A_67 = tpu.memref_squeeze %dma_start3A_66 : memref<1x1x16x256xf32, #tpu.memory_space<vmem>> -> memref<16x256xf32, #tpu.memory_space<vmem>>
    %dma_start3A_68 = arith.constant 0 : i32
    %dma_start3A_69 = tpu.memref_slice %arg7[%dma_start3A_60, %dma_start3A_61, %dma_start3A_68] : memref<4x128x16xi32, #tpu.memory_space<vmem>> -> memref<1x1x16xi32, #tpu.memory_space<vmem>>
    %dma_start3A_70 = tpu.memref_squeeze %dma_start3A_69 : memref<1x1x16xi32, #tpu.memory_space<vmem>> -> memref<16xi32, #tpu.memory_space<vmem>>
    %dma_start3A_71 = arith.constant 0 : i32
    %dma_start3A_72 = arith.constant 0 : i32
    %dma_start3A_73 = tpu.memref_slice %arg3[%dma_start3A_71, %dma_start3A_72] : memref<25088x256xf32, #tpu.memory_space<hbm>> -> memref<25088x256xf32, #tpu.memory_space<hbm>>
    tpu.enqueue_indirect_dma source(%dma_start3A_73 : memref<25088x256xf32, #tpu.memory_space<hbm>>) target(%dma_start3A_67 : memref<16x256xf32, #tpu.memory_space<vmem>>) offsets(%dma_start3A_70 : memref<16xi32, #tpu.memory_space<vmem>>) semaphore(%arg11 : memref<!tpu.dma_semaphore, #tpu.memory_space<semaphore_mem>>)
    %dma_start3A_74 = arith.constant 3 : i32
    %dma_start3A_75 = arith.constant 0 : i32
    %dma_start3A_76 = arith.constant 0 : i32
    %dma_start3A_77 = arith.constant 3 : i32
    %dma_start3A_78 = arith.constant 0 : i32
    %dma_start3A_79 = arith.constant 0 : i32
    %dma_start3A_80 = tpu.memref_slice %arg9[%dma_start3A_76, %dma_start3A_77, %dma_start3A_78, %dma_start3A_79] : memref<2x4x16x256xf32, #tpu.memory_space<vmem>> -> memref<1x1x16x256xf32, #tpu.memory_space<vmem>>
    %dma_start3A_81 = tpu.memref_squeeze %dma_start3A_80 : memref<1x1x16x256xf32, #tpu.memory_space<vmem>> -> memref<16x256xf32, #tpu.memory_space<vmem>>
    %dma_start3A_82 = arith.constant 0 : i32
    %dma_start3A_83 = tpu.memref_slice %arg7[%dma_start3A_74, %dma_start3A_75, %dma_start3A_82] : memref<4x128x16xi32, #tpu.memory_space<vmem>> -> memref<1x1x16xi32, #tpu.memory_space<vmem>>
    %dma_start3A_84 = tpu.memref_squeeze %dma_start3A_83 : memref<1x1x16xi32, #tpu.memory_space<vmem>> -> memref<16xi32, #tpu.memory_space<vmem>>
    %dma_start3A_85 = arith.constant 0 : i32
    %dma_start3A_86 = arith.constant 0 : i32
    %dma_start3A_87 = tpu.memref_slice %arg3[%dma_start3A_85, %dma_start3A_86] : memref<25088x256xf32, #tpu.memory_space<hbm>> -> memref<25088x256xf32, #tpu.memory_space<hbm>>
    tpu.enqueue_indirect_dma source(%dma_start3A_87 : memref<25088x256xf32, #tpu.memory_space<hbm>>) target(%dma_start3A_81 : memref<16x256xf32, #tpu.memory_space<vmem>>) offsets(%dma_start3A_84 : memref<16xi32, #tpu.memory_space<vmem>>) semaphore(%arg11 : memref<!tpu.dma_semaphore, #tpu.memory_space<semaphore_mem>>)
    %scan3A_88 = arith.constant 0 : i32
    %scan3A_89 = arith.constant 0 : i32
    %scan3A_90 = arith.constant 64 : i32
    %scan3A_91 = arith.addi %scan3A_89, %scan3A_90 : i32
    %scan3A_92 = arith.constant 1 : i32
    scf.for %scan3A_119 = %scan3A_89 to %scan3A_91 step %scan3A_92  : i32 {
      %mul3A_120 = arith.constant 2 : i32
      %mul3A_121 = arith.muli %scan3A_119, %mul3A_120 : i32
      %add3A_122 = arith.constant 1 : i32
      %add3A_123 = arith.addi %mul3A_121, %add3A_122 : i32
      %lt3A = arith.constant 128 : i32
      %lt3A_124 = arith.cmpi slt, %add3A_123, %lt3A : i32
      %convert_element_type3A = arith.extui %lt3A_124 : i1 to i32
      %cond3A = arith.constant 0 : i32
      %cond3A_125 = arith.cmpi ne, %convert_element_type3A, %cond3A : i32
      scf.if %cond3A_125 {
        %add3A_382 = arith.constant 1 : i32
        %add3A_383 = arith.addi %mul3A_121, %add3A_382 : i32
        %dma_start3A_384 = arith.constant 0 : i32
        %dma_start3A_385 = arith.constant 1 : i32
        %dma_start3A_386 = arith.constant 0 : i32
        %dma_start3A_387 = arith.constant 0 : i32
        %dma_start3A_388 = arith.constant 0 : i32
        %dma_start3A_389 = tpu.memref_slice %arg9[%dma_start3A_385, %dma_start3A_386, %dma_start3A_387, %dma_start3A_388] : memref<2x4x16x256xf32, #tpu.memory_space<vmem>> -> memref<1x1x16x256xf32, #tpu.memory_space<vmem>>
        %dma_start3A_390 = tpu.memref_squeeze %dma_start3A_389 : memref<1x1x16x256xf32, #tpu.memory_space<vmem>> -> memref<16x256xf32, #tpu.memory_space<vmem>>
        %dma_start3A_391 = arith.constant 0 : i32
        %dma_start3A_392 = tpu.memref_slice %arg7[%dma_start3A_384, %add3A_383, %dma_start3A_391] : memref<4x128x16xi32, #tpu.memory_space<vmem>> -> memref<1x1x16xi32, #tpu.memory_space<vmem>>
        %dma_start3A_393 = tpu.memref_squeeze %dma_start3A_392 : memref<1x1x16xi32, #tpu.memory_space<vmem>> -> memref<16xi32, #tpu.memory_space<vmem>>
        %dma_start3A_394 = arith.constant 0 : i32
        %dma_start3A_395 = arith.constant 0 : i32
        %dma_start3A_396 = tpu.memref_slice %arg3[%dma_start3A_394, %dma_start3A_395] : memref<25088x256xf32, #tpu.memory_space<hbm>> -> memref<25088x256xf32, #tpu.memory_space<hbm>>
        tpu.enqueue_indirect_dma source(%dma_start3A_396 : memref<25088x256xf32, #tpu.memory_space<hbm>>) target(%dma_start3A_390 : memref<16x256xf32, #tpu.memory_space<vmem>>) offsets(%dma_start3A_393 : memref<16xi32, #tpu.memory_space<vmem>>) semaphore(%arg12 : memref<!tpu.dma_semaphore, #tpu.memory_space<semaphore_mem>>)
        %dma_start3A_397 = arith.constant 1 : i32
        %dma_start3A_398 = arith.constant 1 : i32
        %dma_start3A_399 = arith.constant 1 : i32
        %dma_start3A_400 = arith.constant 0 : i32
        %dma_start3A_401 = arith.constant 0 : i32
        %dma_start3A_402 = tpu.memref_slice %arg9[%dma_start3A_398, %dma_start3A_399, %dma_start3A_400, %dma_start3A_401] : memref<2x4x16x256xf32, #tpu.memory_space<vmem>> -> memref<1x1x16x256xf32, #tpu.memory_space<vmem>>
        %dma_start3A_403 = tpu.memref_squeeze %dma_start3A_402 : memref<1x1x16x256xf32, #tpu.memory_space<vmem>> -> memref<16x256xf32, #tpu.memory_space<vmem>>
        %dma_start3A_404 = arith.constant 0 : i32
        %dma_start3A_405 = tpu.memref_slice %arg7[%dma_start3A_397, %add3A_383, %dma_start3A_404] : memref<4x128x16xi32, #tpu.memory_space<vmem>> -> memref<1x1x16xi32, #tpu.memory_space<vmem>>
        %dma_start3A_406 = tpu.memref_squeeze %dma_start3A_405 : memref<1x1x16xi32, #tpu.memory_space<vmem>> -> memref<16xi32, #tpu.memory_space<vmem>>
        %dma_start3A_407 = arith.constant 0 : i32
        %dma_start3A_408 = arith.constant 0 : i32
        %dma_start3A_409 = tpu.memref_slice %arg3[%dma_start3A_407, %dma_start3A_408] : memref<25088x256xf32, #tpu.memory_space<hbm>> -> memref<25088x256xf32, #tpu.memory_space<hbm>>
        tpu.enqueue_indirect_dma source(%dma_start3A_409 : memref<25088x256xf32, #tpu.memory_space<hbm>>) target(%dma_start3A_403 : memref<16x256xf32, #tpu.memory_space<vmem>>) offsets(%dma_start3A_406 : memref<16xi32, #tpu.memory_space<vmem>>) semaphore(%arg12 : memref<!tpu.dma_semaphore, #tpu.memory_space<semaphore_mem>>)
        %dma_start3A_410 = arith.constant 2 : i32
        %dma_start3A_411 = arith.constant 1 : i32
        %dma_start3A_412 = arith.constant 2 : i32
        %dma_start3A_413 = arith.constant 0 : i32
        %dma_start3A_414 = arith.constant 0 : i32
        %dma_start3A_415 = tpu.memref_slice %arg9[%dma_start3A_411, %dma_start3A_412, %dma_start3A_413, %dma_start3A_414] : memref<2x4x16x256xf32, #tpu.memory_space<vmem>> -> memref<1x1x16x256xf32, #tpu.memory_space<vmem>>
        %dma_start3A_416 = tpu.memref_squeeze %dma_start3A_415 : memref<1x1x16x256xf32, #tpu.memory_space<vmem>> -> memref<16x256xf32, #tpu.memory_space<vmem>>
        %dma_start3A_417 = arith.constant 0 : i32
        %dma_start3A_418 = tpu.memref_slice %arg7[%dma_start3A_410, %add3A_383, %dma_start3A_417] : memref<4x128x16xi32, #tpu.memory_space<vmem>> -> memref<1x1x16xi32, #tpu.memory_space<vmem>>
        %dma_start3A_419 = tpu.memref_squeeze %dma_start3A_418 : memref<1x1x16xi32, #tpu.memory_space<vmem>> -> memref<16xi32, #tpu.memory_space<vmem>>
        %dma_start3A_420 = arith.constant 0 : i32
        %dma_start3A_421 = arith.constant 0 : i32
        %dma_start3A_422 = tpu.memref_slice %arg3[%dma_start3A_420, %dma_start3A_421] : memref<25088x256xf32, #tpu.memory_space<hbm>> -> memref<25088x256xf32, #tpu.memory_space<hbm>>
        tpu.enqueue_indirect_dma source(%dma_start3A_422 : memref<25088x256xf32, #tpu.memory_space<hbm>>) target(%dma_start3A_416 : memref<16x256xf32, #tpu.memory_space<vmem>>) offsets(%dma_start3A_419 : memref<16xi32, #tpu.memory_space<vmem>>) semaphore(%arg12 : memref<!tpu.dma_semaphore, #tpu.memory_space<semaphore_mem>>)
        %dma_start3A_423 = arith.constant 3 : i32
        %dma_start3A_424 = arith.constant 1 : i32
        %dma_start3A_425 = arith.constant 3 : i32
        %dma_start3A_426 = arith.constant 0 : i32
        %dma_start3A_427 = arith.constant 0 : i32
        %dma_start3A_428 = tpu.memref_slice %arg9[%dma_start3A_424, %dma_start3A_425, %dma_start3A_426, %dma_start3A_427] : memref<2x4x16x256xf32, #tpu.memory_space<vmem>> -> memref<1x1x16x256xf32, #tpu.memory_space<vmem>>
        %dma_start3A_429 = tpu.memref_squeeze %dma_start3A_428 : memref<1x1x16x256xf32, #tpu.memory_space<vmem>> -> memref<16x256xf32, #tpu.memory_space<vmem>>
        %dma_start3A_430 = arith.constant 0 : i32
        %dma_start3A_431 = tpu.memref_slice %arg7[%dma_start3A_423, %add3A_383, %dma_start3A_430] : memref<4x128x16xi32, #tpu.memory_space<vmem>> -> memref<1x1x16xi32, #tpu.memory_space<vmem>>
        %dma_start3A_432 = tpu.memref_squeeze %dma_start3A_431 : memref<1x1x16xi32, #tpu.memory_space<vmem>> -> memref<16xi32, #tpu.memory_space<vmem>>
        %dma_start3A_433 = arith.constant 0 : i32
        %dma_start3A_434 = arith.constant 0 : i32
        %dma_start3A_435 = tpu.memref_slice %arg3[%dma_start3A_433, %dma_start3A_434] : memref<25088x256xf32, #tpu.memory_space<hbm>> -> memref<25088x256xf32, #tpu.memory_space<hbm>>
        tpu.enqueue_indirect_dma source(%dma_start3A_435 : memref<25088x256xf32, #tpu.memory_space<hbm>>) target(%dma_start3A_429 : memref<16x256xf32, #tpu.memory_space<vmem>>) offsets(%dma_start3A_432 : memref<16xi32, #tpu.memory_space<vmem>>) semaphore(%arg12 : memref<!tpu.dma_semaphore, #tpu.memory_space<semaphore_mem>>)
      } else {
      }
      %dma_wait3A_126 = arith.constant 0 : i32
      %dma_wait3A_127 = arith.constant 0 : i32
      %dma_wait3A_128 = arith.constant 0 : i32
      %dma_wait3A_129 = arith.constant 0 : i32
      %dma_wait3A_130 = arith.constant 0 : i32
      %dma_wait3A_131 = tpu.memref_slice %arg9[%dma_wait3A_127, %dma_wait3A_128, %dma_wait3A_129, %dma_wait3A_130] : memref<2x4x16x256xf32, #tpu.memory_space<vmem>> -> memref<1x1x16x256xf32, #tpu.memory_space<vmem>>
      %dma_wait3A_132 = tpu.memref_squeeze %dma_wait3A_131 : memref<1x1x16x256xf32, #tpu.memory_space<vmem>> -> memref<16x256xf32, #tpu.memory_space<vmem>>
      %dma_wait3A_133 = arith.constant 0 : i32
      %dma_wait3A_134 = tpu.memref_slice %arg7[%dma_wait3A_126, %mul3A_121, %dma_wait3A_133] : memref<4x128x16xi32, #tpu.memory_space<vmem>> -> memref<1x1x16xi32, #tpu.memory_space<vmem>>
      %dma_wait3A_135 = tpu.memref_squeeze %dma_wait3A_134 : memref<1x1x16xi32, #tpu.memory_space<vmem>> -> memref<16xi32, #tpu.memory_space<vmem>>
      %dma_wait3A_136 = arith.constant 0 : i32
      %dma_wait3A_137 = arith.constant 0 : i32
      %dma_wait3A_138 = tpu.memref_slice %arg3[%dma_wait3A_136, %dma_wait3A_137] : memref<25088x256xf32, #tpu.memory_space<hbm>> -> memref<25088x256xf32, #tpu.memory_space<hbm>>
      tpu.wait_indirect_dma semaphore(%arg11 : memref<!tpu.dma_semaphore, #tpu.memory_space<semaphore_mem>>) src(%dma_wait3A_138 : memref<25088x256xf32, #tpu.memory_space<hbm>>) dst(%dma_wait3A_132 : memref<16x256xf32, #tpu.memory_space<vmem>>)
      %dma_wait3A_139 = arith.constant 1 : i32
      %dma_wait3A_140 = arith.constant 0 : i32
      %dma_wait3A_141 = arith.constant 1 : i32
      %dma_wait3A_142 = arith.constant 0 : i32
      %dma_wait3A_143 = arith.constant 0 : i32
      %dma_wait3A_144 = tpu.memref_slice %arg9[%dma_wait3A_140, %dma_wait3A_141, %dma_wait3A_142, %dma_wait3A_143] : memref<2x4x16x256xf32, #tpu.memory_space<vmem>> -> memref<1x1x16x256xf32, #tpu.memory_space<vmem>>
      %dma_wait3A_145 = tpu.memref_squeeze %dma_wait3A_144 : memref<1x1x16x256xf32, #tpu.memory_space<vmem>> -> memref<16x256xf32, #tpu.memory_space<vmem>>
      %dma_wait3A_146 = arith.constant 0 : i32
      %dma_wait3A_147 = tpu.memref_slice %arg7[%dma_wait3A_139, %mul3A_121, %dma_wait3A_146] : memref<4x128x16xi32, #tpu.memory_space<vmem>> -> memref<1x1x16xi32, #tpu.memory_space<vmem>>
      %dma_wait3A_148 = tpu.memref_squeeze %dma_wait3A_147 : memref<1x1x16xi32, #tpu.memory_space<vmem>> -> memref<16xi32, #tpu.memory_space<vmem>>
      %dma_wait3A_149 = arith.constant 0 : i32
      %dma_wait3A_150 = arith.constant 0 : i32
      %dma_wait3A_151 = tpu.memref_slice %arg3[%dma_wait3A_149, %dma_wait3A_150] : memref<25088x256xf32, #tpu.memory_space<hbm>> -> memref<25088x256xf32, #tpu.memory_space<hbm>>
      tpu.wait_indirect_dma semaphore(%arg11 : memref<!tpu.dma_semaphore, #tpu.memory_space<semaphore_mem>>) src(%dma_wait3A_151 : memref<25088x256xf32, #tpu.memory_space<hbm>>) dst(%dma_wait3A_145 : memref<16x256xf32, #tpu.memory_space<vmem>>)
      %dma_wait3A_152 = arith.constant 2 : i32
      %dma_wait3A_153 = arith.constant 0 : i32
      %dma_wait3A_154 = arith.constant 2 : i32
      %dma_wait3A_155 = arith.constant 0 : i32
      %dma_wait3A_156 = arith.constant 0 : i32
      %dma_wait3A_157 = tpu.memref_slice %arg9[%dma_wait3A_153, %dma_wait3A_154, %dma_wait3A_155, %dma_wait3A_156] : memref<2x4x16x256xf32, #tpu.memory_space<vmem>> -> memref<1x1x16x256xf32, #tpu.memory_space<vmem>>
      %dma_wait3A_158 = tpu.memref_squeeze %dma_wait3A_157 : memref<1x1x16x256xf32, #tpu.memory_space<vmem>> -> memref<16x256xf32, #tpu.memory_space<vmem>>
      %dma_wait3A_159 = arith.constant 0 : i32
      %dma_wait3A_160 = tpu.memref_slice %arg7[%dma_wait3A_152, %mul3A_121, %dma_wait3A_159] : memref<4x128x16xi32, #tpu.memory_space<vmem>> -> memref<1x1x16xi32, #tpu.memory_space<vmem>>
      %dma_wait3A_161 = tpu.memref_squeeze %dma_wait3A_160 : memref<1x1x16xi32, #tpu.memory_space<vmem>> -> memref<16xi32, #tpu.memory_space<vmem>>
      %dma_wait3A_162 = arith.constant 0 : i32
      %dma_wait3A_163 = arith.constant 0 : i32
      %dma_wait3A_164 = tpu.memref_slice %arg3[%dma_wait3A_162, %dma_wait3A_163] : memref<25088x256xf32, #tpu.memory_space<hbm>> -> memref<25088x256xf32, #tpu.memory_space<hbm>>
      tpu.wait_indirect_dma semaphore(%arg11 : memref<!tpu.dma_semaphore, #tpu.memory_space<semaphore_mem>>) src(%dma_wait3A_164 : memref<25088x256xf32, #tpu.memory_space<hbm>>) dst(%dma_wait3A_158 : memref<16x256xf32, #tpu.memory_space<vmem>>)
      %dma_wait3A_165 = arith.constant 3 : i32
      %dma_wait3A_166 = arith.constant 0 : i32
      %dma_wait3A_167 = arith.constant 3 : i32
      %dma_wait3A_168 = arith.constant 0 : i32
      %dma_wait3A_169 = arith.constant 0 : i32
      %dma_wait3A_170 = tpu.memref_slice %arg9[%dma_wait3A_166, %dma_wait3A_167, %dma_wait3A_168, %dma_wait3A_169] : memref<2x4x16x256xf32, #tpu.memory_space<vmem>> -> memref<1x1x16x256xf32, #tpu.memory_space<vmem>>
      %dma_wait3A_171 = tpu.memref_squeeze %dma_wait3A_170 : memref<1x1x16x256xf32, #tpu.memory_space<vmem>> -> memref<16x256xf32, #tpu.memory_space<vmem>>
      %dma_wait3A_172 = arith.constant 0 : i32
      %dma_wait3A_173 = tpu.memref_slice %arg7[%dma_wait3A_165, %mul3A_121, %dma_wait3A_172] : memref<4x128x16xi32, #tpu.memory_space<vmem>> -> memref<1x1x16xi32, #tpu.memory_space<vmem>>
      %dma_wait3A_174 = tpu.memref_squeeze %dma_wait3A_173 : memref<1x1x16xi32, #tpu.memory_space<vmem>> -> memref<16xi32, #tpu.memory_space<vmem>>
      %dma_wait3A_175 = arith.constant 0 : i32
      %dma_wait3A_176 = arith.constant 0 : i32
      %dma_wait3A_177 = tpu.memref_slice %arg3[%dma_wait3A_175, %dma_wait3A_176] : memref<25088x256xf32, #tpu.memory_space<hbm>> -> memref<25088x256xf32, #tpu.memory_space<hbm>>
      tpu.wait_indirect_dma semaphore(%arg11 : memref<!tpu.dma_semaphore, #tpu.memory_space<semaphore_mem>>) src(%dma_wait3A_177 : memref<25088x256xf32, #tpu.memory_space<hbm>>) dst(%dma_wait3A_171 : memref<16x256xf32, #tpu.memory_space<vmem>>)
      %ge3A = arith.constant 2 : i32
      %ge3A_178 = arith.cmpi sge, %mul3A_121, %ge3A : i32
      %convert_element_type3A_179 = arith.extui %ge3A_178 : i1 to i32
      %cond3A_180 = arith.constant 0 : i32
      %cond3A_181 = arith.cmpi ne, %convert_element_type3A_179, %cond3A_180 : i32
      scf.if %cond3A_181 {
        %sub3A_382 = arith.constant 2 : i32
        %sub3A_383 = arith.subi %mul3A_121, %sub3A_382 : i32
        %mul3A_384 = arith.constant 1054720 : i32
        %mul3A_385 = arith.muli %add3A, %mul3A_384 : i32
        %mul3A_386 = arith.constant 8240 : i32
        %mul3A_387 = arith.muli %sub3A_383, %mul3A_386 : i32
        %add3A_388 = arith.addi %mul3A_385, %mul3A_387 : i32
        %dma_wait3A_389 = arith.constant 0 : i32
        %dma_wait3A_390 = arith.constant 0 : i32
        %dma_wait3A_391 = tpu.memref_slice %arg10[%dma_wait3A_389, %dma_wait3A_390] : memref<2x8240xf32, #tpu.memory_space<vmem>> -> memref<1x8240xf32, #tpu.memory_space<vmem>>
        %dma_wait3A_392 = tpu.memref_squeeze %dma_wait3A_391 : memref<1x8240xf32, #tpu.memory_space<vmem>> -> memref<8240xf32, #tpu.memory_space<vmem>>
        %dma_wait3A_393 = tpu.memref_slice %arg4[%add3A_388] : memref<33751040xf32, #tpu.memory_space<hbm>> -> memref<8240xf32, #tpu.memory_space<hbm>>
        %dma_wait3A_394 = tpu.memref_slice %arg4[%add3A_388] : memref<33751040xf32, #tpu.memory_space<hbm>> -> memref<8240xf32, #tpu.memory_space<hbm>>
        %dma_wait3A_395 = arith.constant 0 : i32
        %dma_wait3A_396 = tpu.memref_slice %arg10[%dma_wait3A_389, %dma_wait3A_395] : memref<2x8240xf32, #tpu.memory_space<vmem>> -> memref<1x8240xf32, #tpu.memory_space<vmem>>
        %dma_wait3A_397 = tpu.memref_squeeze %dma_wait3A_396 : memref<1x8240xf32, #tpu.memory_space<vmem>> -> memref<8240xf32, #tpu.memory_space<vmem>>
        tpu.wait_dma2 semaphore(%arg13 : memref<!tpu.dma_semaphore, #tpu.memory_space<semaphore_mem>>) src(%dma_wait3A_397 : memref<8240xf32, #tpu.memory_space<vmem>>) dst(%dma_wait3A_394 : memref<8240xf32, #tpu.memory_space<hbm>>)
      } else {
      }
      %mul3A_182 = arith.constant 515 : i32
      %mul3A_183 = vector.broadcast %mul3A_182 : i32 to vector<16xi32>
      %mul3A_184 = arith.muli %iota3A, %mul3A_183 : vector<16xi32>
      %mul3A_185 = arith.constant 16 : i32
      %mul3A_186 = arith.muli %mul3A_121, %mul3A_185 : i32
      %get3A_187 = arith.index_cast %mul3A_186 : i32 to index
      %get3A_188 = tpu.vector_load %arg5[%get3A_187] {strides = array<i32>} : memref<6144xf32, #tpu.memory_space<vmem>>, vector<16xf32>,
      %scatter3A = arith.constant 0 : i32
      %scatter3A_189 = arith.constant 0 : i32
      %scatter3A_190 = tpu.memref_slice %arg10[%scatter3A, %scatter3A_189] : memref<2x8240xf32, #tpu.memory_space<vmem>> -> memref<1x8240xf32, #tpu.memory_space<vmem>>
      %scatter3A_191 = tpu.memref_squeeze %scatter3A_190 : memref<1x8240xf32, #tpu.memory_space<vmem>> -> memref<8240xf32, #tpu.memory_space<vmem>>
      tpu.vector_store_idx %scatter3A_191[%mul3A_184], %get3A_188 : memref<8240xf32, #tpu.memory_space<vmem>>[vector<16xi32>], vector<16xf32>,
      %mul3A_192 = arith.constant 515 : i32
      %mul3A_193 = vector.broadcast %mul3A_192 : i32 to vector<16xi32>
      %mul3A_194 = arith.muli %iota3A, %mul3A_193 : vector<16xi32>
      %add3A_195 = arith.constant 1 : i32
      %add3A_196 = vector.broadcast %add3A_195 : i32 to vector<16xi32>
      %add3A_197 = arith.addi %mul3A_194, %add3A_196 : vector<16xi32>
      %mul3A_198 = arith.constant 16 : i32
      %mul3A_199 = arith.muli %mul3A_121, %mul3A_198 : i32
      %add3A_200 = arith.constant 2048 : i32
      %add3A_201 = arith.addi %add3A_200, %mul3A_199 : i32
      %get3A_202 = arith.index_cast %add3A_201 : i32 to index
      %get3A_203 = tpu.vector_load %arg5[%get3A_202] {strides = array<i32>} : memref<6144xf32, #tpu.memory_space<vmem>>, vector<16xf32>,
      %scatter3A_204 = arith.constant 0 : i32
      %scatter3A_205 = arith.constant 0 : i32
      %scatter3A_206 = tpu.memref_slice %arg10[%scatter3A_204, %scatter3A_205] : memref<2x8240xf32, #tpu.memory_space<vmem>> -> memref<1x8240xf32, #tpu.memory_space<vmem>>
      %scatter3A_207 = tpu.memref_squeeze %scatter3A_206 : memref<1x8240xf32, #tpu.memory_space<vmem>> -> memref<8240xf32, #tpu.memory_space<vmem>>
      tpu.vector_store_idx %scatter3A_207[%add3A_197], %get3A_203 : memref<8240xf32, #tpu.memory_space<vmem>>[vector<16xi32>], vector<16xf32>,
      %mul3A_208 = arith.constant 515 : i32
      %mul3A_209 = vector.broadcast %mul3A_208 : i32 to vector<16xi32>
      %mul3A_210 = arith.muli %iota3A, %mul3A_209 : vector<16xi32>
      %add3A_211 = arith.constant 2 : i32
      %add3A_212 = vector.broadcast %add3A_211 : i32 to vector<16xi32>
      %add3A_213 = arith.addi %mul3A_210, %add3A_212 : vector<16xi32>
      %mul3A_214 = arith.constant 16 : i32
      %mul3A_215 = arith.muli %mul3A_121, %mul3A_214 : i32
      %add3A_216 = arith.constant 4096 : i32
      %add3A_217 = arith.addi %add3A_216, %mul3A_215 : i32
      %get3A_218 = arith.index_cast %add3A_217 : i32 to index
      %get3A_219 = tpu.vector_load %arg5[%get3A_218] {strides = array<i32>} : memref<6144xf32, #tpu.memory_space<vmem>>, vector<16xf32>,
      %scatter3A_220 = arith.constant 0 : i32
      %scatter3A_221 = arith.constant 0 : i32
      %scatter3A_222 = tpu.memref_slice %arg10[%scatter3A_220, %scatter3A_221] : memref<2x8240xf32, #tpu.memory_space<vmem>> -> memref<1x8240xf32, #tpu.memory_space<vmem>>
      %scatter3A_223 = tpu.memref_squeeze %scatter3A_222 : memref<1x8240xf32, #tpu.memory_space<vmem>> -> memref<8240xf32, #tpu.memory_space<vmem>>
      tpu.vector_store_idx %scatter3A_223[%add3A_213], %get3A_219 : memref<8240xf32, #tpu.memory_space<vmem>>[vector<16xi32>], vector<16xf32>,
      %broadcast_in_dim3A = vector.broadcast %mul3A_121 : i32 to vector<16xi32>
      %broadcast_in_dim3A_224 = arith.constant 0 : i32
      %broadcast_in_dim3A_225 = vector.broadcast %broadcast_in_dim3A_224 : i32 to vector<16xi32>
      %scan3A_226 = arith.constant 0 : i32
      %scan3A_227 = arith.constant 0 : i32
      %scan3A_228 = arith.constant 0 : i32
      %scan3A_229 = arith.constant 16 : i32
      %scan3A_230 = arith.addi %scan3A_228, %scan3A_229 : i32
      %scan3A_231 = arith.constant 1 : i32
      scf.for %scan3A_382 = %scan3A_228 to %scan3A_230 step %scan3A_231  : i32 {
        %broadcast_in_dim3A_383 = vector.broadcast %scan3A_382 : i32 to vector<16xi32>
        %add3A_384 = arith.constant 0 : i32
        %add3A_385 = vector.broadcast %add3A_384 : i32 to vector<16xi32>
        %add3A_386 = arith.addi %broadcast_in_dim3A_225, %add3A_385 : vector<16xi32>
        %gather3A = tpu.vector_load_idx %arg8[%add3A_386, %broadcast_in_dim3A, %broadcast_in_dim3A_383] : memref<4x128x16xf32, #tpu.memory_space<vmem>>[vector<16xi32>, vector<16xi32>, vector<16xi32>], vector<16xf32>,
        %pack3A = tpu.pack_subelements %gather3A, %gather3A {pack_format = #tpu.pack_format<interleaved>, positions = array<i32: 0, 1>} : vector<16xf32>, vector<16xf32> -> vector<32xbf16>
        %add3A_387 = arith.constant 1 : i32
        %add3A_388 = vector.broadcast %add3A_387 : i32 to vector<16xi32>
        %add3A_389 = arith.addi %broadcast_in_dim3A_225, %add3A_388 : vector<16xi32>
        %gather3A_390 = tpu.vector_load_idx %arg8[%add3A_389, %broadcast_in_dim3A, %broadcast_in_dim3A_383] : memref<4x128x16xf32, #tpu.memory_space<vmem>>[vector<16xi32>, vector<16xi32>, vector<16xi32>], vector<16xf32>,
        %pack3A_391 = tpu.pack_subelements %gather3A_390, %gather3A_390 {pack_format = #tpu.pack_format<interleaved>, positions = array<i32: 0, 1>} : vector<16xf32>, vector<16xf32> -> vector<32xbf16>
        %add3A_392 = arith.constant 2 : i32
        %add3A_393 = vector.broadcast %add3A_392 : i32 to vector<16xi32>
        %add3A_394 = arith.addi %broadcast_in_dim3A_225, %add3A_393 : vector<16xi32>
        %gather3A_395 = tpu.vector_load_idx %arg8[%add3A_394, %broadcast_in_dim3A, %broadcast_in_dim3A_383] : memref<4x128x16xf32, #tpu.memory_space<vmem>>[vector<16xi32>, vector<16xi32>, vector<16xi32>], vector<16xf32>,
        %pack3A_396 = tpu.pack_subelements %gather3A_395, %gather3A_395 {pack_format = #tpu.pack_format<interleaved>, positions = array<i32: 0, 1>} : vector<16xf32>, vector<16xf32> -> vector<32xbf16>
        %add3A_397 = arith.constant 3 : i32
        %add3A_398 = vector.broadcast %add3A_397 : i32 to vector<16xi32>
        %add3A_399 = arith.addi %broadcast_in_dim3A_225, %add3A_398 : vector<16xi32>
        %gather3A_400 = tpu.vector_load_idx %arg8[%add3A_399, %broadcast_in_dim3A, %broadcast_in_dim3A_383] : memref<4x128x16xf32, #tpu.memory_space<vmem>>[vector<16xi32>, vector<16xi32>, vector<16xi32>], vector<16xf32>,
        %pack3A_401 = tpu.pack_subelements %gather3A_400, %gather3A_400 {pack_format = #tpu.pack_format<interleaved>, positions = array<i32: 0, 1>} : vector<16xf32>, vector<16xf32> -> vector<32xbf16>
        %mul3A_402 = arith.constant 515 : i32
        %mul3A_403 = arith.muli %scan3A_382, %mul3A_402 : i32
        %add3A_404 = arith.constant 3 : i32
        %add3A_405 = arith.addi %mul3A_403, %add3A_404 : i32
        %broadcast_in_dim3A_406 = vector.broadcast %add3A_405 : i32 to vector<16xi32>
        %add3A_407 = arith.addi %broadcast_in_dim3A_406, %iota3A : vector<16xi32>
        %get3A_408 = arith.constant 0 : i32
        %get3A_409 = arith.constant 0 : i32
        %get3A_410 = arith.index_cast %get3A_408 : i32 to index
        %get3A_411 = arith.index_cast %get3A_409 : i32 to index
        %get3A_412 = arith.index_cast %scan3A_382 : i32 to index
        %get3A_413 = arith.constant 0 : index
        %get3A_414 = tpu.vector_load %arg9[%get3A_410, %get3A_411, %get3A_412, %get3A_413] {strides = array<i32>} : memref<2x4x16x256xf32, #tpu.memory_space<vmem>>, vector<16xf32>,
        %bitcast3A = vector.bitcast %get3A_414 : vector<16xf32> to vector<32xbf16>
        %get3A_415 = arith.constant 0 : i32
        %get3A_416 = arith.constant 1 : i32
        %get3A_417 = arith.index_cast %get3A_415 : i32 to index
        %get3A_418 = arith.index_cast %get3A_416 : i32 to index
        %get3A_419 = arith.index_cast %scan3A_382 : i32 to index
        %get3A_420 = arith.constant 0 : index
        %get3A_421 = tpu.vector_load %arg9[%get3A_417, %get3A_418, %get3A_419, %get3A_420] {strides = array<i32>} : memref<2x4x16x256xf32, #tpu.memory_space<vmem>>, vector<16xf32>,
        %bitcast3A_422 = vector.bitcast %get3A_421 : vector<16xf32> to vector<32xbf16>
        %get3A_423 = arith.constant 0 : i32
        %get3A_424 = arith.constant 2 : i32
        %get3A_425 = arith.index_cast %get3A_423 : i32 to index
        %get3A_426 = arith.index_cast %get3A_424 : i32 to index
        %get3A_427 = arith.index_cast %scan3A_382 : i32 to index
        %get3A_428 = arith.constant 0 : index
        %get3A_429 = tpu.vector_load %arg9[%get3A_425, %get3A_426, %get3A_427, %get3A_428] {strides = array<i32>} : memref<2x4x16x256xf32, #tpu.memory_space<vmem>>, vector<16xf32>,
        %bitcast3A_430 = vector.bitcast %get3A_429 : vector<16xf32> to vector<32xbf16>
        %get3A_431 = arith.constant 0 : i32
        %get3A_432 = arith.constant 3 : i32
        %get3A_433 = arith.index_cast %get3A_431 : i32 to index
        %get3A_434 = arith.index_cast %get3A_432 : i32 to index
        %get3A_435 = arith.index_cast %scan3A_382 : i32 to index
        %get3A_436 = arith.constant 0 : index
        %get3A_437 = tpu.vector_load %arg9[%get3A_433, %get3A_434, %get3A_435, %get3A_436] {strides = array<i32>} : memref<2x4x16x256xf32, #tpu.memory_space<vmem>>, vector<16xf32>,
        %bitcast3A_438 = vector.bitcast %get3A_437 : vector<16xf32> to vector<32xbf16>
        %get3A_439 = arith.constant 0 : i32
        %get3A_440 = arith.constant 0 : i32
        %get3A_441 = arith.index_cast %get3A_439 : i32 to index
        %get3A_442 = arith.index_cast %get3A_440 : i32 to index
        %get3A_443 = arith.index_cast %scan3A_382 : i32 to index
        %get3A_444 = arith.constant 16 : index
        %get3A_445 = tpu.vector_load %arg9[%get3A_441, %get3A_442, %get3A_443, %get3A_444] {strides = array<i32>} : memref<2x4x16x256xf32, #tpu.memory_space<vmem>>, vector<16xf32>,
        %bitcast3A_446 = vector.bitcast %get3A_445 : vector<16xf32> to vector<32xbf16>
        %get3A_447 = arith.constant 0 : i32
        %get3A_448 = arith.constant 1 : i32
        %get3A_449 = arith.index_cast %get3A_447 : i32 to index
        %get3A_450 = arith.index_cast %get3A_448 : i32 to index
        %get3A_451 = arith.index_cast %scan3A_382 : i32 to index
        %get3A_452 = arith.constant 16 : index
        %get3A_453 = tpu.vector_load %arg9[%get3A_449, %get3A_450, %get3A_451, %get3A_452] {strides = array<i32>} : memref<2x4x16x256xf32, #tpu.memory_space<vmem>>, vector<16xf32>,
        %bitcast3A_454 = vector.bitcast %get3A_453 : vector<16xf32> to vector<32xbf16>
        %get3A_455 = arith.constant 0 : i32
        %get3A_456 = arith.constant 2 : i32
        %get3A_457 = arith.index_cast %get3A_455 : i32 to index
        %get3A_458 = arith.index_cast %get3A_456 : i32 to index
        %get3A_459 = arith.index_cast %scan3A_382 : i32 to index
        %get3A_460 = arith.constant 16 : index
        %get3A_461 = tpu.vector_load %arg9[%get3A_457, %get3A_458, %get3A_459, %get3A_460] {strides = array<i32>} : memref<2x4x16x256xf32, #tpu.memory_space<vmem>>, vector<16xf32>,
        %bitcast3A_462 = vector.bitcast %get3A_461 : vector<16xf32> to vector<32xbf16>
        %get3A_463 = arith.constant 0 : i32
        %get3A_464 = arith.constant 3 : i32
        %get3A_465 = arith.index_cast %get3A_463 : i32 to index
        %get3A_466 = arith.index_cast %get3A_464 : i32 to index
        %get3A_467 = arith.index_cast %scan3A_382 : i32 to index
        %get3A_468 = arith.constant 16 : index
        %get3A_469 = tpu.vector_load %arg9[%get3A_465, %get3A_466, %get3A_467, %get3A_468] {strides = array<i32>} : memref<2x4x16x256xf32, #tpu.memory_space<vmem>>, vector<16xf32>,
        %bitcast3A_470 = vector.bitcast %get3A_469 : vector<16xf32> to vector<32xbf16>
        %get3A_471 = arith.constant 0 : i32
        %get3A_472 = arith.constant 0 : i32
        %get3A_473 = arith.index_cast %get3A_471 : i32 to index
        %get3A_474 = arith.index_cast %get3A_472 : i32 to index
        %get3A_475 = arith.index_cast %scan3A_382 : i32 to index
        %get3A_476 = arith.constant 32 : index
        %get3A_477 = tpu.vector_load %arg9[%get3A_473, %get3A_474, %get3A_475, %get3A_476] {strides = array<i32>} : memref<2x4x16x256xf32, #tpu.memory_space<vmem>>, vector<16xf32>,
        %bitcast3A_478 = vector.bitcast %get3A_477 : vector<16xf32> to vector<32xbf16>
        %get3A_479 = arith.constant 0 : i32
        %get3A_480 = arith.constant 1 : i32
        %get3A_481 = arith.index_cast %get3A_479 : i32 to index
        %get3A_482 = arith.index_cast %get3A_480 : i32 to index
        %get3A_483 = arith.index_cast %scan3A_382 : i32 to index
        %get3A_484 = arith.constant 32 : index
        %get3A_485 = tpu.vector_load %arg9[%get3A_481, %get3A_482, %get3A_483, %get3A_484] {strides = array<i32>} : memref<2x4x16x256xf32, #tpu.memory_space<vmem>>, vector<16xf32>,
        %bitcast3A_486 = vector.bitcast %get3A_485 : vector<16xf32> to vector<32xbf16>
        %get3A_487 = arith.constant 0 : i32
        %get3A_488 = arith.constant 2 : i32
        %get3A_489 = arith.index_cast %get3A_487 : i32 to index
        %get3A_490 = arith.index_cast %get3A_488 : i32 to index
        %get3A_491 = arith.index_cast %scan3A_382 : i32 to index
        %get3A_492 = arith.constant 32 : index
        %get3A_493 = tpu.vector_load %arg9[%get3A_489, %get3A_490, %get3A_491, %get3A_492] {strides = array<i32>} : memref<2x4x16x256xf32, #tpu.memory_space<vmem>>, vector<16xf32>,
        %bitcast3A_494 = vector.bitcast %get3A_493 : vector<16xf32> to vector<32xbf16>
        %get3A_495 = arith.constant 0 : i32
        %get3A_496 = arith.constant 3 : i32
        %get3A_497 = arith.index_cast %get3A_495 : i32 to index
        %get3A_498 = arith.index_cast %get3A_496 : i32 to index
        %get3A_499 = arith.index_cast %scan3A_382 : i32 to index
        %get3A_500 = arith.constant 32 : index
        %get3A_501 = tpu.vector_load %arg9[%get3A_497, %get3A_498, %get3A_499, %get3A_500] {strides = array<i32>} : memref<2x4x16x256xf32, #tpu.memory_space<vmem>>, vector<16xf32>,
        %bitcast3A_502 = vector.bitcast %get3A_501 : vector<16xf32> to vector<32xbf16>
        %get3A_503 = arith.constant 0 : i32
        %get3A_504 = arith.constant 0 : i32
        %get3A_505 = arith.index_cast %get3A_503 : i32 to index
        %get3A_506 = arith.index_cast %get3A_504 : i32 to index
        %get3A_507 = arith.index_cast %scan3A_382 : i32 to index
        %get3A_508 = arith.constant 48 : index
        %get3A_509 = tpu.vector_load %arg9[%get3A_505, %get3A_506, %get3A_507, %get3A_508] {strides = array<i32>} : memref<2x4x16x256xf32, #tpu.memory_space<vmem>>, vector<16xf32>,
        %bitcast3A_510 = vector.bitcast %get3A_509 : vector<16xf32> to vector<32xbf16>
        %get3A_511 = arith.constant 0 : i32
        %get3A_512 = arith.constant 1 : i32
        %get3A_513 = arith.index_cast %get3A_511 : i32 to index
        %get3A_514 = arith.index_cast %get3A_512 : i32 to index
        %get3A_515 = arith.index_cast %scan3A_382 : i32 to index
        %get3A_516 = arith.constant 48 : index
        %get3A_517 = tpu.vector_load %arg9[%get3A_513, %get3A_514, %get3A_515, %get3A_516] {strides = array<i32>} : memref<2x4x16x256xf32, #tpu.memory_space<vmem>>, vector<16xf32>,
        %bitcast3A_518 = vector.bitcast %get3A_517 : vector<16xf32> to vector<32xbf16>
        %get3A_519 = arith.constant 0 : i32
        %get3A_520 = arith.constant 2 : i32
        %get3A_521 = arith.index_cast %get3A_519 : i32 to index
        %get3A_522 = arith.index_cast %get3A_520 : i32 to index
        %get3A_523 = arith.index_cast %scan3A_382 : i32 to index
        %get3A_524 = arith.constant 48 : index
        %get3A_525 = tpu.vector_load %arg9[%get3A_521, %get3A_522, %get3A_523, %get3A_524] {strides = array<i32>} : memref<2x4x16x256xf32, #tpu.memory_space<vmem>>, vector<16xf32>,
        %bitcast3A_526 = vector.bitcast %get3A_525 : vector<16xf32> to vector<32xbf16>
        %get3A_527 = arith.constant 0 : i32
        %get3A_528 = arith.constant 3 : i32
        %get3A_529 = arith.index_cast %get3A_527 : i32 to index
        %get3A_530 = arith.index_cast %get3A_528 : i32 to index
        %get3A_531 = arith.index_cast %scan3A_382 : i32 to index
        %get3A_532 = arith.constant 48 : index
        %get3A_533 = tpu.vector_load %arg9[%get3A_529, %get3A_530, %get3A_531, %get3A_532] {strides = array<i32>} : memref<2x4x16x256xf32, #tpu.memory_space<vmem>>, vector<16xf32>,
        %bitcast3A_534 = vector.bitcast %get3A_533 : vector<16xf32> to vector<32xbf16>
        %mul3A_535 = arith.mulf %bitcast3A, %pack3A : vector<32xbf16>
        %mul3A_536 = arith.mulf %bitcast3A_446, %pack3A : vector<32xbf16>
        %mul3A_537 = arith.mulf %bitcast3A_422, %pack3A_391 : vector<32xbf16>
        %mul3A_538 = arith.mulf %bitcast3A_454, %pack3A_391 : vector<32xbf16>
        %mul3A_539 = arith.mulf %bitcast3A_430, %pack3A_396 : vector<32xbf16>
        %mul3A_540 = arith.mulf %bitcast3A_462, %pack3A_396 : vector<32xbf16>
        %mul3A_541 = arith.mulf %bitcast3A_438, %pack3A_401 : vector<32xbf16>
        %mul3A_542 = arith.mulf %bitcast3A_470, %pack3A_401 : vector<32xbf16>
        %add3A_543 = arith.addf %mul3A_535, %mul3A_537 : vector<32xbf16>
        %add3A_544 = arith.addf %mul3A_536, %mul3A_538 : vector<32xbf16>
        %add3A_545 = arith.addf %mul3A_539, %mul3A_541 : vector<32xbf16>
        %add3A_546 = arith.addf %mul3A_540, %mul3A_542 : vector<32xbf16>
        %add3A_547 = arith.addf %add3A_543, %add3A_545 : vector<32xbf16>
        %add3A_548 = arith.addf %add3A_544, %add3A_546 : vector<32xbf16>
        %unpack3A = tpu.unpack_subelements %add3A_547, 0 {pack_format = #tpu.pack_format<interleaved>} : vector<32xbf16> -> vector<16xf32>
        %unpack3A_549 = tpu.unpack_subelements %add3A_547, 1 {pack_format = #tpu.pack_format<interleaved>} : vector<32xbf16> -> vector<16xf32>
        %add3A_550 = arith.constant 0 : i32
        %add3A_551 = vector.broadcast %add3A_550 : i32 to vector<16xi32>
        %add3A_552 = arith.addi %add3A_407, %add3A_551 : vector<16xi32>
        %scatter3A_553 = arith.constant 0 : i32
        %scatter3A_554 = tpu.memref_slice %arg10[%scan3A_227, %scatter3A_553] : memref<2x8240xf32, #tpu.memory_space<vmem>> -> memref<1x8240xf32, #tpu.memory_space<vmem>>
        %scatter3A_555 = tpu.memref_squeeze %scatter3A_554 : memref<1x8240xf32, #tpu.memory_space<vmem>> -> memref<8240xf32, #tpu.memory_space<vmem>>
        tpu.vector_store_idx %scatter3A_555[%add3A_552], %unpack3A : memref<8240xf32, #tpu.memory_space<vmem>>[vector<16xi32>], vector<16xf32>,
        %add3A_556 = arith.constant 16 : i32
        %add3A_557 = vector.broadcast %add3A_556 : i32 to vector<16xi32>
        %add3A_558 = arith.addi %add3A_407, %add3A_557 : vector<16xi32>
        %scatter3A_559 = arith.constant 0 : i32
        %scatter3A_560 = tpu.memref_slice %arg10[%scan3A_227, %scatter3A_559] : memref<2x8240xf32, #tpu.memory_space<vmem>> -> memref<1x8240xf32, #tpu.memory_space<vmem>>
        %scatter3A_561 = tpu.memref_squeeze %scatter3A_560 : memref<1x8240xf32, #tpu.memory_space<vmem>> -> memref<8240xf32, #tpu.memory_space<vmem>>
        tpu.vector_store_idx %scatter3A_561[%add3A_558], %unpack3A_549 : memref<8240xf32, #tpu.memory_space<vmem>>[vector<16xi32>], vector<16xf32>,
        %unpack3A_562 = tpu.unpack_subelements %add3A_548, 0 {pack_format = #tpu.pack_format<interleaved>} : vector<32xbf16> -> vector<16xf32>
        %unpack3A_563 = tpu.unpack_subelements %add3A_548, 1 {pack_format = #tpu.pack_format<interleaved>} : vector<32xbf16> -> vector<16xf32>
        %add3A_564 = arith.constant 32 : i32
        %add3A_565 = vector.broadcast %add3A_564 : i32 to vector<16xi32>
        %add3A_566 = arith.addi %add3A_407, %add3A_565 : vector<16xi32>
        %scatter3A_567 = arith.constant 0 : i32
        %scatter3A_568 = tpu.memref_slice %arg10[%scan3A_227, %scatter3A_567] : memref<2x8240xf32, #tpu.memory_space<vmem>> -> memref<1x8240xf32, #tpu.memory_space<vmem>>
        %scatter3A_569 = tpu.memref_squeeze %scatter3A_568 : memref<1x8240xf32, #tpu.memory_space<vmem>> -> memref<8240xf32, #tpu.memory_space<vmem>>
        tpu.vector_store_idx %scatter3A_569[%add3A_566], %unpack3A_562 : memref<8240xf32, #tpu.memory_space<vmem>>[vector<16xi32>], vector<16xf32>,
        %add3A_570 = arith.constant 48 : i32
        %add3A_571 = vector.broadcast %add3A_570 : i32 to vector<16xi32>
        %add3A_572 = arith.addi %add3A_407, %add3A_571 : vector<16xi32>
        %scatter3A_573 = arith.constant 0 : i32
        %scatter3A_574 = tpu.memref_slice %arg10[%scan3A_227, %scatter3A_573] : memref<2x8240xf32, #tpu.memory_space<vmem>> -> memref<1x8240xf32, #tpu.memory_space<vmem>>
        %scatter3A_575 = tpu.memref_squeeze %scatter3A_574 : memref<1x8240xf32, #tpu.memory_space<vmem>> -> memref<8240xf32, #tpu.memory_space<vmem>>
        tpu.vector_store_idx %scatter3A_575[%add3A_572], %unpack3A_563 : memref<8240xf32, #tpu.memory_space<vmem>>[vector<16xi32>], vector<16xf32>,
        %get3A_576 = arith.constant 0 : i32
        %get3A_577 = arith.constant 0 : i32
        %get3A_578 = arith.index_cast %get3A_576 : i32 to index
        %get3A_579 = arith.index_cast %get3A_577 : i32 to index
        %get3A_580 = arith.index_cast %scan3A_382 : i32 to index
        %get3A_581 = arith.constant 64 : index
        %get3A_582 = tpu.vector_load %arg9[%get3A_578, %get3A_579, %get3A_580, %get3A_581] {strides = array<i32>} : memref<2x4x16x256xf32, #tpu.memory_space<vmem>>, vector<16xf32>,
        %bitcast3A_583 = vector.bitcast %get3A_582 : vector<16xf32> to vector<32xbf16>
        %get3A_584 = arith.constant 0 : i32
        %get3A_585 = arith.constant 1 : i32
        %get3A_586 = arith.index_cast %get3A_584 : i32 to index
        %get3A_587 = arith.index_cast %get3A_585 : i32 to index
        %get3A_588 = arith.index_cast %scan3A_382 : i32 to index
        %get3A_589 = arith.constant 64 : index
        %get3A_590 = tpu.vector_load %arg9[%get3A_586, %get3A_587, %get3A_588, %get3A_589] {strides = array<i32>} : memref<2x4x16x256xf32, #tpu.memory_space<vmem>>, vector<16xf32>,
        %bitcast3A_591 = vector.bitcast %get3A_590 : vector<16xf32> to vector<32xbf16>
        %get3A_592 = arith.constant 0 : i32
        %get3A_593 = arith.constant 2 : i32
        %get3A_594 = arith.index_cast %get3A_592 : i32 to index
        %get3A_595 = arith.index_cast %get3A_593 : i32 to index
        %get3A_596 = arith.index_cast %scan3A_382 : i32 to index
        %get3A_597 = arith.constant 64 : index
        %get3A_598 = tpu.vector_load %arg9[%get3A_594, %get3A_595, %get3A_596, %get3A_597] {strides = array<i32>} : memref<2x4x16x256xf32, #tpu.memory_space<vmem>>, vector<16xf32>,
        %bitcast3A_599 = vector.bitcast %get3A_598 : vector<16xf32> to vector<32xbf16>
        %get3A_600 = arith.constant 0 : i32
        %get3A_601 = arith.constant 3 : i32
        %get3A_602 = arith.index_cast %get3A_600 : i32 to index
        %get3A_603 = arith.index_cast %get3A_601 : i32 to index
        %get3A_604 = arith.index_cast %scan3A_382 : i32 to index
        %get3A_605 = arith.constant 64 : index
        %get3A_606 = tpu.vector_load %arg9[%get3A_602, %get3A_603, %get3A_604, %get3A_605] {strides = array<i32>} : memref<2x4x16x256xf32, #tpu.memory_space<vmem>>, vector<16xf32>,
        %bitcast3A_607 = vector.bitcast %get3A_606 : vector<16xf32> to vector<32xbf16>
        %get3A_608 = arith.constant 0 : i32
        %get3A_609 = arith.constant 0 : i32
        %get3A_610 = arith.index_cast %get3A_608 : i32 to index
        %get3A_611 = arith.index_cast %get3A_609 : i32 to index
        %get3A_612 = arith.index_cast %scan3A_382 : i32 to index
        %get3A_613 = arith.constant 80 : index
        %get3A_614 = tpu.vector_load %arg9[%get3A_610, %get3A_611, %get3A_612, %get3A_613] {strides = array<i32>} : memref<2x4x16x256xf32, #tpu.memory_space<vmem>>, vector<16xf32>,
        %bitcast3A_615 = vector.bitcast %get3A_614 : vector<16xf32> to vector<32xbf16>
        %get3A_616 = arith.constant 0 : i32
        %get3A_617 = arith.constant 1 : i32
        %get3A_618 = arith.index_cast %get3A_616 : i32 to index
        %get3A_619 = arith.index_cast %get3A_617 : i32 to index
        %get3A_620 = arith.index_cast %scan3A_382 : i32 to index
        %get3A_621 = arith.constant 80 : index
        %get3A_622 = tpu.vector_load %arg9[%get3A_618, %get3A_619, %get3A_620, %get3A_621] {strides = array<i32>} : memref<2x4x16x256xf32, #tpu.memory_space<vmem>>, vector<16xf32>,
        %bitcast3A_623 = vector.bitcast %get3A_622 : vector<16xf32> to vector<32xbf16>
        %get3A_624 = arith.constant 0 : i32
        %get3A_625 = arith.constant 2 : i32
        %get3A_626 = arith.index_cast %get3A_624 : i32 to index
        %get3A_627 = arith.index_cast %get3A_625 : i32 to index
        %get3A_628 = arith.index_cast %scan3A_382 : i32 to index
        %get3A_629 = arith.constant 80 : index
        %get3A_630 = tpu.vector_load %arg9[%get3A_626, %get3A_627, %get3A_628, %get3A_629] {strides = array<i32>} : memref<2x4x16x256xf32, #tpu.memory_space<vmem>>, vector<16xf32>,
        %bitcast3A_631 = vector.bitcast %get3A_630 : vector<16xf32> to vector<32xbf16>
        %get3A_632 = arith.constant 0 : i32
        %get3A_633 = arith.constant 3 : i32
        %get3A_634 = arith.index_cast %get3A_632 : i32 to index
        %get3A_635 = arith.index_cast %get3A_633 : i32 to index
        %get3A_636 = arith.index_cast %scan3A_382 : i32 to index
        %get3A_637 = arith.constant 80 : index
        %get3A_638 = tpu.vector_load %arg9[%get3A_634, %get3A_635, %get3A_636, %get3A_637] {strides = array<i32>} : memref<2x4x16x256xf32, #tpu.memory_space<vmem>>, vector<16xf32>,
        %bitcast3A_639 = vector.bitcast %get3A_638 : vector<16xf32> to vector<32xbf16>
        %mul3A_640 = arith.mulf %bitcast3A_478, %pack3A : vector<32xbf16>
        %mul3A_641 = arith.mulf %bitcast3A_510, %pack3A : vector<32xbf16>
        %mul3A_642 = arith.mulf %bitcast3A_486, %pack3A_391 : vector<32xbf16>
        %mul3A_643 = arith.mulf %bitcast3A_518, %pack3A_391 : vector<32xbf16>
        %mul3A_644 = arith.mulf %bitcast3A_494, %pack3A_396 : vector<32xbf16>
        %mul3A_645 = arith.mulf %bitcast3A_526, %pack3A_396 : vector<32xbf16>
        %mul3A_646 = arith.mulf %bitcast3A_502, %pack3A_401 : vector<32xbf16>
        %mul3A_647 = arith.mulf %bitcast3A_534, %pack3A_401 : vector<32xbf16>
        %add3A_648 = arith.addf %mul3A_640, %mul3A_642 : vector<32xbf16>
        %add3A_649 = arith.addf %mul3A_641, %mul3A_643 : vector<32xbf16>
        %add3A_650 = arith.addf %mul3A_644, %mul3A_646 : vector<32xbf16>
        %add3A_651 = arith.addf %mul3A_645, %mul3A_647 : vector<32xbf16>
        %add3A_652 = arith.addf %add3A_648, %add3A_650 : vector<32xbf16>
        %add3A_653 = arith.addf %add3A_649, %add3A_651 : vector<32xbf16>
        %unpack3A_654 = tpu.unpack_subelements %add3A_652, 0 {pack_format = #tpu.pack_format<interleaved>} : vector<32xbf16> -> vector<16xf32>
        %unpack3A_655 = tpu.unpack_subelements %add3A_652, 1 {pack_format = #tpu.pack_format<interleaved>} : vector<32xbf16> -> vector<16xf32>
        %add3A_656 = arith.constant 64 : i32
        %add3A_657 = vector.broadcast %add3A_656 : i32 to vector<16xi32>
        %add3A_658 = arith.addi %add3A_407, %add3A_657 : vector<16xi32>
        %scatter3A_659 = arith.constant 0 : i32
        %scatter3A_660 = tpu.memref_slice %arg10[%scan3A_227, %scatter3A_659] : memref<2x8240xf32, #tpu.memory_space<vmem>> -> memref<1x8240xf32, #tpu.memory_space<vmem>>
        %scatter3A_661 = tpu.memref_squeeze %scatter3A_660 : memref<1x8240xf32, #tpu.memory_space<vmem>> -> memref<8240xf32, #tpu.memory_space<vmem>>
        tpu.vector_store_idx %scatter3A_661[%add3A_658], %unpack3A_654 : memref<8240xf32, #tpu.memory_space<vmem>>[vector<16xi32>], vector<16xf32>,
        %add3A_662 = arith.constant 80 : i32
        %add3A_663 = vector.broadcast %add3A_662 : i32 to vector<16xi32>
        %add3A_664 = arith.addi %add3A_407, %add3A_663 : vector<16xi32>
        %scatter3A_665 = arith.constant 0 : i32
        %scatter3A_666 = tpu.memref_slice %arg10[%scan3A_227, %scatter3A_665] : memref<2x8240xf32, #tpu.memory_space<vmem>> -> memref<1x8240xf32, #tpu.memory_space<vmem>>
        %scatter3A_667 = tpu.memref_squeeze %scatter3A_666 : memref<1x8240xf32, #tpu.memory_space<vmem>> -> memref<8240xf32, #tpu.memory_space<vmem>>
        tpu.vector_store_idx %scatter3A_667[%add3A_664], %unpack3A_655 : memref<8240xf32, #tpu.memory_space<vmem>>[vector<16xi32>], vector<16xf32>,
        %unpack3A_668 = tpu.unpack_subelements %add3A_653, 0 {pack_format = #tpu.pack_format<interleaved>} : vector<32xbf16> -> vector<16xf32>
        %unpack3A_669 = tpu.unpack_subelements %add3A_653, 1 {pack_format = #tpu.pack_format<interleaved>} : vector<32xbf16> -> vector<16xf32>
        %add3A_670 = arith.constant 96 : i32
        %add3A_671 = vector.broadcast %add3A_670 : i32 to vector<16xi32>
        %add3A_672 = arith.addi %add3A_407, %add3A_671 : vector<16xi32>
        %scatter3A_673 = arith.constant 0 : i32
        %scatter3A_674 = tpu.memref_slice %arg10[%scan3A_227, %scatter3A_673] : memref<2x8240xf32, #tpu.memory_space<vmem>> -> memref<1x8240xf32, #tpu.memory_space<vmem>>
        %scatter3A_675 = tpu.memref_squeeze %scatter3A_674 : memref<1x8240xf32, #tpu.memory_space<vmem>> -> memref<8240xf32, #tpu.memory_space<vmem>>
        tpu.vector_store_idx %scatter3A_675[%add3A_672], %unpack3A_668 : memref<8240xf32, #tpu.memory_space<vmem>>[vector<16xi32>], vector<16xf32>,
        %add3A_676 = arith.constant 112 : i32
        %add3A_677 = vector.broadcast %add3A_676 : i32 to vector<16xi32>
        %add3A_678 = arith.addi %add3A_407, %add3A_677 : vector<16xi32>
        %scatter3A_679 = arith.constant 0 : i32
        %scatter3A_680 = tpu.memref_slice %arg10[%scan3A_227, %scatter3A_679] : memref<2x8240xf32, #tpu.memory_space<vmem>> -> memref<1x8240xf32, #tpu.memory_space<vmem>>
        %scatter3A_681 = tpu.memref_squeeze %scatter3A_680 : memref<1x8240xf32, #tpu.memory_space<vmem>> -> memref<8240xf32, #tpu.memory_space<vmem>>
        tpu.vector_store_idx %scatter3A_681[%add3A_678], %unpack3A_669 : memref<8240xf32, #tpu.memory_space<vmem>>[vector<16xi32>], vector<16xf32>,
        %get3A_682 = arith.constant 0 : i32
        %get3A_683 = arith.constant 0 : i32
        %get3A_684 = arith.index_cast %get3A_682 : i32 to index
        %get3A_685 = arith.index_cast %get3A_683 : i32 to index
        %get3A_686 = arith.index_cast %scan3A_382 : i32 to index
        %get3A_687 = arith.constant 96 : index
        %get3A_688 = tpu.vector_load %arg9[%get3A_684, %get3A_685, %get3A_686, %get3A_687] {strides = array<i32>} : memref<2x4x16x256xf32, #tpu.memory_space<vmem>>, vector<16xf32>,
        %bitcast3A_689 = vector.bitcast %get3A_688 : vector<16xf32> to vector<32xbf16>
        %get3A_690 = arith.constant 0 : i32
        %get3A_691 = arith.constant 1 : i32
        %get3A_692 = arith.index_cast %get3A_690 : i32 to index
        %get3A_693 = arith.index_cast %get3A_691 : i32 to index
        %get3A_694 = arith.index_cast %scan3A_382 : i32 to index
        %get3A_695 = arith.constant 96 : index
        %get3A_696 = tpu.vector_load %arg9[%get3A_692, %get3A_693, %get3A_694, %get3A_695] {strides = array<i32>} : memref<2x4x16x256xf32, #tpu.memory_space<vmem>>, vector<16xf32>,
        %bitcast3A_697 = vector.bitcast %get3A_696 : vector<16xf32> to vector<32xbf16>
        %get3A_698 = arith.constant 0 : i32
        %get3A_699 = arith.constant 2 : i32
        %get3A_700 = arith.index_cast %get3A_698 : i32 to index
        %get3A_701 = arith.index_cast %get3A_699 : i32 to index
        %get3A_702 = arith.index_cast %scan3A_382 : i32 to index
        %get3A_703 = arith.constant 96 : index
        %get3A_704 = tpu.vector_load %arg9[%get3A_700, %get3A_701, %get3A_702, %get3A_703] {strides = array<i32>} : memref<2x4x16x256xf32, #tpu.memory_space<vmem>>, vector<16xf32>,
        %bitcast3A_705 = vector.bitcast %get3A_704 : vector<16xf32> to vector<32xbf16>
        %get3A_706 = arith.constant 0 : i32
        %get3A_707 = arith.constant 3 : i32
        %get3A_708 = arith.index_cast %get3A_706 : i32 to index
        %get3A_709 = arith.index_cast %get3A_707 : i32 to index
        %get3A_710 = arith.index_cast %scan3A_382 : i32 to index
        %get3A_711 = arith.constant 96 : index
        %get3A_712 = tpu.vector_load %arg9[%get3A_708, %get3A_709, %get3A_710, %get3A_711] {strides = array<i32>} : memref<2x4x16x256xf32, #tpu.memory_space<vmem>>, vector<16xf32>,
        %bitcast3A_713 = vector.bitcast %get3A_712 : vector<16xf32> to vector<32xbf16>
        %get3A_714 = arith.constant 0 : i32
        %get3A_715 = arith.constant 0 : i32
        %get3A_716 = arith.index_cast %get3A_714 : i32 to index
        %get3A_717 = arith.index_cast %get3A_715 : i32 to index
        %get3A_718 = arith.index_cast %scan3A_382 : i32 to index
        %get3A_719 = arith.constant 112 : index
        %get3A_720 = tpu.vector_load %arg9[%get3A_716, %get3A_717, %get3A_718, %get3A_719] {strides = array<i32>} : memref<2x4x16x256xf32, #tpu.memory_space<vmem>>, vector<16xf32>,
        %bitcast3A_721 = vector.bitcast %get3A_720 : vector<16xf32> to vector<32xbf16>
        %get3A_722 = arith.constant 0 : i32
        %get3A_723 = arith.constant 1 : i32
        %get3A_724 = arith.index_cast %get3A_722 : i32 to index
        %get3A_725 = arith.index_cast %get3A_723 : i32 to index
        %get3A_726 = arith.index_cast %scan3A_382 : i32 to index
        %get3A_727 = arith.constant 112 : index
        %get3A_728 = tpu.vector_load %arg9[%get3A_724, %get3A_725, %get3A_726, %get3A_727] {strides = array<i32>} : memref<2x4x16x256xf32, #tpu.memory_space<vmem>>, vector<16xf32>,
        %bitcast3A_729 = vector.bitcast %get3A_728 : vector<16xf32> to vector<32xbf16>
        %get3A_730 = arith.constant 0 : i32
        %get3A_731 = arith.constant 2 : i32
        %get3A_732 = arith.index_cast %get3A_730 : i32 to index
        %get3A_733 = arith.index_cast %get3A_731 : i32 to index
        %get3A_734 = arith.index_cast %scan3A_382 : i32 to index
        %get3A_735 = arith.constant 112 : index
        %get3A_736 = tpu.vector_load %arg9[%get3A_732, %get3A_733, %get3A_734, %get3A_735] {strides = array<i32>} : memref<2x4x16x256xf32, #tpu.memory_space<vmem>>, vector<16xf32>,
        %bitcast3A_737 = vector.bitcast %get3A_736 : vector<16xf32> to vector<32xbf16>
        %get3A_738 = arith.constant 0 : i32
        %get3A_739 = arith.constant 3 : i32
        %get3A_740 = arith.index_cast %get3A_738 : i32 to index
        %get3A_741 = arith.index_cast %get3A_739 : i32 to index
        %get3A_742 = arith.index_cast %scan3A_382 : i32 to index
        %get3A_743 = arith.constant 112 : index
        %get3A_744 = tpu.vector_load %arg9[%get3A_740, %get3A_741, %get3A_742, %get3A_743] {strides = array<i32>} : memref<2x4x16x256xf32, #tpu.memory_space<vmem>>, vector<16xf32>,
        %bitcast3A_745 = vector.bitcast %get3A_744 : vector<16xf32> to vector<32xbf16>
        %mul3A_746 = arith.mulf %bitcast3A_583, %pack3A : vector<32xbf16>
        %mul3A_747 = arith.mulf %bitcast3A_615, %pack3A : vector<32xbf16>
        %mul3A_748 = arith.mulf %bitcast3A_591, %pack3A_391 : vector<32xbf16>
        %mul3A_749 = arith.mulf %bitcast3A_623, %pack3A_391 : vector<32xbf16>
        %mul3A_750 = arith.mulf %bitcast3A_599, %pack3A_396 : vector<32xbf16>
        %mul3A_751 = arith.mulf %bitcast3A_631, %pack3A_396 : vector<32xbf16>
        %mul3A_752 = arith.mulf %bitcast3A_607, %pack3A_401 : vector<32xbf16>
        %mul3A_753 = arith.mulf %bitcast3A_639, %pack3A_401 : vector<32xbf16>
        %add3A_754 = arith.addf %mul3A_746, %mul3A_748 : vector<32xbf16>
        %add3A_755 = arith.addf %mul3A_747, %mul3A_749 : vector<32xbf16>
        %add3A_756 = arith.addf %mul3A_750, %mul3A_752 : vector<32xbf16>
        %add3A_757 = arith.addf %mul3A_751, %mul3A_753 : vector<32xbf16>
        %add3A_758 = arith.addf %add3A_754, %add3A_756 : vector<32xbf16>
        %add3A_759 = arith.addf %add3A_755, %add3A_757 : vector<32xbf16>
        %unpack3A_760 = tpu.unpack_subelements %add3A_758, 0 {pack_format = #tpu.pack_format<interleaved>} : vector<32xbf16> -> vector<16xf32>
        %unpack3A_761 = tpu.unpack_subelements %add3A_758, 1 {pack_format = #tpu.pack_format<interleaved>} : vector<32xbf16> -> vector<16xf32>
        %add3A_762 = arith.constant 128 : i32
        %add3A_763 = vector.broadcast %add3A_762 : i32 to vector<16xi32>
        %add3A_764 = arith.addi %add3A_407, %add3A_763 : vector<16xi32>
        %scatter3A_765 = arith.constant 0 : i32
        %scatter3A_766 = tpu.memref_slice %arg10[%scan3A_227, %scatter3A_765] : memref<2x8240xf32, #tpu.memory_space<vmem>> -> memref<1x8240xf32, #tpu.memory_space<vmem>>
        %scatter3A_767 = tpu.memref_squeeze %scatter3A_766 : memref<1x8240xf32, #tpu.memory_space<vmem>> -> memref<8240xf32, #tpu.memory_space<vmem>>
        tpu.vector_store_idx %scatter3A_767[%add3A_764], %unpack3A_760 : memref<8240xf32, #tpu.memory_space<vmem>>[vector<16xi32>], vector<16xf32>,
        %add3A_768 = arith.constant 144 : i32
        %add3A_769 = vector.broadcast %add3A_768 : i32 to vector<16xi32>
        %add3A_770 = arith.addi %add3A_407, %add3A_769 : vector<16xi32>
        %scatter3A_771 = arith.constant 0 : i32
        %scatter3A_772 = tpu.memref_slice %arg10[%scan3A_227, %scatter3A_771] : memref<2x8240xf32, #tpu.memory_space<vmem>> -> memref<1x8240xf32, #tpu.memory_space<vmem>>
        %scatter3A_773 = tpu.memref_squeeze %scatter3A_772 : memref<1x8240xf32, #tpu.memory_space<vmem>> -> memref<8240xf32, #tpu.memory_space<vmem>>
        tpu.vector_store_idx %scatter3A_773[%add3A_770], %unpack3A_761 : memref<8240xf32, #tpu.memory_space<vmem>>[vector<16xi32>], vector<16xf32>,
        %unpack3A_774 = tpu.unpack_subelements %add3A_759, 0 {pack_format = #tpu.pack_format<interleaved>} : vector<32xbf16> -> vector<16xf32>
        %unpack3A_775 = tpu.unpack_subelements %add3A_759, 1 {pack_format = #tpu.pack_format<interleaved>} : vector<32xbf16> -> vector<16xf32>
        %add3A_776 = arith.constant 160 : i32
        %add3A_777 = vector.broadcast %add3A_776 : i32 to vector<16xi32>
        %add3A_778 = arith.addi %add3A_407, %add3A_777 : vector<16xi32>
        %scatter3A_779 = arith.constant 0 : i32
        %scatter3A_780 = tpu.memref_slice %arg10[%scan3A_227, %scatter3A_779] : memref<2x8240xf32, #tpu.memory_space<vmem>> -> memref<1x8240xf32, #tpu.memory_space<vmem>>
        %scatter3A_781 = tpu.memref_squeeze %scatter3A_780 : memref<1x8240xf32, #tpu.memory_space<vmem>> -> memref<8240xf32, #tpu.memory_space<vmem>>
        tpu.vector_store_idx %scatter3A_781[%add3A_778], %unpack3A_774 : memref<8240xf32, #tpu.memory_space<vmem>>[vector<16xi32>], vector<16xf32>,
        %add3A_782 = arith.constant 176 : i32
        %add3A_783 = vector.broadcast %add3A_782 : i32 to vector<16xi32>
        %add3A_784 = arith.addi %add3A_407, %add3A_783 : vector<16xi32>
        %scatter3A_785 = arith.constant 0 : i32
        %scatter3A_786 = tpu.memref_slice %arg10[%scan3A_227, %scatter3A_785] : memref<2x8240xf32, #tpu.memory_space<vmem>> -> memref<1x8240xf32, #tpu.memory_space<vmem>>
        %scatter3A_787 = tpu.memref_squeeze %scatter3A_786 : memref<1x8240xf32, #tpu.memory_space<vmem>> -> memref<8240xf32, #tpu.memory_space<vmem>>
        tpu.vector_store_idx %scatter3A_787[%add3A_784], %unpack3A_775 : memref<8240xf32, #tpu.memory_space<vmem>>[vector<16xi32>], vector<16xf32>,
        %get3A_788 = arith.constant 0 : i32
        %get3A_789 = arith.constant 0 : i32
        %get3A_790 = arith.index_cast %get3A_788 : i32 to index
        %get3A_791 = arith.index_cast %get3A_789 : i32 to index
        %get3A_792 = arith.index_cast %scan3A_382 : i32 to index
        %get3A_793 = arith.constant 128 : index
        %get3A_794 = tpu.vector_load %arg9[%get3A_790, %get3A_791, %get3A_792, %get3A_793] {strides = array<i32>} : memref<2x4x16x256xf32, #tpu.memory_space<vmem>>, vector<16xf32>,
        %bitcast3A_795 = vector.bitcast %get3A_794 : vector<16xf32> to vector<32xbf16>
        %get3A_796 = arith.constant 0 : i32
        %get3A_797 = arith.constant 1 : i32
        %get3A_798 = arith.index_cast %get3A_796 : i32 to index
        %get3A_799 = arith.index_cast %get3A_797 : i32 to index
        %get3A_800 = arith.index_cast %scan3A_382 : i32 to index
        %get3A_801 = arith.constant 128 : index
        %get3A_802 = tpu.vector_load %arg9[%get3A_798, %get3A_799, %get3A_800, %get3A_801] {strides = array<i32>} : memref<2x4x16x256xf32, #tpu.memory_space<vmem>>, vector<16xf32>,
        %bitcast3A_803 = vector.bitcast %get3A_802 : vector<16xf32> to vector<32xbf16>
        %get3A_804 = arith.constant 0 : i32
        %get3A_805 = arith.constant 2 : i32
        %get3A_806 = arith.index_cast %get3A_804 : i32 to index
        %get3A_807 = arith.index_cast %get3A_805 : i32 to index
        %get3A_808 = arith.index_cast %scan3A_382 : i32 to index
        %get3A_809 = arith.constant 128 : index
        %get3A_810 = tpu.vector_load %arg9[%get3A_806, %get3A_807, %get3A_808, %get3A_809] {strides = array<i32>} : memref<2x4x16x256xf32, #tpu.memory_space<vmem>>, vector<16xf32>,
        %bitcast3A_811 = vector.bitcast %get3A_810 : vector<16xf32> to vector<32xbf16>
        %get3A_812 = arith.constant 0 : i32
        %get3A_813 = arith.constant 3 : i32
        %get3A_814 = arith.index_cast %get3A_812 : i32 to index
        %get3A_815 = arith.index_cast %get3A_813 : i32 to index
        %get3A_816 = arith.index_cast %scan3A_382 : i32 to index
        %get3A_817 = arith.constant 128 : index
        %get3A_818 = tpu.vector_load %arg9[%get3A_814, %get3A_815, %get3A_816, %get3A_817] {strides = array<i32>} : memref<2x4x16x256xf32, #tpu.memory_space<vmem>>, vector<16xf32>,
        %bitcast3A_819 = vector.bitcast %get3A_818 : vector<16xf32> to vector<32xbf16>
        %get3A_820 = arith.constant 0 : i32
        %get3A_821 = arith.constant 0 : i32
        %get3A_822 = arith.index_cast %get3A_820 : i32 to index
        %get3A_823 = arith.index_cast %get3A_821 : i32 to index
        %get3A_824 = arith.index_cast %scan3A_382 : i32 to index
        %get3A_825 = arith.constant 144 : index
        %get3A_826 = tpu.vector_load %arg9[%get3A_822, %get3A_823, %get3A_824, %get3A_825] {strides = array<i32>} : memref<2x4x16x256xf32, #tpu.memory_space<vmem>>, vector<16xf32>,
        %bitcast3A_827 = vector.bitcast %get3A_826 : vector<16xf32> to vector<32xbf16>
        %get3A_828 = arith.constant 0 : i32
        %get3A_829 = arith.constant 1 : i32
        %get3A_830 = arith.index_cast %get3A_828 : i32 to index
        %get3A_831 = arith.index_cast %get3A_829 : i32 to index
        %get3A_832 = arith.index_cast %scan3A_382 : i32 to index
        %get3A_833 = arith.constant 144 : index
        %get3A_834 = tpu.vector_load %arg9[%get3A_830, %get3A_831, %get3A_832, %get3A_833] {strides = array<i32>} : memref<2x4x16x256xf32, #tpu.memory_space<vmem>>, vector<16xf32>,
        %bitcast3A_835 = vector.bitcast %get3A_834 : vector<16xf32> to vector<32xbf16>
        %get3A_836 = arith.constant 0 : i32
        %get3A_837 = arith.constant 2 : i32
        %get3A_838 = arith.index_cast %get3A_836 : i32 to index
        %get3A_839 = arith.index_cast %get3A_837 : i32 to index
        %get3A_840 = arith.index_cast %scan3A_382 : i32 to index
        %get3A_841 = arith.constant 144 : index
        %get3A_842 = tpu.vector_load %arg9[%get3A_838, %get3A_839, %get3A_840, %get3A_841] {strides = array<i32>} : memref<2x4x16x256xf32, #tpu.memory_space<vmem>>, vector<16xf32>,
        %bitcast3A_843 = vector.bitcast %get3A_842 : vector<16xf32> to vector<32xbf16>
        %get3A_844 = arith.constant 0 : i32
        %get3A_845 = arith.constant 3 : i32
        %get3A_846 = arith.index_cast %get3A_844 : i32 to index
        %get3A_847 = arith.index_cast %get3A_845 : i32 to index
        %get3A_848 = arith.index_cast %scan3A_382 : i32 to index
        %get3A_849 = arith.constant 144 : index
        %get3A_850 = tpu.vector_load %arg9[%get3A_846, %get3A_847, %get3A_848, %get3A_849] {strides = array<i32>} : memref<2x4x16x256xf32, #tpu.memory_space<vmem>>, vector<16xf32>,
        %bitcast3A_851 = vector.bitcast %get3A_850 : vector<16xf32> to vector<32xbf16>
        %mul3A_852 = arith.mulf %bitcast3A_689, %pack3A : vector<32xbf16>
        %mul3A_853 = arith.mulf %bitcast3A_721, %pack3A : vector<32xbf16>
        %mul3A_854 = arith.mulf %bitcast3A_697, %pack3A_391 : vector<32xbf16>
        %mul3A_855 = arith.mulf %bitcast3A_729, %pack3A_391 : vector<32xbf16>
        %mul3A_856 = arith.mulf %bitcast3A_705, %pack3A_396 : vector<32xbf16>
        %mul3A_857 = arith.mulf %bitcast3A_737, %pack3A_396 : vector<32xbf16>
        %mul3A_858 = arith.mulf %bitcast3A_713, %pack3A_401 : vector<32xbf16>
        %mul3A_859 = arith.mulf %bitcast3A_745, %pack3A_401 : vector<32xbf16>
        %add3A_860 = arith.addf %mul3A_852, %mul3A_854 : vector<32xbf16>
        %add3A_861 = arith.addf %mul3A_853, %mul3A_855 : vector<32xbf16>
        %add3A_862 = arith.addf %mul3A_856, %mul3A_858 : vector<32xbf16>
        %add3A_863 = arith.addf %mul3A_857, %mul3A_859 : vector<32xbf16>
        %add3A_864 = arith.addf %add3A_860, %add3A_862 : vector<32xbf16>
        %add3A_865 = arith.addf %add3A_861, %add3A_863 : vector<32xbf16>
        %unpack3A_866 = tpu.unpack_subelements %add3A_864, 0 {pack_format = #tpu.pack_format<interleaved>} : vector<32xbf16> -> vector<16xf32>
        %unpack3A_867 = tpu.unpack_subelements %add3A_864, 1 {pack_format = #tpu.pack_format<interleaved>} : vector<32xbf16> -> vector<16xf32>
        %add3A_868 = arith.constant 192 : i32
        %add3A_869 = vector.broadcast %add3A_868 : i32 to vector<16xi32>
        %add3A_870 = arith.addi %add3A_407, %add3A_869 : vector<16xi32>
        %scatter3A_871 = arith.constant 0 : i32
        %scatter3A_872 = tpu.memref_slice %arg10[%scan3A_227, %scatter3A_871] : memref<2x8240xf32, #tpu.memory_space<vmem>> -> memref<1x8240xf32, #tpu.memory_space<vmem>>
        %scatter3A_873 = tpu.memref_squeeze %scatter3A_872 : memref<1x8240xf32, #tpu.memory_space<vmem>> -> memref<8240xf32, #tpu.memory_space<vmem>>
        tpu.vector_store_idx %scatter3A_873[%add3A_870], %unpack3A_866 : memref<8240xf32, #tpu.memory_space<vmem>>[vector<16xi32>], vector<16xf32>,
        %add3A_874 = arith.constant 208 : i32
        %add3A_875 = vector.broadcast %add3A_874 : i32 to vector<16xi32>
        %add3A_876 = arith.addi %add3A_407, %add3A_875 : vector<16xi32>
        %scatter3A_877 = arith.constant 0 : i32
        %scatter3A_878 = tpu.memref_slice %arg10[%scan3A_227, %scatter3A_877] : memref<2x8240xf32, #tpu.memory_space<vmem>> -> memref<1x8240xf32, #tpu.memory_space<vmem>>
        %scatter3A_879 = tpu.memref_squeeze %scatter3A_878 : memref<1x8240xf32, #tpu.memory_space<vmem>> -> memref<8240xf32, #tpu.memory_space<vmem>>
        tpu.vector_store_idx %scatter3A_879[%add3A_876], %unpack3A_867 : memref<8240xf32, #tpu.memory_space<vmem>>[vector<16xi32>], vector<16xf32>,
        %unpack3A_880 = tpu.unpack_subelements %add3A_865, 0 {pack_format = #tpu.pack_format<interleaved>} : vector<32xbf16> -> vector<16xf32>
        %unpack3A_881 = tpu.unpack_subelements %add3A_865, 1 {pack_format = #tpu.pack_format<interleaved>} : vector<32xbf16> -> vector<16xf32>
        %add3A_882 = arith.constant 224 : i32
        %add3A_883 = vector.broadcast %add3A_882 : i32 to vector<16xi32>
        %add3A_884 = arith.addi %add3A_407, %add3A_883 : vector<16xi32>
        %scatter3A_885 = arith.constant 0 : i32
        %scatter3A_886 = tpu.memref_slice %arg10[%scan3A_227, %scatter3A_885] : memref<2x8240xf32, #tpu.memory_space<vmem>> -> memref<1x8240xf32, #tpu.memory_space<vmem>>
        %scatter3A_887 = tpu.memref_squeeze %scatter3A_886 : memref<1x8240xf32, #tpu.memory_space<vmem>> -> memref<8240xf32, #tpu.memory_space<vmem>>
        tpu.vector_store_idx %scatter3A_887[%add3A_884], %unpack3A_880 : memref<8240xf32, #tpu.memory_space<vmem>>[vector<16xi32>], vector<16xf32>,
        %add3A_888 = arith.constant 240 : i32
        %add3A_889 = vector.broadcast %add3A_888 : i32 to vector<16xi32>
        %add3A_890 = arith.addi %add3A_407, %add3A_889 : vector<16xi32>
        %scatter3A_891 = arith.constant 0 : i32
        %scatter3A_892 = tpu.memref_slice %arg10[%scan3A_227, %scatter3A_891] : memref<2x8240xf32, #tpu.memory_space<vmem>> -> memref<1x8240xf32, #tpu.memory_space<vmem>>
        %scatter3A_893 = tpu.memref_squeeze %scatter3A_892 : memref<1x8240xf32, #tpu.memory_space<vmem>> -> memref<8240xf32, #tpu.memory_space<vmem>>
        tpu.vector_store_idx %scatter3A_893[%add3A_890], %unpack3A_881 : memref<8240xf32, #tpu.memory_space<vmem>>[vector<16xi32>], vector<16xf32>,
        %get3A_894 = arith.constant 0 : i32
        %get3A_895 = arith.constant 0 : i32
        %get3A_896 = arith.index_cast %get3A_894 : i32 to index
        %get3A_897 = arith.index_cast %get3A_895 : i32 to index
        %get3A_898 = arith.index_cast %scan3A_382 : i32 to index
        %get3A_899 = arith.constant 160 : index
        %get3A_900 = tpu.vector_load %arg9[%get3A_896, %get3A_897, %get3A_898, %get3A_899] {strides = array<i32>} : memref<2x4x16x256xf32, #tpu.memory_space<vmem>>, vector<16xf32>,
        %bitcast3A_901 = vector.bitcast %get3A_900 : vector<16xf32> to vector<32xbf16>
        %get3A_902 = arith.constant 0 : i32
        %get3A_903 = arith.constant 1 : i32
        %get3A_904 = arith.index_cast %get3A_902 : i32 to index
        %get3A_905 = arith.index_cast %get3A_903 : i32 to index
        %get3A_906 = arith.index_cast %scan3A_382 : i32 to index
        %get3A_907 = arith.constant 160 : index
        %get3A_908 = tpu.vector_load %arg9[%get3A_904, %get3A_905, %get3A_906, %get3A_907] {strides = array<i32>} : memref<2x4x16x256xf32, #tpu.memory_space<vmem>>, vector<16xf32>,
        %bitcast3A_909 = vector.bitcast %get3A_908 : vector<16xf32> to vector<32xbf16>
        %get3A_910 = arith.constant 0 : i32
        %get3A_911 = arith.constant 2 : i32
        %get3A_912 = arith.index_cast %get3A_910 : i32 to index
        %get3A_913 = arith.index_cast %get3A_911 : i32 to index
        %get3A_914 = arith.index_cast %scan3A_382 : i32 to index
        %get3A_915 = arith.constant 160 : index
        %get3A_916 = tpu.vector_load %arg9[%get3A_912, %get3A_913, %get3A_914, %get3A_915] {strides = array<i32>} : memref<2x4x16x256xf32, #tpu.memory_space<vmem>>, vector<16xf32>,
        %bitcast3A_917 = vector.bitcast %get3A_916 : vector<16xf32> to vector<32xbf16>
        %get3A_918 = arith.constant 0 : i32
        %get3A_919 = arith.constant 3 : i32
        %get3A_920 = arith.index_cast %get3A_918 : i32 to index
        %get3A_921 = arith.index_cast %get3A_919 : i32 to index
        %get3A_922 = arith.index_cast %scan3A_382 : i32 to index
        %get3A_923 = arith.constant 160 : index
        %get3A_924 = tpu.vector_load %arg9[%get3A_920, %get3A_921, %get3A_922, %get3A_923] {strides = array<i32>} : memref<2x4x16x256xf32, #tpu.memory_space<vmem>>, vector<16xf32>,
        %bitcast3A_925 = vector.bitcast %get3A_924 : vector<16xf32> to vector<32xbf16>
        %get3A_926 = arith.constant 0 : i32
        %get3A_927 = arith.constant 0 : i32
        %get3A_928 = arith.index_cast %get3A_926 : i32 to index
        %get3A_929 = arith.index_cast %get3A_927 : i32 to index
        %get3A_930 = arith.index_cast %scan3A_382 : i32 to index
        %get3A_931 = arith.constant 176 : index
        %get3A_932 = tpu.vector_load %arg9[%get3A_928, %get3A_929, %get3A_930, %get3A_931] {strides = array<i32>} : memref<2x4x16x256xf32, #tpu.memory_space<vmem>>, vector<16xf32>,
        %bitcast3A_933 = vector.bitcast %get3A_932 : vector<16xf32> to vector<32xbf16>
        %get3A_934 = arith.constant 0 : i32
        %get3A_935 = arith.constant 1 : i32
        %get3A_936 = arith.index_cast %get3A_934 : i32 to index
        %get3A_937 = arith.index_cast %get3A_935 : i32 to index
        %get3A_938 = arith.index_cast %scan3A_382 : i32 to index
        %get3A_939 = arith.constant 176 : index
        %get3A_940 = tpu.vector_load %arg9[%get3A_936, %get3A_937, %get3A_938, %get3A_939] {strides = array<i32>} : memref<2x4x16x256xf32, #tpu.memory_space<vmem>>, vector<16xf32>,
        %bitcast3A_941 = vector.bitcast %get3A_940 : vector<16xf32> to vector<32xbf16>
        %get3A_942 = arith.constant 0 : i32
        %get3A_943 = arith.constant 2 : i32
        %get3A_944 = arith.index_cast %get3A_942 : i32 to index
        %get3A_945 = arith.index_cast %get3A_943 : i32 to index
        %get3A_946 = arith.index_cast %scan3A_382 : i32 to index
        %get3A_947 = arith.constant 176 : index
        %get3A_948 = tpu.vector_load %arg9[%get3A_944, %get3A_945, %get3A_946, %get3A_947] {strides = array<i32>} : memref<2x4x16x256xf32, #tpu.memory_space<vmem>>, vector<16xf32>,
        %bitcast3A_949 = vector.bitcast %get3A_948 : vector<16xf32> to vector<32xbf16>
        %get3A_950 = arith.constant 0 : i32
        %get3A_951 = arith.constant 3 : i32
        %get3A_952 = arith.index_cast %get3A_950 : i32 to index
        %get3A_953 = arith.index_cast %get3A_951 : i32 to index
        %get3A_954 = arith.index_cast %scan3A_382 : i32 to index
        %get3A_955 = arith.constant 176 : index
        %get3A_956 = tpu.vector_load %arg9[%get3A_952, %get3A_953, %get3A_954, %get3A_955] {strides = array<i32>} : memref<2x4x16x256xf32, #tpu.memory_space<vmem>>, vector<16xf32>,
        %bitcast3A_957 = vector.bitcast %get3A_956 : vector<16xf32> to vector<32xbf16>
        %mul3A_958 = arith.mulf %bitcast3A_795, %pack3A : vector<32xbf16>
        %mul3A_959 = arith.mulf %bitcast3A_827, %pack3A : vector<32xbf16>
        %mul3A_960 = arith.mulf %bitcast3A_803, %pack3A_391 : vector<32xbf16>
        %mul3A_961 = arith.mulf %bitcast3A_835, %pack3A_391 : vector<32xbf16>
        %mul3A_962 = arith.mulf %bitcast3A_811, %pack3A_396 : vector<32xbf16>
        %mul3A_963 = arith.mulf %bitcast3A_843, %pack3A_396 : vector<32xbf16>
        %mul3A_964 = arith.mulf %bitcast3A_819, %pack3A_401 : vector<32xbf16>
        %mul3A_965 = arith.mulf %bitcast3A_851, %pack3A_401 : vector<32xbf16>
        %add3A_966 = arith.addf %mul3A_958, %mul3A_960 : vector<32xbf16>
        %add3A_967 = arith.addf %mul3A_959, %mul3A_961 : vector<32xbf16>
        %add3A_968 = arith.addf %mul3A_962, %mul3A_964 : vector<32xbf16>
        %add3A_969 = arith.addf %mul3A_963, %mul3A_965 : vector<32xbf16>
        %add3A_970 = arith.addf %add3A_966, %add3A_968 : vector<32xbf16>
        %add3A_971 = arith.addf %add3A_967, %add3A_969 : vector<32xbf16>
        %unpack3A_972 = tpu.unpack_subelements %add3A_970, 0 {pack_format = #tpu.pack_format<interleaved>} : vector<32xbf16> -> vector<16xf32>
        %unpack3A_973 = tpu.unpack_subelements %add3A_970, 1 {pack_format = #tpu.pack_format<interleaved>} : vector<32xbf16> -> vector<16xf32>
        %add3A_974 = arith.constant 256 : i32
        %add3A_975 = vector.broadcast %add3A_974 : i32 to vector<16xi32>
        %add3A_976 = arith.addi %add3A_407, %add3A_975 : vector<16xi32>
        %scatter3A_977 = arith.constant 0 : i32
        %scatter3A_978 = tpu.memref_slice %arg10[%scan3A_227, %scatter3A_977] : memref<2x8240xf32, #tpu.memory_space<vmem>> -> memref<1x8240xf32, #tpu.memory_space<vmem>>
        %scatter3A_979 = tpu.memref_squeeze %scatter3A_978 : memref<1x8240xf32, #tpu.memory_space<vmem>> -> memref<8240xf32, #tpu.memory_space<vmem>>
        tpu.vector_store_idx %scatter3A_979[%add3A_976], %unpack3A_972 : memref<8240xf32, #tpu.memory_space<vmem>>[vector<16xi32>], vector<16xf32>,
        %add3A_980 = arith.constant 272 : i32
        %add3A_981 = vector.broadcast %add3A_980 : i32 to vector<16xi32>
        %add3A_982 = arith.addi %add3A_407, %add3A_981 : vector<16xi32>
        %scatter3A_983 = arith.constant 0 : i32
        %scatter3A_984 = tpu.memref_slice %arg10[%scan3A_227, %scatter3A_983] : memref<2x8240xf32, #tpu.memory_space<vmem>> -> memref<1x8240xf32, #tpu.memory_space<vmem>>
        %scatter3A_985 = tpu.memref_squeeze %scatter3A_984 : memref<1x8240xf32, #tpu.memory_space<vmem>> -> memref<8240xf32, #tpu.memory_space<vmem>>
        tpu.vector_store_idx %scatter3A_985[%add3A_982], %unpack3A_973 : memref<8240xf32, #tpu.memory_space<vmem>>[vector<16xi32>], vector<16xf32>,
        %unpack3A_986 = tpu.unpack_subelements %add3A_971, 0 {pack_format = #tpu.pack_format<interleaved>} : vector<32xbf16> -> vector<16xf32>
        %unpack3A_987 = tpu.unpack_subelements %add3A_971, 1 {pack_format = #tpu.pack_format<interleaved>} : vector<32xbf16> -> vector<16xf32>
        %add3A_988 = arith.constant 288 : i32
        %add3A_989 = vector.broadcast %add3A_988 : i32 to vector<16xi32>
        %add3A_990 = arith.addi %add3A_407, %add3A_989 : vector<16xi32>
        %scatter3A_991 = arith.constant 0 : i32
        %scatter3A_992 = tpu.memref_slice %arg10[%scan3A_227, %scatter3A_991] : memref<2x8240xf32, #tpu.memory_space<vmem>> -> memref<1x8240xf32, #tpu.memory_space<vmem>>
        %scatter3A_993 = tpu.memref_squeeze %scatter3A_992 : memref<1x8240xf32, #tpu.memory_space<vmem>> -> memref<8240xf32, #tpu.memory_space<vmem>>
        tpu.vector_store_idx %scatter3A_993[%add3A_990], %unpack3A_986 : memref<8240xf32, #tpu.memory_space<vmem>>[vector<16xi32>], vector<16xf32>,
        %add3A_994 = arith.constant 304 : i32
        %add3A_995 = vector.broadcast %add3A_994 : i32 to vector<16xi32>
        %add3A_996 = arith.addi %add3A_407, %add3A_995 : vector<16xi32>
        %scatter3A_997 = arith.constant 0 : i32
        %scatter3A_998 = tpu.memref_slice %arg10[%scan3A_227, %scatter3A_997] : memref<2x8240xf32, #tpu.memory_space<vmem>> -> memref<1x8240xf32, #tpu.memory_space<vmem>>
        %scatter3A_999 = tpu.memref_squeeze %scatter3A_998 : memref<1x8240xf32, #tpu.memory_space<vmem>> -> memref<8240xf32, #tpu.memory_space<vmem>>
        tpu.vector_store_idx %scatter3A_999[%add3A_996], %unpack3A_987 : memref<8240xf32, #tpu.memory_space<vmem>>[vector<16xi32>], vector<16xf32>,
        %get3A_1000 = arith.constant 0 : i32
        %get3A_1001 = arith.constant 0 : i32
        %get3A_1002 = arith.index_cast %get3A_1000 : i32 to index
        %get3A_1003 = arith.index_cast %get3A_1001 : i32 to index
        %get3A_1004 = arith.index_cast %scan3A_382 : i32 to index
        %get3A_1005 = arith.constant 192 : index
        %get3A_1006 = tpu.vector_load %arg9[%get3A_1002, %get3A_1003, %get3A_1004, %get3A_1005] {strides = array<i32>} : memref<2x4x16x256xf32, #tpu.memory_space<vmem>>, vector<16xf32>,
        %bitcast3A_1007 = vector.bitcast %get3A_1006 : vector<16xf32> to vector<32xbf16>
        %get3A_1008 = arith.constant 0 : i32
        %get3A_1009 = arith.constant 1 : i32
        %get3A_1010 = arith.index_cast %get3A_1008 : i32 to index
        %get3A_1011 = arith.index_cast %get3A_1009 : i32 to index
        %get3A_1012 = arith.index_cast %scan3A_382 : i32 to index
        %get3A_1013 = arith.constant 192 : index
        %get3A_1014 = tpu.vector_load %arg9[%get3A_1010, %get3A_1011, %get3A_1012, %get3A_1013] {strides = array<i32>} : memref<2x4x16x256xf32, #tpu.memory_space<vmem>>, vector<16xf32>,
        %bitcast3A_1015 = vector.bitcast %get3A_1014 : vector<16xf32> to vector<32xbf16>
        %get3A_1016 = arith.constant 0 : i32
        %get3A_1017 = arith.constant 2 : i32
        %get3A_1018 = arith.index_cast %get3A_1016 : i32 to index
        %get3A_1019 = arith.index_cast %get3A_1017 : i32 to index
        %get3A_1020 = arith.index_cast %scan3A_382 : i32 to index
        %get3A_1021 = arith.constant 192 : index
        %get3A_1022 = tpu.vector_load %arg9[%get3A_1018, %get3A_1019, %get3A_1020, %get3A_1021] {strides = array<i32>} : memref<2x4x16x256xf32, #tpu.memory_space<vmem>>, vector<16xf32>,
        %bitcast3A_1023 = vector.bitcast %get3A_1022 : vector<16xf32> to vector<32xbf16>
        %get3A_1024 = arith.constant 0 : i32
        %get3A_1025 = arith.constant 3 : i32
        %get3A_1026 = arith.index_cast %get3A_1024 : i32 to index
        %get3A_1027 = arith.index_cast %get3A_1025 : i32 to index
        %get3A_1028 = arith.index_cast %scan3A_382 : i32 to index
        %get3A_1029 = arith.constant 192 : index
        %get3A_1030 = tpu.vector_load %arg9[%get3A_1026, %get3A_1027, %get3A_1028, %get3A_1029] {strides = array<i32>} : memref<2x4x16x256xf32, #tpu.memory_space<vmem>>, vector<16xf32>,
        %bitcast3A_1031 = vector.bitcast %get3A_1030 : vector<16xf32> to vector<32xbf16>
        %get3A_1032 = arith.constant 0 : i32
        %get3A_1033 = arith.constant 0 : i32
        %get3A_1034 = arith.index_cast %get3A_1032 : i32 to index
        %get3A_1035 = arith.index_cast %get3A_1033 : i32 to index
        %get3A_1036 = arith.index_cast %scan3A_382 : i32 to index
        %get3A_1037 = arith.constant 208 : index
        %get3A_1038 = tpu.vector_load %arg9[%get3A_1034, %get3A_1035, %get3A_1036, %get3A_1037] {strides = array<i32>} : memref<2x4x16x256xf32, #tpu.memory_space<vmem>>, vector<16xf32>,
        %bitcast3A_1039 = vector.bitcast %get3A_1038 : vector<16xf32> to vector<32xbf16>
        %get3A_1040 = arith.constant 0 : i32
        %get3A_1041 = arith.constant 1 : i32
        %get3A_1042 = arith.index_cast %get3A_1040 : i32 to index
        %get3A_1043 = arith.index_cast %get3A_1041 : i32 to index
        %get3A_1044 = arith.index_cast %scan3A_382 : i32 to index
        %get3A_1045 = arith.constant 208 : index
        %get3A_1046 = tpu.vector_load %arg9[%get3A_1042, %get3A_1043, %get3A_1044, %get3A_1045] {strides = array<i32>} : memref<2x4x16x256xf32, #tpu.memory_space<vmem>>, vector<16xf32>,
        %bitcast3A_1047 = vector.bitcast %get3A_1046 : vector<16xf32> to vector<32xbf16>
        %get3A_1048 = arith.constant 0 : i32
        %get3A_1049 = arith.constant 2 : i32
        %get3A_1050 = arith.index_cast %get3A_1048 : i32 to index
        %get3A_1051 = arith.index_cast %get3A_1049 : i32 to index
        %get3A_1052 = arith.index_cast %scan3A_382 : i32 to index
        %get3A_1053 = arith.constant 208 : index
        %get3A_1054 = tpu.vector_load %arg9[%get3A_1050, %get3A_1051, %get3A_1052, %get3A_1053] {strides = array<i32>} : memref<2x4x16x256xf32, #tpu.memory_space<vmem>>, vector<16xf32>,
        %bitcast3A_1055 = vector.bitcast %get3A_1054 : vector<16xf32> to vector<32xbf16>
        %get3A_1056 = arith.constant 0 : i32
        %get3A_1057 = arith.constant 3 : i32
        %get3A_1058 = arith.index_cast %get3A_1056 : i32 to index
        %get3A_1059 = arith.index_cast %get3A_1057 : i32 to index
        %get3A_1060 = arith.index_cast %scan3A_382 : i32 to index
        %get3A_1061 = arith.constant 208 : index
        %get3A_1062 = tpu.vector_load %arg9[%get3A_1058, %get3A_1059, %get3A_1060, %get3A_1061] {strides = array<i32>} : memref<2x4x16x256xf32, #tpu.memory_space<vmem>>, vector<16xf32>,
        %bitcast3A_1063 = vector.bitcast %get3A_1062 : vector<16xf32> to vector<32xbf16>
        %mul3A_1064 = arith.mulf %bitcast3A_901, %pack3A : vector<32xbf16>
        %mul3A_1065 = arith.mulf %bitcast3A_933, %pack3A : vector<32xbf16>
        %mul3A_1066 = arith.mulf %bitcast3A_909, %pack3A_391 : vector<32xbf16>
        %mul3A_1067 = arith.mulf %bitcast3A_941, %pack3A_391 : vector<32xbf16>
        %mul3A_1068 = arith.mulf %bitcast3A_917, %pack3A_396 : vector<32xbf16>
        %mul3A_1069 = arith.mulf %bitcast3A_949, %pack3A_396 : vector<32xbf16>
        %mul3A_1070 = arith.mulf %bitcast3A_925, %pack3A_401 : vector<32xbf16>
        %mul3A_1071 = arith.mulf %bitcast3A_957, %pack3A_401 : vector<32xbf16>
        %add3A_1072 = arith.addf %mul3A_1064, %mul3A_1066 : vector<32xbf16>
        %add3A_1073 = arith.addf %mul3A_1065, %mul3A_1067 : vector<32xbf16>
        %add3A_1074 = arith.addf %mul3A_1068, %mul3A_1070 : vector<32xbf16>
        %add3A_1075 = arith.addf %mul3A_1069, %mul3A_1071 : vector<32xbf16>
        %add3A_1076 = arith.addf %add3A_1072, %add3A_1074 : vector<32xbf16>
        %add3A_1077 = arith.addf %add3A_1073, %add3A_1075 : vector<32xbf16>
        %unpack3A_1078 = tpu.unpack_subelements %add3A_1076, 0 {pack_format = #tpu.pack_format<interleaved>} : vector<32xbf16> -> vector<16xf32>
        %unpack3A_1079 = tpu.unpack_subelements %add3A_1076, 1 {pack_format = #tpu.pack_format<interleaved>} : vector<32xbf16> -> vector<16xf32>
        %add3A_1080 = arith.constant 320 : i32
        %add3A_1081 = vector.broadcast %add3A_1080 : i32 to vector<16xi32>
        %add3A_1082 = arith.addi %add3A_407, %add3A_1081 : vector<16xi32>
        %scatter3A_1083 = arith.constant 0 : i32
        %scatter3A_1084 = tpu.memref_slice %arg10[%scan3A_227, %scatter3A_1083] : memref<2x8240xf32, #tpu.memory_space<vmem>> -> memref<1x8240xf32, #tpu.memory_space<vmem>>
        %scatter3A_1085 = tpu.memref_squeeze %scatter3A_1084 : memref<1x8240xf32, #tpu.memory_space<vmem>> -> memref<8240xf32, #tpu.memory_space<vmem>>
        tpu.vector_store_idx %scatter3A_1085[%add3A_1082], %unpack3A_1078 : memref<8240xf32, #tpu.memory_space<vmem>>[vector<16xi32>], vector<16xf32>,
        %add3A_1086 = arith.constant 336 : i32
        %add3A_1087 = vector.broadcast %add3A_1086 : i32 to vector<16xi32>
        %add3A_1088 = arith.addi %add3A_407, %add3A_1087 : vector<16xi32>
        %scatter3A_1089 = arith.constant 0 : i32
        %scatter3A_1090 = tpu.memref_slice %arg10[%scan3A_227, %scatter3A_1089] : memref<2x8240xf32, #tpu.memory_space<vmem>> -> memref<1x8240xf32, #tpu.memory_space<vmem>>
        %scatter3A_1091 = tpu.memref_squeeze %scatter3A_1090 : memref<1x8240xf32, #tpu.memory_space<vmem>> -> memref<8240xf32, #tpu.memory_space<vmem>>
        tpu.vector_store_idx %scatter3A_1091[%add3A_1088], %unpack3A_1079 : memref<8240xf32, #tpu.memory_space<vmem>>[vector<16xi32>], vector<16xf32>,
        %unpack3A_1092 = tpu.unpack_subelements %add3A_1077, 0 {pack_format = #tpu.pack_format<interleaved>} : vector<32xbf16> -> vector<16xf32>
        %unpack3A_1093 = tpu.unpack_subelements %add3A_1077, 1 {pack_format = #tpu.pack_format<interleaved>} : vector<32xbf16> -> vector<16xf32>
        %add3A_1094 = arith.constant 352 : i32
        %add3A_1095 = vector.broadcast %add3A_1094 : i32 to vector<16xi32>
        %add3A_1096 = arith.addi %add3A_407, %add3A_1095 : vector<16xi32>
        %scatter3A_1097 = arith.constant 0 : i32
        %scatter3A_1098 = tpu.memref_slice %arg10[%scan3A_227, %scatter3A_1097] : memref<2x8240xf32, #tpu.memory_space<vmem>> -> memref<1x8240xf32, #tpu.memory_space<vmem>>
        %scatter3A_1099 = tpu.memref_squeeze %scatter3A_1098 : memref<1x8240xf32, #tpu.memory_space<vmem>> -> memref<8240xf32, #tpu.memory_space<vmem>>
        tpu.vector_store_idx %scatter3A_1099[%add3A_1096], %unpack3A_1092 : memref<8240xf32, #tpu.memory_space<vmem>>[vector<16xi32>], vector<16xf32>,
        %add3A_1100 = arith.constant 368 : i32
        %add3A_1101 = vector.broadcast %add3A_1100 : i32 to vector<16xi32>
        %add3A_1102 = arith.addi %add3A_407, %add3A_1101 : vector<16xi32>
        %scatter3A_1103 = arith.constant 0 : i32
        %scatter3A_1104 = tpu.memref_slice %arg10[%scan3A_227, %scatter3A_1103] : memref<2x8240xf32, #tpu.memory_space<vmem>> -> memref<1x8240xf32, #tpu.memory_space<vmem>>
        %scatter3A_1105 = tpu.memref_squeeze %scatter3A_1104 : memref<1x8240xf32, #tpu.memory_space<vmem>> -> memref<8240xf32, #tpu.memory_space<vmem>>
        tpu.vector_store_idx %scatter3A_1105[%add3A_1102], %unpack3A_1093 : memref<8240xf32, #tpu.memory_space<vmem>>[vector<16xi32>], vector<16xf32>,
        %get3A_1106 = arith.constant 0 : i32
        %get3A_1107 = arith.constant 0 : i32
        %get3A_1108 = arith.index_cast %get3A_1106 : i32 to index
        %get3A_1109 = arith.index_cast %get3A_1107 : i32 to index
        %get3A_1110 = arith.index_cast %scan3A_382 : i32 to index
        %get3A_1111 = arith.constant 224 : index
        %get3A_1112 = tpu.vector_load %arg9[%get3A_1108, %get3A_1109, %get3A_1110, %get3A_1111] {strides = array<i32>} : memref<2x4x16x256xf32, #tpu.memory_space<vmem>>, vector<16xf32>,
        %bitcast3A_1113 = vector.bitcast %get3A_1112 : vector<16xf32> to vector<32xbf16>
        %get3A_1114 = arith.constant 0 : i32
        %get3A_1115 = arith.constant 1 : i32
        %get3A_1116 = arith.index_cast %get3A_1114 : i32 to index
        %get3A_1117 = arith.index_cast %get3A_1115 : i32 to index
        %get3A_1118 = arith.index_cast %scan3A_382 : i32 to index
        %get3A_1119 = arith.constant 224 : index
        %get3A_1120 = tpu.vector_load %arg9[%get3A_1116, %get3A_1117, %get3A_1118, %get3A_1119] {strides = array<i32>} : memref<2x4x16x256xf32, #tpu.memory_space<vmem>>, vector<16xf32>,
        %bitcast3A_1121 = vector.bitcast %get3A_1120 : vector<16xf32> to vector<32xbf16>
        %get3A_1122 = arith.constant 0 : i32
        %get3A_1123 = arith.constant 2 : i32
        %get3A_1124 = arith.index_cast %get3A_1122 : i32 to index
        %get3A_1125 = arith.index_cast %get3A_1123 : i32 to index
        %get3A_1126 = arith.index_cast %scan3A_382 : i32 to index
        %get3A_1127 = arith.constant 224 : index
        %get3A_1128 = tpu.vector_load %arg9[%get3A_1124, %get3A_1125, %get3A_1126, %get3A_1127] {strides = array<i32>} : memref<2x4x16x256xf32, #tpu.memory_space<vmem>>, vector<16xf32>,
        %bitcast3A_1129 = vector.bitcast %get3A_1128 : vector<16xf32> to vector<32xbf16>
        %get3A_1130 = arith.constant 0 : i32
        %get3A_1131 = arith.constant 3 : i32
        %get3A_1132 = arith.index_cast %get3A_1130 : i32 to index
        %get3A_1133 = arith.index_cast %get3A_1131 : i32 to index
        %get3A_1134 = arith.index_cast %scan3A_382 : i32 to index
        %get3A_1135 = arith.constant 224 : index
        %get3A_1136 = tpu.vector_load %arg9[%get3A_1132, %get3A_1133, %get3A_1134, %get3A_1135] {strides = array<i32>} : memref<2x4x16x256xf32, #tpu.memory_space<vmem>>, vector<16xf32>,
        %bitcast3A_1137 = vector.bitcast %get3A_1136 : vector<16xf32> to vector<32xbf16>
        %get3A_1138 = arith.constant 0 : i32
        %get3A_1139 = arith.constant 0 : i32
        %get3A_1140 = arith.index_cast %get3A_1138 : i32 to index
        %get3A_1141 = arith.index_cast %get3A_1139 : i32 to index
        %get3A_1142 = arith.index_cast %scan3A_382 : i32 to index
        %get3A_1143 = arith.constant 240 : index
        %get3A_1144 = tpu.vector_load %arg9[%get3A_1140, %get3A_1141, %get3A_1142, %get3A_1143] {strides = array<i32>} : memref<2x4x16x256xf32, #tpu.memory_space<vmem>>, vector<16xf32>,
        %bitcast3A_1145 = vector.bitcast %get3A_1144 : vector<16xf32> to vector<32xbf16>
        %get3A_1146 = arith.constant 0 : i32
        %get3A_1147 = arith.constant 1 : i32
        %get3A_1148 = arith.index_cast %get3A_1146 : i32 to index
        %get3A_1149 = arith.index_cast %get3A_1147 : i32 to index
        %get3A_1150 = arith.index_cast %scan3A_382 : i32 to index
        %get3A_1151 = arith.constant 240 : index
        %get3A_1152 = tpu.vector_load %arg9[%get3A_1148, %get3A_1149, %get3A_1150, %get3A_1151] {strides = array<i32>} : memref<2x4x16x256xf32, #tpu.memory_space<vmem>>, vector<16xf32>,
        %bitcast3A_1153 = vector.bitcast %get3A_1152 : vector<16xf32> to vector<32xbf16>
        %get3A_1154 = arith.constant 0 : i32
        %get3A_1155 = arith.constant 2 : i32
        %get3A_1156 = arith.index_cast %get3A_1154 : i32 to index
        %get3A_1157 = arith.index_cast %get3A_1155 : i32 to index
        %get3A_1158 = arith.index_cast %scan3A_382 : i32 to index
        %get3A_1159 = arith.constant 240 : index
        %get3A_1160 = tpu.vector_load %arg9[%get3A_1156, %get3A_1157, %get3A_1158, %get3A_1159] {strides = array<i32>} : memref<2x4x16x256xf32, #tpu.memory_space<vmem>>, vector<16xf32>,
        %bitcast3A_1161 = vector.bitcast %get3A_1160 : vector<16xf32> to vector<32xbf16>
        %get3A_1162 = arith.constant 0 : i32
        %get3A_1163 = arith.constant 3 : i32
        %get3A_1164 = arith.index_cast %get3A_1162 : i32 to index
        %get3A_1165 = arith.index_cast %get3A_1163 : i32 to index
        %get3A_1166 = arith.index_cast %scan3A_382 : i32 to index
        %get3A_1167 = arith.constant 240 : index
        %get3A_1168 = tpu.vector_load %arg9[%get3A_1164, %get3A_1165, %get3A_1166, %get3A_1167] {strides = array<i32>} : memref<2x4x16x256xf32, #tpu.memory_space<vmem>>, vector<16xf32>,
        %bitcast3A_1169 = vector.bitcast %get3A_1168 : vector<16xf32> to vector<32xbf16>
        %mul3A_1170 = arith.mulf %bitcast3A_1007, %pack3A : vector<32xbf16>
        %mul3A_1171 = arith.mulf %bitcast3A_1039, %pack3A : vector<32xbf16>
        %mul3A_1172 = arith.mulf %bitcast3A_1015, %pack3A_391 : vector<32xbf16>
        %mul3A_1173 = arith.mulf %bitcast3A_1047, %pack3A_391 : vector<32xbf16>
        %mul3A_1174 = arith.mulf %bitcast3A_1023, %pack3A_396 : vector<32xbf16>
        %mul3A_1175 = arith.mulf %bitcast3A_1055, %pack3A_396 : vector<32xbf16>
        %mul3A_1176 = arith.mulf %bitcast3A_1031, %pack3A_401 : vector<32xbf16>
        %mul3A_1177 = arith.mulf %bitcast3A_1063, %pack3A_401 : vector<32xbf16>
        %add3A_1178 = arith.addf %mul3A_1170, %mul3A_1172 : vector<32xbf16>
        %add3A_1179 = arith.addf %mul3A_1171, %mul3A_1173 : vector<32xbf16>
        %add3A_1180 = arith.addf %mul3A_1174, %mul3A_1176 : vector<32xbf16>
        %add3A_1181 = arith.addf %mul3A_1175, %mul3A_1177 : vector<32xbf16>
        %add3A_1182 = arith.addf %add3A_1178, %add3A_1180 : vector<32xbf16>
        %add3A_1183 = arith.addf %add3A_1179, %add3A_1181 : vector<32xbf16>
        %unpack3A_1184 = tpu.unpack_subelements %add3A_1182, 0 {pack_format = #tpu.pack_format<interleaved>} : vector<32xbf16> -> vector<16xf32>
        %unpack3A_1185 = tpu.unpack_subelements %add3A_1182, 1 {pack_format = #tpu.pack_format<interleaved>} : vector<32xbf16> -> vector<16xf32>
        %add3A_1186 = arith.constant 384 : i32
        %add3A_1187 = vector.broadcast %add3A_1186 : i32 to vector<16xi32>
        %add3A_1188 = arith.addi %add3A_407, %add3A_1187 : vector<16xi32>
        %scatter3A_1189 = arith.constant 0 : i32
        %scatter3A_1190 = tpu.memref_slice %arg10[%scan3A_227, %scatter3A_1189] : memref<2x8240xf32, #tpu.memory_space<vmem>> -> memref<1x8240xf32, #tpu.memory_space<vmem>>
        %scatter3A_1191 = tpu.memref_squeeze %scatter3A_1190 : memref<1x8240xf32, #tpu.memory_space<vmem>> -> memref<8240xf32, #tpu.memory_space<vmem>>
        tpu.vector_store_idx %scatter3A_1191[%add3A_1188], %unpack3A_1184 : memref<8240xf32, #tpu.memory_space<vmem>>[vector<16xi32>], vector<16xf32>,
        %add3A_1192 = arith.constant 400 : i32
        %add3A_1193 = vector.broadcast %add3A_1192 : i32 to vector<16xi32>
        %add3A_1194 = arith.addi %add3A_407, %add3A_1193 : vector<16xi32>
        %scatter3A_1195 = arith.constant 0 : i32
        %scatter3A_1196 = tpu.memref_slice %arg10[%scan3A_227, %scatter3A_1195] : memref<2x8240xf32, #tpu.memory_space<vmem>> -> memref<1x8240xf32, #tpu.memory_space<vmem>>
        %scatter3A_1197 = tpu.memref_squeeze %scatter3A_1196 : memref<1x8240xf32, #tpu.memory_space<vmem>> -> memref<8240xf32, #tpu.memory_space<vmem>>
        tpu.vector_store_idx %scatter3A_1197[%add3A_1194], %unpack3A_1185 : memref<8240xf32, #tpu.memory_space<vmem>>[vector<16xi32>], vector<16xf32>,
        %unpack3A_1198 = tpu.unpack_subelements %add3A_1183, 0 {pack_format = #tpu.pack_format<interleaved>} : vector<32xbf16> -> vector<16xf32>
        %unpack3A_1199 = tpu.unpack_subelements %add3A_1183, 1 {pack_format = #tpu.pack_format<interleaved>} : vector<32xbf16> -> vector<16xf32>
        %add3A_1200 = arith.constant 416 : i32
        %add3A_1201 = vector.broadcast %add3A_1200 : i32 to vector<16xi32>
        %add3A_1202 = arith.addi %add3A_407, %add3A_1201 : vector<16xi32>
        %scatter3A_1203 = arith.constant 0 : i32
        %scatter3A_1204 = tpu.memref_slice %arg10[%scan3A_227, %scatter3A_1203] : memref<2x8240xf32, #tpu.memory_space<vmem>> -> memref<1x8240xf32, #tpu.memory_space<vmem>>
        %scatter3A_1205 = tpu.memref_squeeze %scatter3A_1204 : memref<1x8240xf32, #tpu.memory_space<vmem>> -> memref<8240xf32, #tpu.memory_space<vmem>>
        tpu.vector_store_idx %scatter3A_1205[%add3A_1202], %unpack3A_1198 : memref<8240xf32, #tpu.memory_space<vmem>>[vector<16xi32>], vector<16xf32>,
        %add3A_1206 = arith.constant 432 : i32
        %add3A_1207 = vector.broadcast %add3A_1206 : i32 to vector<16xi32>
        %add3A_1208 = arith.addi %add3A_407, %add3A_1207 : vector<16xi32>
        %scatter3A_1209 = arith.constant 0 : i32
        %scatter3A_1210 = tpu.memref_slice %arg10[%scan3A_227, %scatter3A_1209] : memref<2x8240xf32, #tpu.memory_space<vmem>> -> memref<1x8240xf32, #tpu.memory_space<vmem>>
        %scatter3A_1211 = tpu.memref_squeeze %scatter3A_1210 : memref<1x8240xf32, #tpu.memory_space<vmem>> -> memref<8240xf32, #tpu.memory_space<vmem>>
        tpu.vector_store_idx %scatter3A_1211[%add3A_1208], %unpack3A_1199 : memref<8240xf32, #tpu.memory_space<vmem>>[vector<16xi32>], vector<16xf32>,
        %mul3A_1212 = arith.mulf %bitcast3A_1113, %pack3A : vector<32xbf16>
        %mul3A_1213 = arith.mulf %bitcast3A_1145, %pack3A : vector<32xbf16>
        %mul3A_1214 = arith.mulf %bitcast3A_1121, %pack3A_391 : vector<32xbf16>
        %mul3A_1215 = arith.mulf %bitcast3A_1153, %pack3A_391 : vector<32xbf16>
        %mul3A_1216 = arith.mulf %bitcast3A_1129, %pack3A_396 : vector<32xbf16>
        %mul3A_1217 = arith.mulf %bitcast3A_1161, %pack3A_396 : vector<32xbf16>
        %mul3A_1218 = arith.mulf %bitcast3A_1137, %pack3A_401 : vector<32xbf16>
        %mul3A_1219 = arith.mulf %bitcast3A_1169, %pack3A_401 : vector<32xbf16>
        %add3A_1220 = arith.addf %mul3A_1212, %mul3A_1214 : vector<32xbf16>
        %add3A_1221 = arith.addf %mul3A_1213, %mul3A_1215 : vector<32xbf16>
        %add3A_1222 = arith.addf %mul3A_1216, %mul3A_1218 : vector<32xbf16>
        %add3A_1223 = arith.addf %mul3A_1217, %mul3A_1219 : vector<32xbf16>
        %add3A_1224 = arith.addf %add3A_1220, %add3A_1222 : vector<32xbf16>
        %add3A_1225 = arith.addf %add3A_1221, %add3A_1223 : vector<32xbf16>
        %unpack3A_1226 = tpu.unpack_subelements %add3A_1224, 0 {pack_format = #tpu.pack_format<interleaved>} : vector<32xbf16> -> vector<16xf32>
        %unpack3A_1227 = tpu.unpack_subelements %add3A_1224, 1 {pack_format = #tpu.pack_format<interleaved>} : vector<32xbf16> -> vector<16xf32>
        %add3A_1228 = arith.constant 448 : i32
        %add3A_1229 = vector.broadcast %add3A_1228 : i32 to vector<16xi32>
        %add3A_1230 = arith.addi %add3A_407, %add3A_1229 : vector<16xi32>
        %scatter3A_1231 = arith.constant 0 : i32
        %scatter3A_1232 = tpu.memref_slice %arg10[%scan3A_227, %scatter3A_1231] : memref<2x8240xf32, #tpu.memory_space<vmem>> -> memref<1x8240xf32, #tpu.memory_space<vmem>>
        %scatter3A_1233 = tpu.memref_squeeze %scatter3A_1232 : memref<1x8240xf32, #tpu.memory_space<vmem>> -> memref<8240xf32, #tpu.memory_space<vmem>>
        tpu.vector_store_idx %scatter3A_1233[%add3A_1230], %unpack3A_1226 : memref<8240xf32, #tpu.memory_space<vmem>>[vector<16xi32>], vector<16xf32>,
        %add3A_1234 = arith.constant 464 : i32
        %add3A_1235 = vector.broadcast %add3A_1234 : i32 to vector<16xi32>
        %add3A_1236 = arith.addi %add3A_407, %add3A_1235 : vector<16xi32>
        %scatter3A_1237 = arith.constant 0 : i32
        %scatter3A_1238 = tpu.memref_slice %arg10[%scan3A_227, %scatter3A_1237] : memref<2x8240xf32, #tpu.memory_space<vmem>> -> memref<1x8240xf32, #tpu.memory_space<vmem>>
        %scatter3A_1239 = tpu.memref_squeeze %scatter3A_1238 : memref<1x8240xf32, #tpu.memory_space<vmem>> -> memref<8240xf32, #tpu.memory_space<vmem>>
        tpu.vector_store_idx %scatter3A_1239[%add3A_1236], %unpack3A_1227 : memref<8240xf32, #tpu.memory_space<vmem>>[vector<16xi32>], vector<16xf32>,
        %unpack3A_1240 = tpu.unpack_subelements %add3A_1225, 0 {pack_format = #tpu.pack_format<interleaved>} : vector<32xbf16> -> vector<16xf32>
        %unpack3A_1241 = tpu.unpack_subelements %add3A_1225, 1 {pack_format = #tpu.pack_format<interleaved>} : vector<32xbf16> -> vector<16xf32>
        %add3A_1242 = arith.constant 480 : i32
        %add3A_1243 = vector.broadcast %add3A_1242 : i32 to vector<16xi32>
        %add3A_1244 = arith.addi %add3A_407, %add3A_1243 : vector<16xi32>
        %scatter3A_1245 = arith.constant 0 : i32
        %scatter3A_1246 = tpu.memref_slice %arg10[%scan3A_227, %scatter3A_1245] : memref<2x8240xf32, #tpu.memory_space<vmem>> -> memref<1x8240xf32, #tpu.memory_space<vmem>>
        %scatter3A_1247 = tpu.memref_squeeze %scatter3A_1246 : memref<1x8240xf32, #tpu.memory_space<vmem>> -> memref<8240xf32, #tpu.memory_space<vmem>>
        tpu.vector_store_idx %scatter3A_1247[%add3A_1244], %unpack3A_1240 : memref<8240xf32, #tpu.memory_space<vmem>>[vector<16xi32>], vector<16xf32>,
        %add3A_1248 = arith.constant 496 : i32
        %add3A_1249 = vector.broadcast %add3A_1248 : i32 to vector<16xi32>
        %add3A_1250 = arith.addi %add3A_407, %add3A_1249 : vector<16xi32>
        %scatter3A_1251 = arith.constant 0 : i32
        %scatter3A_1252 = tpu.memref_slice %arg10[%scan3A_227, %scatter3A_1251] : memref<2x8240xf32, #tpu.memory_space<vmem>> -> memref<1x8240xf32, #tpu.memory_space<vmem>>
        %scatter3A_1253 = tpu.memref_squeeze %scatter3A_1252 : memref<1x8240xf32, #tpu.memory_space<vmem>> -> memref<8240xf32, #tpu.memory_space<vmem>>
        tpu.vector_store_idx %scatter3A_1253[%add3A_1250], %unpack3A_1241 : memref<8240xf32, #tpu.memory_space<vmem>>[vector<16xi32>], vector<16xf32>,
      }
      %scan3A_232 = arith.constant 16 : i32
      %mul3A_233 = arith.constant 1054720 : i32
      %mul3A_234 = arith.muli %add3A, %mul3A_233 : i32
      %mul3A_235 = arith.constant 8240 : i32
      %mul3A_236 = arith.muli %mul3A_121, %mul3A_235 : i32
      %add3A_237 = arith.addi %mul3A_234, %mul3A_236 : i32
      %dma_start3A_238 = arith.constant 0 : i32
      %dma_start3A_239 = arith.constant 0 : i32
      %dma_start3A_240 = tpu.memref_slice %arg10[%dma_start3A_238, %dma_start3A_239] : memref<2x8240xf32, #tpu.memory_space<vmem>> -> memref<1x8240xf32, #tpu.memory_space<vmem>>
      %dma_start3A_241 = tpu.memref_squeeze %dma_start3A_240 : memref<1x8240xf32, #tpu.memory_space<vmem>> -> memref<8240xf32, #tpu.memory_space<vmem>>
      %dma_start3A_242 = tpu.memref_slice %arg4[%add3A_237] : memref<33751040xf32, #tpu.memory_space<hbm>> -> memref<8240xf32, #tpu.memory_space<hbm>>
      %dma_start3A_243 = tpu.memref_slice %arg4[%add3A_237] : memref<33751040xf32, #tpu.memory_space<hbm>> -> memref<8240xf32, #tpu.memory_space<hbm>>
      %dma_start3A_244 = arith.constant 0 : i32
      %dma_start3A_245 = tpu.memref_slice %arg10[%dma_start3A_238, %dma_start3A_244] : memref<2x8240xf32, #tpu.memory_space<vmem>> -> memref<1x8240xf32, #tpu.memory_space<vmem>>
      %dma_start3A_246 = tpu.memref_squeeze %dma_start3A_245 : memref<1x8240xf32, #tpu.memory_space<vmem>> -> memref<8240xf32, #tpu.memory_space<vmem>>
      tpu.enqueue_dma source(%dma_start3A_246 : memref<8240xf32, #tpu.memory_space<vmem>>) target(%dma_start3A_243 : memref<8240xf32, #tpu.memory_space<hbm>>) target_semaphore(%arg13 : memref<!tpu.dma_semaphore, #tpu.memory_space<semaphore_mem>>)
      %mul3A_247 = arith.constant 2 : i32
      %mul3A_248 = arith.muli %scan3A_119, %mul3A_247 : i32
      %add3A_249 = arith.constant 1 : i32
      %add3A_250 = arith.addi %mul3A_248, %add3A_249 : i32
      %add3A_251 = arith.constant 1 : i32
      %add3A_252 = arith.addi %add3A_250, %add3A_251 : i32
      %lt3A_253 = arith.constant 128 : i32
      %lt3A_254 = arith.cmpi slt, %add3A_252, %lt3A_253 : i32
      %convert_element_type3A_255 = arith.extui %lt3A_254 : i1 to i32
      %cond3A_256 = arith.constant 0 : i32
      %cond3A_257 = arith.cmpi ne, %convert_element_type3A_255, %cond3A_256 : i32
      scf.if %cond3A_257 {
        %add3A_382 = arith.constant 1 : i32
        %add3A_383 = arith.addi %add3A_250, %add3A_382 : i32
        %dma_start3A_384 = arith.constant 0 : i32
        %dma_start3A_385 = arith.constant 0 : i32
        %dma_start3A_386 = arith.constant 0 : i32
        %dma_start3A_387 = arith.constant 0 : i32
        %dma_start3A_388 = arith.constant 0 : i32
        %dma_start3A_389 = tpu.memref_slice %arg9[%dma_start3A_385, %dma_start3A_386, %dma_start3A_387, %dma_start3A_388] : memref<2x4x16x256xf32, #tpu.memory_space<vmem>> -> memref<1x1x16x256xf32, #tpu.memory_space<vmem>>
        %dma_start3A_390 = tpu.memref_squeeze %dma_start3A_389 : memref<1x1x16x256xf32, #tpu.memory_space<vmem>> -> memref<16x256xf32, #tpu.memory_space<vmem>>
        %dma_start3A_391 = arith.constant 0 : i32
        %dma_start3A_392 = tpu.memref_slice %arg7[%dma_start3A_384, %add3A_383, %dma_start3A_391] : memref<4x128x16xi32, #tpu.memory_space<vmem>> -> memref<1x1x16xi32, #tpu.memory_space<vmem>>
        %dma_start3A_393 = tpu.memref_squeeze %dma_start3A_392 : memref<1x1x16xi32, #tpu.memory_space<vmem>> -> memref<16xi32, #tpu.memory_space<vmem>>
        %dma_start3A_394 = arith.constant 0 : i32
        %dma_start3A_395 = arith.constant 0 : i32
        %dma_start3A_396 = tpu.memref_slice %arg3[%dma_start3A_394, %dma_start3A_395] : memref<25088x256xf32, #tpu.memory_space<hbm>> -> memref<25088x256xf32, #tpu.memory_space<hbm>>
        tpu.enqueue_indirect_dma source(%dma_start3A_396 : memref<25088x256xf32, #tpu.memory_space<hbm>>) target(%dma_start3A_390 : memref<16x256xf32, #tpu.memory_space<vmem>>) offsets(%dma_start3A_393 : memref<16xi32, #tpu.memory_space<vmem>>) semaphore(%arg11 : memref<!tpu.dma_semaphore, #tpu.memory_space<semaphore_mem>>)
        %dma_start3A_397 = arith.constant 1 : i32
        %dma_start3A_398 = arith.constant 0 : i32
        %dma_start3A_399 = arith.constant 1 : i32
        %dma_start3A_400 = arith.constant 0 : i32
        %dma_start3A_401 = arith.constant 0 : i32
        %dma_start3A_402 = tpu.memref_slice %arg9[%dma_start3A_398, %dma_start3A_399, %dma_start3A_400, %dma_start3A_401] : memref<2x4x16x256xf32, #tpu.memory_space<vmem>> -> memref<1x1x16x256xf32, #tpu.memory_space<vmem>>
        %dma_start3A_403 = tpu.memref_squeeze %dma_start3A_402 : memref<1x1x16x256xf32, #tpu.memory_space<vmem>> -> memref<16x256xf32, #tpu.memory_space<vmem>>
        %dma_start3A_404 = arith.constant 0 : i32
        %dma_start3A_405 = tpu.memref_slice %arg7[%dma_start3A_397, %add3A_383, %dma_start3A_404] : memref<4x128x16xi32, #tpu.memory_space<vmem>> -> memref<1x1x16xi32, #tpu.memory_space<vmem>>
        %dma_start3A_406 = tpu.memref_squeeze %dma_start3A_405 : memref<1x1x16xi32, #tpu.memory_space<vmem>> -> memref<16xi32, #tpu.memory_space<vmem>>
        %dma_start3A_407 = arith.constant 0 : i32
        %dma_start3A_408 = arith.constant 0 : i32
        %dma_start3A_409 = tpu.memref_slice %arg3[%dma_start3A_407, %dma_start3A_408] : memref<25088x256xf32, #tpu.memory_space<hbm>> -> memref<25088x256xf32, #tpu.memory_space<hbm>>
        tpu.enqueue_indirect_dma source(%dma_start3A_409 : memref<25088x256xf32, #tpu.memory_space<hbm>>) target(%dma_start3A_403 : memref<16x256xf32, #tpu.memory_space<vmem>>) offsets(%dma_start3A_406 : memref<16xi32, #tpu.memory_space<vmem>>) semaphore(%arg11 : memref<!tpu.dma_semaphore, #tpu.memory_space<semaphore_mem>>)
        %dma_start3A_410 = arith.constant 2 : i32
        %dma_start3A_411 = arith.constant 0 : i32
        %dma_start3A_412 = arith.constant 2 : i32
        %dma_start3A_413 = arith.constant 0 : i32
        %dma_start3A_414 = arith.constant 0 : i32
        %dma_start3A_415 = tpu.memref_slice %arg9[%dma_start3A_411, %dma_start3A_412, %dma_start3A_413, %dma_start3A_414] : memref<2x4x16x256xf32, #tpu.memory_space<vmem>> -> memref<1x1x16x256xf32, #tpu.memory_space<vmem>>
        %dma_start3A_416 = tpu.memref_squeeze %dma_start3A_415 : memref<1x1x16x256xf32, #tpu.memory_space<vmem>> -> memref<16x256xf32, #tpu.memory_space<vmem>>
        %dma_start3A_417 = arith.constant 0 : i32
        %dma_start3A_418 = tpu.memref_slice %arg7[%dma_start3A_410, %add3A_383, %dma_start3A_417] : memref<4x128x16xi32, #tpu.memory_space<vmem>> -> memref<1x1x16xi32, #tpu.memory_space<vmem>>
        %dma_start3A_419 = tpu.memref_squeeze %dma_start3A_418 : memref<1x1x16xi32, #tpu.memory_space<vmem>> -> memref<16xi32, #tpu.memory_space<vmem>>
        %dma_start3A_420 = arith.constant 0 : i32
        %dma_start3A_421 = arith.constant 0 : i32
        %dma_start3A_422 = tpu.memref_slice %arg3[%dma_start3A_420, %dma_start3A_421] : memref<25088x256xf32, #tpu.memory_space<hbm>> -> memref<25088x256xf32, #tpu.memory_space<hbm>>
        tpu.enqueue_indirect_dma source(%dma_start3A_422 : memref<25088x256xf32, #tpu.memory_space<hbm>>) target(%dma_start3A_416 : memref<16x256xf32, #tpu.memory_space<vmem>>) offsets(%dma_start3A_419 : memref<16xi32, #tpu.memory_space<vmem>>) semaphore(%arg11 : memref<!tpu.dma_semaphore, #tpu.memory_space<semaphore_mem>>)
        %dma_start3A_423 = arith.constant 3 : i32
        %dma_start3A_424 = arith.constant 0 : i32
        %dma_start3A_425 = arith.constant 3 : i32
        %dma_start3A_426 = arith.constant 0 : i32
        %dma_start3A_427 = arith.constant 0 : i32
        %dma_start3A_428 = tpu.memref_slice %arg9[%dma_start3A_424, %dma_start3A_425, %dma_start3A_426, %dma_start3A_427] : memref<2x4x16x256xf32, #tpu.memory_space<vmem>> -> memref<1x1x16x256xf32, #tpu.memory_space<vmem>>
        %dma_start3A_429 = tpu.memref_squeeze %dma_start3A_428 : memref<1x1x16x256xf32, #tpu.memory_space<vmem>> -> memref<16x256xf32, #tpu.memory_space<vmem>>
        %dma_start3A_430 = arith.constant 0 : i32
        %dma_start3A_431 = tpu.memref_slice %arg7[%dma_start3A_423, %add3A_383, %dma_start3A_430] : memref<4x128x16xi32, #tpu.memory_space<vmem>> -> memref<1x1x16xi32, #tpu.memory_space<vmem>>
        %dma_start3A_432 = tpu.memref_squeeze %dma_start3A_431 : memref<1x1x16xi32, #tpu.memory_space<vmem>> -> memref<16xi32, #tpu.memory_space<vmem>>
        %dma_start3A_433 = arith.constant 0 : i32
        %dma_start3A_434 = arith.constant 0 : i32
        %dma_start3A_435 = tpu.memref_slice %arg3[%dma_start3A_433, %dma_start3A_434] : memref<25088x256xf32, #tpu.memory_space<hbm>> -> memref<25088x256xf32, #tpu.memory_space<hbm>>
        tpu.enqueue_indirect_dma source(%dma_start3A_435 : memref<25088x256xf32, #tpu.memory_space<hbm>>) target(%dma_start3A_429 : memref<16x256xf32, #tpu.memory_space<vmem>>) offsets(%dma_start3A_432 : memref<16xi32, #tpu.memory_space<vmem>>) semaphore(%arg11 : memref<!tpu.dma_semaphore, #tpu.memory_space<semaphore_mem>>)
      } else {
      }
      %dma_wait3A_258 = arith.constant 0 : i32
      %dma_wait3A_259 = arith.constant 1 : i32
      %dma_wait3A_260 = arith.constant 0 : i32
      %dma_wait3A_261 = arith.constant 0 : i32
      %dma_wait3A_262 = arith.constant 0 : i32
      %dma_wait3A_263 = tpu.memref_slice %arg9[%dma_wait3A_259, %dma_wait3A_260, %dma_wait3A_261, %dma_wait3A_262] : memref<2x4x16x256xf32, #tpu.memory_space<vmem>> -> memref<1x1x16x256xf32, #tpu.memory_space<vmem>>
      %dma_wait3A_264 = tpu.memref_squeeze %dma_wait3A_263 : memref<1x1x16x256xf32, #tpu.memory_space<vmem>> -> memref<16x256xf32, #tpu.memory_space<vmem>>
      %dma_wait3A_265 = arith.constant 0 : i32
      %dma_wait3A_266 = tpu.memref_slice %arg7[%dma_wait3A_258, %add3A_250, %dma_wait3A_265] : memref<4x128x16xi32, #tpu.memory_space<vmem>> -> memref<1x1x16xi32, #tpu.memory_space<vmem>>
      %dma_wait3A_267 = tpu.memref_squeeze %dma_wait3A_266 : memref<1x1x16xi32, #tpu.memory_space<vmem>> -> memref<16xi32, #tpu.memory_space<vmem>>
      %dma_wait3A_268 = arith.constant 0 : i32
      %dma_wait3A_269 = arith.constant 0 : i32
      %dma_wait3A_270 = tpu.memref_slice %arg3[%dma_wait3A_268, %dma_wait3A_269] : memref<25088x256xf32, #tpu.memory_space<hbm>> -> memref<25088x256xf32, #tpu.memory_space<hbm>>
      tpu.wait_indirect_dma semaphore(%arg12 : memref<!tpu.dma_semaphore, #tpu.memory_space<semaphore_mem>>) src(%dma_wait3A_270 : memref<25088x256xf32, #tpu.memory_space<hbm>>) dst(%dma_wait3A_264 : memref<16x256xf32, #tpu.memory_space<vmem>>)
      %dma_wait3A_271 = arith.constant 1 : i32
      %dma_wait3A_272 = arith.constant 1 : i32
      %dma_wait3A_273 = arith.constant 1 : i32
      %dma_wait3A_274 = arith.constant 0 : i32
      %dma_wait3A_275 = arith.constant 0 : i32
      %dma_wait3A_276 = tpu.memref_slice %arg9[%dma_wait3A_272, %dma_wait3A_273, %dma_wait3A_274, %dma_wait3A_275] : memref<2x4x16x256xf32, #tpu.memory_space<vmem>> -> memref<1x1x16x256xf32, #tpu.memory_space<vmem>>
      %dma_wait3A_277 = tpu.memref_squeeze %dma_wait3A_276 : memref<1x1x16x256xf32, #tpu.memory_space<vmem>> -> memref<16x256xf32, #tpu.memory_space<vmem>>
      %dma_wait3A_278 = arith.constant 0 : i32
      %dma_wait3A_279 = tpu.memref_slice %arg7[%dma_wait3A_271, %add3A_250, %dma_wait3A_278] : memref<4x128x16xi32, #tpu.memory_space<vmem>> -> memref<1x1x16xi32, #tpu.memory_space<vmem>>
      %dma_wait3A_280 = tpu.memref_squeeze %dma_wait3A_279 : memref<1x1x16xi32, #tpu.memory_space<vmem>> -> memref<16xi32, #tpu.memory_space<vmem>>
      %dma_wait3A_281 = arith.constant 0 : i32
      %dma_wait3A_282 = arith.constant 0 : i32
      %dma_wait3A_283 = tpu.memref_slice %arg3[%dma_wait3A_281, %dma_wait3A_282] : memref<25088x256xf32, #tpu.memory_space<hbm>> -> memref<25088x256xf32, #tpu.memory_space<hbm>>
      tpu.wait_indirect_dma semaphore(%arg12 : memref<!tpu.dma_semaphore, #tpu.memory_space<semaphore_mem>>) src(%dma_wait3A_283 : memref<25088x256xf32, #tpu.memory_space<hbm>>) dst(%dma_wait3A_277 : memref<16x256xf32, #tpu.memory_space<vmem>>)
      %dma_wait3A_284 = arith.constant 2 : i32
      %dma_wait3A_285 = arith.constant 1 : i32
      %dma_wait3A_286 = arith.constant 2 : i32
      %dma_wait3A_287 = arith.constant 0 : i32
      %dma_wait3A_288 = arith.constant 0 : i32
      %dma_wait3A_289 = tpu.memref_slice %arg9[%dma_wait3A_285, %dma_wait3A_286, %dma_wait3A_287, %dma_wait3A_288] : memref<2x4x16x256xf32, #tpu.memory_space<vmem>> -> memref<1x1x16x256xf32, #tpu.memory_space<vmem>>
      %dma_wait3A_290 = tpu.memref_squeeze %dma_wait3A_289 : memref<1x1x16x256xf32, #tpu.memory_space<vmem>> -> memref<16x256xf32, #tpu.memory_space<vmem>>
      %dma_wait3A_291 = arith.constant 0 : i32
      %dma_wait3A_292 = tpu.memref_slice %arg7[%dma_wait3A_284, %add3A_250, %dma_wait3A_291] : memref<4x128x16xi32, #tpu.memory_space<vmem>> -> memref<1x1x16xi32, #tpu.memory_space<vmem>>
      %dma_wait3A_293 = tpu.memref_squeeze %dma_wait3A_292 : memref<1x1x16xi32, #tpu.memory_space<vmem>> -> memref<16xi32, #tpu.memory_space<vmem>>
      %dma_wait3A_294 = arith.constant 0 : i32
      %dma_wait3A_295 = arith.constant 0 : i32
      %dma_wait3A_296 = tpu.memref_slice %arg3[%dma_wait3A_294, %dma_wait3A_295] : memref<25088x256xf32, #tpu.memory_space<hbm>> -> memref<25088x256xf32, #tpu.memory_space<hbm>>
      tpu.wait_indirect_dma semaphore(%arg12 : memref<!tpu.dma_semaphore, #tpu.memory_space<semaphore_mem>>) src(%dma_wait3A_296 : memref<25088x256xf32, #tpu.memory_space<hbm>>) dst(%dma_wait3A_290 : memref<16x256xf32, #tpu.memory_space<vmem>>)
      %dma_wait3A_297 = arith.constant 3 : i32
      %dma_wait3A_298 = arith.constant 1 : i32
      %dma_wait3A_299 = arith.constant 3 : i32
      %dma_wait3A_300 = arith.constant 0 : i32
      %dma_wait3A_301 = arith.constant 0 : i32
      %dma_wait3A_302 = tpu.memref_slice %arg9[%dma_wait3A_298, %dma_wait3A_299, %dma_wait3A_300, %dma_wait3A_301] : memref<2x4x16x256xf32, #tpu.memory_space<vmem>> -> memref<1x1x16x256xf32, #tpu.memory_space<vmem>>
      %dma_wait3A_303 = tpu.memref_squeeze %dma_wait3A_302 : memref<1x1x16x256xf32, #tpu.memory_space<vmem>> -> memref<16x256xf32, #tpu.memory_space<vmem>>
      %dma_wait3A_304 = arith.constant 0 : i32
      %dma_wait3A_305 = tpu.memref_slice %arg7[%dma_wait3A_297, %add3A_250, %dma_wait3A_304] : memref<4x128x16xi32, #tpu.memory_space<vmem>> -> memref<1x1x16xi32, #tpu.memory_space<vmem>>
      %dma_wait3A_306 = tpu.memref_squeeze %dma_wait3A_305 : memref<1x1x16xi32, #tpu.memory_space<vmem>> -> memref<16xi32, #tpu.memory_space<vmem>>
      %dma_wait3A_307 = arith.constant 0 : i32
      %dma_wait3A_308 = arith.constant 0 : i32
      %dma_wait3A_309 = tpu.memref_slice %arg3[%dma_wait3A_307, %dma_wait3A_308] : memref<25088x256xf32, #tpu.memory_space<hbm>> -> memref<25088x256xf32, #tpu.memory_space<hbm>>
      tpu.wait_indirect_dma semaphore(%arg12 : memref<!tpu.dma_semaphore, #tpu.memory_space<semaphore_mem>>) src(%dma_wait3A_309 : memref<25088x256xf32, #tpu.memory_space<hbm>>) dst(%dma_wait3A_303 : memref<16x256xf32, #tpu.memory_space<vmem>>)
      %ge3A_310 = arith.constant 2 : i32
      %ge3A_311 = arith.cmpi sge, %add3A_250, %ge3A_310 : i32
      %convert_element_type3A_312 = arith.extui %ge3A_311 : i1 to i32
      %cond3A_313 = arith.constant 0 : i32
      %cond3A_314 = arith.cmpi ne, %convert_element_type3A_312, %cond3A_313 : i32
      scf.if %cond3A_314 {
        %sub3A_382 = arith.constant 2 : i32
        %sub3A_383 = arith.subi %add3A_250, %sub3A_382 : i32
        %mul3A_384 = arith.constant 1054720 : i32
        %mul3A_385 = arith.muli %add3A, %mul3A_384 : i32
        %mul3A_386 = arith.constant 8240 : i32
        %mul3A_387 = arith.muli %sub3A_383, %mul3A_386 : i32
        %add3A_388 = arith.addi %mul3A_385, %mul3A_387 : i32
        %dma_wait3A_389 = arith.constant 1 : i32
        %dma_wait3A_390 = arith.constant 0 : i32
        %dma_wait3A_391 = tpu.memref_slice %arg10[%dma_wait3A_389, %dma_wait3A_390] : memref<2x8240xf32, #tpu.memory_space<vmem>> -> memref<1x8240xf32, #tpu.memory_space<vmem>>
        %dma_wait3A_392 = tpu.memref_squeeze %dma_wait3A_391 : memref<1x8240xf32, #tpu.memory_space<vmem>> -> memref<8240xf32, #tpu.memory_space<vmem>>
        %dma_wait3A_393 = tpu.memref_slice %arg4[%add3A_388] : memref<33751040xf32, #tpu.memory_space<hbm>> -> memref<8240xf32, #tpu.memory_space<hbm>>
        %dma_wait3A_394 = tpu.memref_slice %arg4[%add3A_388] : memref<33751040xf32, #tpu.memory_space<hbm>> -> memref<8240xf32, #tpu.memory_space<hbm>>
        %dma_wait3A_395 = arith.constant 0 : i32
        %dma_wait3A_396 = tpu.memref_slice %arg10[%dma_wait3A_389, %dma_wait3A_395] : memref<2x8240xf32, #tpu.memory_space<vmem>> -> memref<1x8240xf32, #tpu.memory_space<vmem>>
        %dma_wait3A_397 = tpu.memref_squeeze %dma_wait3A_396 : memref<1x8240xf32, #tpu.memory_space<vmem>> -> memref<8240xf32, #tpu.memory_space<vmem>>
        tpu.wait_dma2 semaphore(%arg14 : memref<!tpu.dma_semaphore, #tpu.memory_space<semaphore_mem>>) src(%dma_wait3A_397 : memref<8240xf32, #tpu.memory_space<vmem>>) dst(%dma_wait3A_394 : memref<8240xf32, #tpu.memory_space<hbm>>)
      } else {
      }
      %mul3A_315 = arith.constant 515 : i32
      %mul3A_316 = vector.broadcast %mul3A_315 : i32 to vector<16xi32>
      %mul3A_317 = arith.muli %iota3A, %mul3A_316 : vector<16xi32>
      %mul3A_318 = arith.constant 16 : i32
      %mul3A_319 = arith.muli %add3A_250, %mul3A_318 : i32
      %get3A_320 = arith.index_cast %mul3A_319 : i32 to index
      %get3A_321 = tpu.vector_load %arg5[%get3A_320] {strides = array<i32>} : memref<6144xf32, #tpu.memory_space<vmem>>, vector<16xf32>,
      %scatter3A_322 = arith.constant 1 : i32
      %scatter3A_323 = arith.constant 0 : i32
      %scatter3A_324 = tpu.memref_slice %arg10[%scatter3A_322, %scatter3A_323] : memref<2x8240xf32, #tpu.memory_space<vmem>> -> memref<1x8240xf32, #tpu.memory_space<vmem>>
      %scatter3A_325 = tpu.memref_squeeze %scatter3A_324 : memref<1x8240xf32, #tpu.memory_space<vmem>> -> memref<8240xf32, #tpu.memory_space<vmem>>
      tpu.vector_store_idx %scatter3A_325[%mul3A_317], %get3A_321 : memref<8240xf32, #tpu.memory_space<vmem>>[vector<16xi32>], vector<16xf32>,
      %mul3A_326 = arith.constant 515 : i32
      %mul3A_327 = vector.broadcast %mul3A_326 : i32 to vector<16xi32>
      %mul3A_328 = arith.muli %iota3A, %mul3A_327 : vector<16xi32>
      %add3A_329 = arith.constant 1 : i32
      %add3A_330 = vector.broadcast %add3A_329 : i32 to vector<16xi32>
      %add3A_331 = arith.addi %mul3A_328, %add3A_330 : vector<16xi32>
      %mul3A_332 = arith.constant 16 : i32
      %mul3A_333 = arith.muli %add3A_250, %mul3A_332 : i32
      %add3A_334 = arith.constant 2048 : i32
      %add3A_335 = arith.addi %add3A_334, %mul3A_333 : i32
      %get3A_336 = arith.index_cast %add3A_335 : i32 to index
      %get3A_337 = tpu.vector_load %arg5[%get3A_336] {strides = array<i32>} : memref<6144xf32, #tpu.memory_space<vmem>>, vector<16xf32>,
      %scatter3A_338 = arith.constant 1 : i32
      %scatter3A_339 = arith.constant 0 : i32
      %scatter3A_340 = tpu.memref_slice %arg10[%scatter3A_338, %scatter3A_339] : memref<2x8240xf32, #tpu.memory_space<vmem>> -> memref<1x8240xf32, #tpu.memory_space<vmem>>
      %scatter3A_341 = tpu.memref_squeeze %scatter3A_340 : memref<1x8240xf32, #tpu.memory_space<vmem>> -> memref<8240xf32, #tpu.memory_space<vmem>>
      tpu.vector_store_idx %scatter3A_341[%add3A_331], %get3A_337 : memref<8240xf32, #tpu.memory_space<vmem>>[vector<16xi32>], vector<16xf32>,
      %mul3A_342 = arith.constant 515 : i32
      %mul3A_343 = vector.broadcast %mul3A_342 : i32 to vector<16xi32>
      %mul3A_344 = arith.muli %iota3A, %mul3A_343 : vector<16xi32>
      %add3A_345 = arith.constant 2 : i32
      %add3A_346 = vector.broadcast %add3A_345 : i32 to vector<16xi32>
      %add3A_347 = arith.addi %mul3A_344, %add3A_346 : vector<16xi32>
      %mul3A_348 = arith.constant 16 : i32
      %mul3A_349 = arith.muli %add3A_250, %mul3A_348 : i32
      %add3A_350 = arith.constant 4096 : i32
      %add3A_351 = arith.addi %add3A_350, %mul3A_349 : i32
      %get3A_352 = arith.index_cast %add3A_351 : i32 to index
      %get3A_353 = tpu.vector_load %arg5[%get3A_352] {strides = array<i32>} : memref<6144xf32, #tpu.memory_space<vmem>>, vector<16xf32>,
      %scatter3A_354 = arith.constant 1 : i32
      %scatter3A_355 = arith.constant 0 : i32
      %scatter3A_356 = tpu.memref_slice %arg10[%scatter3A_354, %scatter3A_355] : memref<2x8240xf32, #tpu.memory_space<vmem>> -> memref<1x8240xf32, #tpu.memory_space<vmem>>
      %scatter3A_357 = tpu.memref_squeeze %scatter3A_356 : memref<1x8240xf32, #tpu.memory_space<vmem>> -> memref<8240xf32, #tpu.memory_space<vmem>>
      tpu.vector_store_idx %scatter3A_357[%add3A_347], %get3A_353 : memref<8240xf32, #tpu.memory_space<vmem>>[vector<16xi32>], vector<16xf32>,
      %broadcast_in_dim3A_358 = vector.broadcast %add3A_250 : i32 to vector<16xi32>
      %broadcast_in_dim3A_359 = arith.constant 0 : i32
      %broadcast_in_dim3A_360 = vector.broadcast %broadcast_in_dim3A_359 : i32 to vector<16xi32>
      %scan3A_361 = arith.constant 0 : i32
      %scan3A_362 = arith.constant 1 : i32
      %scan3A_363 = arith.constant 0 : i32
      %scan3A_364 = arith.constant 16 : i32
      %scan3A_365 = arith.addi %scan3A_363, %scan3A_364 : i32
      %scan3A_366 = arith.constant 1 : i32
      scf.for %scan3A_382 = %scan3A_363 to %scan3A_365 step %scan3A_366  : i32 {
        %broadcast_in_dim3A_383 = vector.broadcast %scan3A_382 : i32 to vector<16xi32>
        %add3A_384 = arith.constant 0 : i32
        %add3A_385 = vector.broadcast %add3A_384 : i32 to vector<16xi32>
        %add3A_386 = arith.addi %broadcast_in_dim3A_360, %add3A_385 : vector<16xi32>
        %gather3A = tpu.vector_load_idx %arg8[%add3A_386, %broadcast_in_dim3A_358, %broadcast_in_dim3A_383] : memref<4x128x16xf32, #tpu.memory_space<vmem>>[vector<16xi32>, vector<16xi32>, vector<16xi32>], vector<16xf32>,
        %pack3A = tpu.pack_subelements %gather3A, %gather3A {pack_format = #tpu.pack_format<interleaved>, positions = array<i32: 0, 1>} : vector<16xf32>, vector<16xf32> -> vector<32xbf16>
        %add3A_387 = arith.constant 1 : i32
        %add3A_388 = vector.broadcast %add3A_387 : i32 to vector<16xi32>
        %add3A_389 = arith.addi %broadcast_in_dim3A_360, %add3A_388 : vector<16xi32>
        %gather3A_390 = tpu.vector_load_idx %arg8[%add3A_389, %broadcast_in_dim3A_358, %broadcast_in_dim3A_383] : memref<4x128x16xf32, #tpu.memory_space<vmem>>[vector<16xi32>, vector<16xi32>, vector<16xi32>], vector<16xf32>,
        %pack3A_391 = tpu.pack_subelements %gather3A_390, %gather3A_390 {pack_format = #tpu.pack_format<interleaved>, positions = array<i32: 0, 1>} : vector<16xf32>, vector<16xf32> -> vector<32xbf16>
        %add3A_392 = arith.constant 2 : i32
        %add3A_393 = vector.broadcast %add3A_392 : i32 to vector<16xi32>
        %add3A_394 = arith.addi %broadcast_in_dim3A_360, %add3A_393 : vector<16xi32>
        %gather3A_395 = tpu.vector_load_idx %arg8[%add3A_394, %broadcast_in_dim3A_358, %broadcast_in_dim3A_383] : memref<4x128x16xf32, #tpu.memory_space<vmem>>[vector<16xi32>, vector<16xi32>, vector<16xi32>], vector<16xf32>,
        %pack3A_396 = tpu.pack_subelements %gather3A_395, %gather3A_395 {pack_format = #tpu.pack_format<interleaved>, positions = array<i32: 0, 1>} : vector<16xf32>, vector<16xf32> -> vector<32xbf16>
        %add3A_397 = arith.constant 3 : i32
        %add3A_398 = vector.broadcast %add3A_397 : i32 to vector<16xi32>
        %add3A_399 = arith.addi %broadcast_in_dim3A_360, %add3A_398 : vector<16xi32>
        %gather3A_400 = tpu.vector_load_idx %arg8[%add3A_399, %broadcast_in_dim3A_358, %broadcast_in_dim3A_383] : memref<4x128x16xf32, #tpu.memory_space<vmem>>[vector<16xi32>, vector<16xi32>, vector<16xi32>], vector<16xf32>,
        %pack3A_401 = tpu.pack_subelements %gather3A_400, %gather3A_400 {pack_format = #tpu.pack_format<interleaved>, positions = array<i32: 0, 1>} : vector<16xf32>, vector<16xf32> -> vector<32xbf16>
        %mul3A_402 = arith.constant 515 : i32
        %mul3A_403 = arith.muli %scan3A_382, %mul3A_402 : i32
        %add3A_404 = arith.constant 3 : i32
        %add3A_405 = arith.addi %mul3A_403, %add3A_404 : i32
        %broadcast_in_dim3A_406 = vector.broadcast %add3A_405 : i32 to vector<16xi32>
        %add3A_407 = arith.addi %broadcast_in_dim3A_406, %iota3A : vector<16xi32>
        %get3A_408 = arith.constant 1 : i32
        %get3A_409 = arith.constant 0 : i32
        %get3A_410 = arith.index_cast %get3A_408 : i32 to index
        %get3A_411 = arith.index_cast %get3A_409 : i32 to index
        %get3A_412 = arith.index_cast %scan3A_382 : i32 to index
        %get3A_413 = arith.constant 0 : index
        %get3A_414 = tpu.vector_load %arg9[%get3A_410, %get3A_411, %get3A_412, %get3A_413] {strides = array<i32>} : memref<2x4x16x256xf32, #tpu.memory_space<vmem>>, vector<16xf32>,
        %bitcast3A = vector.bitcast %get3A_414 : vector<16xf32> to vector<32xbf16>
        %get3A_415 = arith.constant 1 : i32
        %get3A_416 = arith.constant 1 : i32
        %get3A_417 = arith.index_cast %get3A_415 : i32 to index
        %get3A_418 = arith.index_cast %get3A_416 : i32 to index
        %get3A_419 = arith.index_cast %scan3A_382 : i32 to index
        %get3A_420 = arith.constant 0 : index
        %get3A_421 = tpu.vector_load %arg9[%get3A_417, %get3A_418, %get3A_419, %get3A_420] {strides = array<i32>} : memref<2x4x16x256xf32, #tpu.memory_space<vmem>>, vector<16xf32>,
        %bitcast3A_422 = vector.bitcast %get3A_421 : vector<16xf32> to vector<32xbf16>
        %get3A_423 = arith.constant 1 : i32
        %get3A_424 = arith.constant 2 : i32
        %get3A_425 = arith.index_cast %get3A_423 : i32 to index
        %get3A_426 = arith.index_cast %get3A_424 : i32 to index
        %get3A_427 = arith.index_cast %scan3A_382 : i32 to index
        %get3A_428 = arith.constant 0 : index
        %get3A_429 = tpu.vector_load %arg9[%get3A_425, %get3A_426, %get3A_427, %get3A_428] {strides = array<i32>} : memref<2x4x16x256xf32, #tpu.memory_space<vmem>>, vector<16xf32>,
        %bitcast3A_430 = vector.bitcast %get3A_429 : vector<16xf32> to vector<32xbf16>
        %get3A_431 = arith.constant 1 : i32
        %get3A_432 = arith.constant 3 : i32
        %get3A_433 = arith.index_cast %get3A_431 : i32 to index
        %get3A_434 = arith.index_cast %get3A_432 : i32 to index
        %get3A_435 = arith.index_cast %scan3A_382 : i32 to index
        %get3A_436 = arith.constant 0 : index
        %get3A_437 = tpu.vector_load %arg9[%get3A_433, %get3A_434, %get3A_435, %get3A_436] {strides = array<i32>} : memref<2x4x16x256xf32, #tpu.memory_space<vmem>>, vector<16xf32>,
        %bitcast3A_438 = vector.bitcast %get3A_437 : vector<16xf32> to vector<32xbf16>
        %get3A_439 = arith.constant 1 : i32
        %get3A_440 = arith.constant 0 : i32
        %get3A_441 = arith.index_cast %get3A_439 : i32 to index
        %get3A_442 = arith.index_cast %get3A_440 : i32 to index
        %get3A_443 = arith.index_cast %scan3A_382 : i32 to index
        %get3A_444 = arith.constant 16 : index
        %get3A_445 = tpu.vector_load %arg9[%get3A_441, %get3A_442, %get3A_443, %get3A_444] {strides = array<i32>} : memref<2x4x16x256xf32, #tpu.memory_space<vmem>>, vector<16xf32>,
        %bitcast3A_446 = vector.bitcast %get3A_445 : vector<16xf32> to vector<32xbf16>
        %get3A_447 = arith.constant 1 : i32
        %get3A_448 = arith.constant 1 : i32
        %get3A_449 = arith.index_cast %get3A_447 : i32 to index
        %get3A_450 = arith.index_cast %get3A_448 : i32 to index
        %get3A_451 = arith.index_cast %scan3A_382 : i32 to index
        %get3A_452 = arith.constant 16 : index
        %get3A_453 = tpu.vector_load %arg9[%get3A_449, %get3A_450, %get3A_451, %get3A_452] {strides = array<i32>} : memref<2x4x16x256xf32, #tpu.memory_space<vmem>>, vector<16xf32>,
        %bitcast3A_454 = vector.bitcast %get3A_453 : vector<16xf32> to vector<32xbf16>
        %get3A_455 = arith.constant 1 : i32
        %get3A_456 = arith.constant 2 : i32
        %get3A_457 = arith.index_cast %get3A_455 : i32 to index
        %get3A_458 = arith.index_cast %get3A_456 : i32 to index
        %get3A_459 = arith.index_cast %scan3A_382 : i32 to index
        %get3A_460 = arith.constant 16 : index
        %get3A_461 = tpu.vector_load %arg9[%get3A_457, %get3A_458, %get3A_459, %get3A_460] {strides = array<i32>} : memref<2x4x16x256xf32, #tpu.memory_space<vmem>>, vector<16xf32>,
        %bitcast3A_462 = vector.bitcast %get3A_461 : vector<16xf32> to vector<32xbf16>
        %get3A_463 = arith.constant 1 : i32
        %get3A_464 = arith.constant 3 : i32
        %get3A_465 = arith.index_cast %get3A_463 : i32 to index
        %get3A_466 = arith.index_cast %get3A_464 : i32 to index
        %get3A_467 = arith.index_cast %scan3A_382 : i32 to index
        %get3A_468 = arith.constant 16 : index
        %get3A_469 = tpu.vector_load %arg9[%get3A_465, %get3A_466, %get3A_467, %get3A_468] {strides = array<i32>} : memref<2x4x16x256xf32, #tpu.memory_space<vmem>>, vector<16xf32>,
        %bitcast3A_470 = vector.bitcast %get3A_469 : vector<16xf32> to vector<32xbf16>
        %get3A_471 = arith.constant 1 : i32
        %get3A_472 = arith.constant 0 : i32
        %get3A_473 = arith.index_cast %get3A_471 : i32 to index
        %get3A_474 = arith.index_cast %get3A_472 : i32 to index
        %get3A_475 = arith.index_cast %scan3A_382 : i32 to index
        %get3A_476 = arith.constant 32 : index
        %get3A_477 = tpu.vector_load %arg9[%get3A_473, %get3A_474, %get3A_475, %get3A_476] {strides = array<i32>} : memref<2x4x16x256xf32, #tpu.memory_space<vmem>>, vector<16xf32>,
        %bitcast3A_478 = vector.bitcast %get3A_477 : vector<16xf32> to vector<32xbf16>
        %get3A_479 = arith.constant 1 : i32
        %get3A_480 = arith.constant 1 : i32
        %get3A_481 = arith.index_cast %get3A_479 : i32 to index
        %get3A_482 = arith.index_cast %get3A_480 : i32 to index
        %get3A_483 = arith.index_cast %scan3A_382 : i32 to index
        %get3A_484 = arith.constant 32 : index
        %get3A_485 = tpu.vector_load %arg9[%get3A_481, %get3A_482, %get3A_483, %get3A_484] {strides = array<i32>} : memref<2x4x16x256xf32, #tpu.memory_space<vmem>>, vector<16xf32>,
        %bitcast3A_486 = vector.bitcast %get3A_485 : vector<16xf32> to vector<32xbf16>
        %get3A_487 = arith.constant 1 : i32
        %get3A_488 = arith.constant 2 : i32
        %get3A_489 = arith.index_cast %get3A_487 : i32 to index
        %get3A_490 = arith.index_cast %get3A_488 : i32 to index
        %get3A_491 = arith.index_cast %scan3A_382 : i32 to index
        %get3A_492 = arith.constant 32 : index
        %get3A_493 = tpu.vector_load %arg9[%get3A_489, %get3A_490, %get3A_491, %get3A_492] {strides = array<i32>} : memref<2x4x16x256xf32, #tpu.memory_space<vmem>>, vector<16xf32>,
        %bitcast3A_494 = vector.bitcast %get3A_493 : vector<16xf32> to vector<32xbf16>
        %get3A_495 = arith.constant 1 : i32
        %get3A_496 = arith.constant 3 : i32
        %get3A_497 = arith.index_cast %get3A_495 : i32 to index
        %get3A_498 = arith.index_cast %get3A_496 : i32 to index
        %get3A_499 = arith.index_cast %scan3A_382 : i32 to index
        %get3A_500 = arith.constant 32 : index
        %get3A_501 = tpu.vector_load %arg9[%get3A_497, %get3A_498, %get3A_499, %get3A_500] {strides = array<i32>} : memref<2x4x16x256xf32, #tpu.memory_space<vmem>>, vector<16xf32>,
        %bitcast3A_502 = vector.bitcast %get3A_501 : vector<16xf32> to vector<32xbf16>
        %get3A_503 = arith.constant 1 : i32
        %get3A_504 = arith.constant 0 : i32
        %get3A_505 = arith.index_cast %get3A_503 : i32 to index
        %get3A_506 = arith.index_cast %get3A_504 : i32 to index
        %get3A_507 = arith.index_cast %scan3A_382 : i32 to index
        %get3A_508 = arith.constant 48 : index
        %get3A_509 = tpu.vector_load %arg9[%get3A_505, %get3A_506, %get3A_507, %get3A_508] {strides = array<i32>} : memref<2x4x16x256xf32, #tpu.memory_space<vmem>>, vector<16xf32>,
        %bitcast3A_510 = vector.bitcast %get3A_509 : vector<16xf32> to vector<32xbf16>
        %get3A_511 = arith.constant 1 : i32
        %get3A_512 = arith.constant 1 : i32
        %get3A_513 = arith.index_cast %get3A_511 : i32 to index
        %get3A_514 = arith.index_cast %get3A_512 : i32 to index
        %get3A_515 = arith.index_cast %scan3A_382 : i32 to index
        %get3A_516 = arith.constant 48 : index
        %get3A_517 = tpu.vector_load %arg9[%get3A_513, %get3A_514, %get3A_515, %get3A_516] {strides = array<i32>} : memref<2x4x16x256xf32, #tpu.memory_space<vmem>>, vector<16xf32>,
        %bitcast3A_518 = vector.bitcast %get3A_517 : vector<16xf32> to vector<32xbf16>
        %get3A_519 = arith.constant 1 : i32
        %get3A_520 = arith.constant 2 : i32
        %get3A_521 = arith.index_cast %get3A_519 : i32 to index
        %get3A_522 = arith.index_cast %get3A_520 : i32 to index
        %get3A_523 = arith.index_cast %scan3A_382 : i32 to index
        %get3A_524 = arith.constant 48 : index
        %get3A_525 = tpu.vector_load %arg9[%get3A_521, %get3A_522, %get3A_523, %get3A_524] {strides = array<i32>} : memref<2x4x16x256xf32, #tpu.memory_space<vmem>>, vector<16xf32>,
        %bitcast3A_526 = vector.bitcast %get3A_525 : vector<16xf32> to vector<32xbf16>
        %get3A_527 = arith.constant 1 : i32
        %get3A_528 = arith.constant 3 : i32
        %get3A_529 = arith.index_cast %get3A_527 : i32 to index
        %get3A_530 = arith.index_cast %get3A_528 : i32 to index
        %get3A_531 = arith.index_cast %scan3A_382 : i32 to index
        %get3A_532 = arith.constant 48 : index
        %get3A_533 = tpu.vector_load %arg9[%get3A_529, %get3A_530, %get3A_531, %get3A_532] {strides = array<i32>} : memref<2x4x16x256xf32, #tpu.memory_space<vmem>>, vector<16xf32>,
        %bitcast3A_534 = vector.bitcast %get3A_533 : vector<16xf32> to vector<32xbf16>
        %mul3A_535 = arith.mulf %bitcast3A, %pack3A : vector<32xbf16>
        %mul3A_536 = arith.mulf %bitcast3A_446, %pack3A : vector<32xbf16>
        %mul3A_537 = arith.mulf %bitcast3A_422, %pack3A_391 : vector<32xbf16>
        %mul3A_538 = arith.mulf %bitcast3A_454, %pack3A_391 : vector<32xbf16>
        %mul3A_539 = arith.mulf %bitcast3A_430, %pack3A_396 : vector<32xbf16>
        %mul3A_540 = arith.mulf %bitcast3A_462, %pack3A_396 : vector<32xbf16>
        %mul3A_541 = arith.mulf %bitcast3A_438, %pack3A_401 : vector<32xbf16>
        %mul3A_542 = arith.mulf %bitcast3A_470, %pack3A_401 : vector<32xbf16>
        %add3A_543 = arith.addf %mul3A_535, %mul3A_537 : vector<32xbf16>
        %add3A_544 = arith.addf %mul3A_536, %mul3A_538 : vector<32xbf16>
        %add3A_545 = arith.addf %mul3A_539, %mul3A_541 : vector<32xbf16>
        %add3A_546 = arith.addf %mul3A_540, %mul3A_542 : vector<32xbf16>
        %add3A_547 = arith.addf %add3A_543, %add3A_545 : vector<32xbf16>
        %add3A_548 = arith.addf %add3A_544, %add3A_546 : vector<32xbf16>
        %unpack3A = tpu.unpack_subelements %add3A_547, 0 {pack_format = #tpu.pack_format<interleaved>} : vector<32xbf16> -> vector<16xf32>
        %unpack3A_549 = tpu.unpack_subelements %add3A_547, 1 {pack_format = #tpu.pack_format<interleaved>} : vector<32xbf16> -> vector<16xf32>
        %add3A_550 = arith.constant 0 : i32
        %add3A_551 = vector.broadcast %add3A_550 : i32 to vector<16xi32>
        %add3A_552 = arith.addi %add3A_407, %add3A_551 : vector<16xi32>
        %scatter3A_553 = arith.constant 0 : i32
        %scatter3A_554 = tpu.memref_slice %arg10[%scan3A_362, %scatter3A_553] : memref<2x8240xf32, #tpu.memory_space<vmem>> -> memref<1x8240xf32, #tpu.memory_space<vmem>>
        %scatter3A_555 = tpu.memref_squeeze %scatter3A_554 : memref<1x8240xf32, #tpu.memory_space<vmem>> -> memref<8240xf32, #tpu.memory_space<vmem>>
        tpu.vector_store_idx %scatter3A_555[%add3A_552], %unpack3A : memref<8240xf32, #tpu.memory_space<vmem>>[vector<16xi32>], vector<16xf32>,
        %add3A_556 = arith.constant 16 : i32
        %add3A_557 = vector.broadcast %add3A_556 : i32 to vector<16xi32>
        %add3A_558 = arith.addi %add3A_407, %add3A_557 : vector<16xi32>
        %scatter3A_559 = arith.constant 0 : i32
        %scatter3A_560 = tpu.memref_slice %arg10[%scan3A_362, %scatter3A_559] : memref<2x8240xf32, #tpu.memory_space<vmem>> -> memref<1x8240xf32, #tpu.memory_space<vmem>>
        %scatter3A_561 = tpu.memref_squeeze %scatter3A_560 : memref<1x8240xf32, #tpu.memory_space<vmem>> -> memref<8240xf32, #tpu.memory_space<vmem>>
        tpu.vector_store_idx %scatter3A_561[%add3A_558], %unpack3A_549 : memref<8240xf32, #tpu.memory_space<vmem>>[vector<16xi32>], vector<16xf32>,
        %unpack3A_562 = tpu.unpack_subelements %add3A_548, 0 {pack_format = #tpu.pack_format<interleaved>} : vector<32xbf16> -> vector<16xf32>
        %unpack3A_563 = tpu.unpack_subelements %add3A_548, 1 {pack_format = #tpu.pack_format<interleaved>} : vector<32xbf16> -> vector<16xf32>
        %add3A_564 = arith.constant 32 : i32
        %add3A_565 = vector.broadcast %add3A_564 : i32 to vector<16xi32>
        %add3A_566 = arith.addi %add3A_407, %add3A_565 : vector<16xi32>
        %scatter3A_567 = arith.constant 0 : i32
        %scatter3A_568 = tpu.memref_slice %arg10[%scan3A_362, %scatter3A_567] : memref<2x8240xf32, #tpu.memory_space<vmem>> -> memref<1x8240xf32, #tpu.memory_space<vmem>>
        %scatter3A_569 = tpu.memref_squeeze %scatter3A_568 : memref<1x8240xf32, #tpu.memory_space<vmem>> -> memref<8240xf32, #tpu.memory_space<vmem>>
        tpu.vector_store_idx %scatter3A_569[%add3A_566], %unpack3A_562 : memref<8240xf32, #tpu.memory_space<vmem>>[vector<16xi32>], vector<16xf32>,
        %add3A_570 = arith.constant 48 : i32
        %add3A_571 = vector.broadcast %add3A_570 : i32 to vector<16xi32>
        %add3A_572 = arith.addi %add3A_407, %add3A_571 : vector<16xi32>
        %scatter3A_573 = arith.constant 0 : i32
        %scatter3A_574 = tpu.memref_slice %arg10[%scan3A_362, %scatter3A_573] : memref<2x8240xf32, #tpu.memory_space<vmem>> -> memref<1x8240xf32, #tpu.memory_space<vmem>>
        %scatter3A_575 = tpu.memref_squeeze %scatter3A_574 : memref<1x8240xf32, #tpu.memory_space<vmem>> -> memref<8240xf32, #tpu.memory_space<vmem>>
        tpu.vector_store_idx %scatter3A_575[%add3A_572], %unpack3A_563 : memref<8240xf32, #tpu.memory_space<vmem>>[vector<16xi32>], vector<16xf32>,
        %get3A_576 = arith.constant 1 : i32
        %get3A_577 = arith.constant 0 : i32
        %get3A_578 = arith.index_cast %get3A_576 : i32 to index
        %get3A_579 = arith.index_cast %get3A_577 : i32 to index
        %get3A_580 = arith.index_cast %scan3A_382 : i32 to index
        %get3A_581 = arith.constant 64 : index
        %get3A_582 = tpu.vector_load %arg9[%get3A_578, %get3A_579, %get3A_580, %get3A_581] {strides = array<i32>} : memref<2x4x16x256xf32, #tpu.memory_space<vmem>>, vector<16xf32>,
        %bitcast3A_583 = vector.bitcast %get3A_582 : vector<16xf32> to vector<32xbf16>
        %get3A_584 = arith.constant 1 : i32
        %get3A_585 = arith.constant 1 : i32
        %get3A_586 = arith.index_cast %get3A_584 : i32 to index
        %get3A_587 = arith.index_cast %get3A_585 : i32 to index
        %get3A_588 = arith.index_cast %scan3A_382 : i32 to index
        %get3A_589 = arith.constant 64 : index
        %get3A_590 = tpu.vector_load %arg9[%get3A_586, %get3A_587, %get3A_588, %get3A_589] {strides = array<i32>} : memref<2x4x16x256xf32, #tpu.memory_space<vmem>>, vector<16xf32>,
        %bitcast3A_591 = vector.bitcast %get3A_590 : vector<16xf32> to vector<32xbf16>
        %get3A_592 = arith.constant 1 : i32
        %get3A_593 = arith.constant 2 : i32
        %get3A_594 = arith.index_cast %get3A_592 : i32 to index
        %get3A_595 = arith.index_cast %get3A_593 : i32 to index
        %get3A_596 = arith.index_cast %scan3A_382 : i32 to index
        %get3A_597 = arith.constant 64 : index
        %get3A_598 = tpu.vector_load %arg9[%get3A_594, %get3A_595, %get3A_596, %get3A_597] {strides = array<i32>} : memref<2x4x16x256xf32, #tpu.memory_space<vmem>>, vector<16xf32>,
        %bitcast3A_599 = vector.bitcast %get3A_598 : vector<16xf32> to vector<32xbf16>
        %get3A_600 = arith.constant 1 : i32
        %get3A_601 = arith.constant 3 : i32
        %get3A_602 = arith.index_cast %get3A_600 : i32 to index
        %get3A_603 = arith.index_cast %get3A_601 : i32 to index
        %get3A_604 = arith.index_cast %scan3A_382 : i32 to index
        %get3A_605 = arith.constant 64 : index
        %get3A_606 = tpu.vector_load %arg9[%get3A_602, %get3A_603, %get3A_604, %get3A_605] {strides = array<i32>} : memref<2x4x16x256xf32, #tpu.memory_space<vmem>>, vector<16xf32>,
        %bitcast3A_607 = vector.bitcast %get3A_606 : vector<16xf32> to vector<32xbf16>
        %get3A_608 = arith.constant 1 : i32
        %get3A_609 = arith.constant 0 : i32
        %get3A_610 = arith.index_cast %get3A_608 : i32 to index
        %get3A_611 = arith.index_cast %get3A_609 : i32 to index
        %get3A_612 = arith.index_cast %scan3A_382 : i32 to index
        %get3A_613 = arith.constant 80 : index
        %get3A_614 = tpu.vector_load %arg9[%get3A_610, %get3A_611, %get3A_612, %get3A_613] {strides = array<i32>} : memref<2x4x16x256xf32, #tpu.memory_space<vmem>>, vector<16xf32>,
        %bitcast3A_615 = vector.bitcast %get3A_614 : vector<16xf32> to vector<32xbf16>
        %get3A_616 = arith.constant 1 : i32
        %get3A_617 = arith.constant 1 : i32
        %get3A_618 = arith.index_cast %get3A_616 : i32 to index
        %get3A_619 = arith.index_cast %get3A_617 : i32 to index
        %get3A_620 = arith.index_cast %scan3A_382 : i32 to index
        %get3A_621 = arith.constant 80 : index
        %get3A_622 = tpu.vector_load %arg9[%get3A_618, %get3A_619, %get3A_620, %get3A_621] {strides = array<i32>} : memref<2x4x16x256xf32, #tpu.memory_space<vmem>>, vector<16xf32>,
        %bitcast3A_623 = vector.bitcast %get3A_622 : vector<16xf32> to vector<32xbf16>
        %get3A_624 = arith.constant 1 : i32
        %get3A_625 = arith.constant 2 : i32
        %get3A_626 = arith.index_cast %get3A_624 : i32 to index
        %get3A_627 = arith.index_cast %get3A_625 : i32 to index
        %get3A_628 = arith.index_cast %scan3A_382 : i32 to index
        %get3A_629 = arith.constant 80 : index
        %get3A_630 = tpu.vector_load %arg9[%get3A_626, %get3A_627, %get3A_628, %get3A_629] {strides = array<i32>} : memref<2x4x16x256xf32, #tpu.memory_space<vmem>>, vector<16xf32>,
        %bitcast3A_631 = vector.bitcast %get3A_630 : vector<16xf32> to vector<32xbf16>
        %get3A_632 = arith.constant 1 : i32
        %get3A_633 = arith.constant 3 : i32
        %get3A_634 = arith.index_cast %get3A_632 : i32 to index
        %get3A_635 = arith.index_cast %get3A_633 : i32 to index
        %get3A_636 = arith.index_cast %scan3A_382 : i32 to index
        %get3A_637 = arith.constant 80 : index
        %get3A_638 = tpu.vector_load %arg9[%get3A_634, %get3A_635, %get3A_636, %get3A_637] {strides = array<i32>} : memref<2x4x16x256xf32, #tpu.memory_space<vmem>>, vector<16xf32>,
        %bitcast3A_639 = vector.bitcast %get3A_638 : vector<16xf32> to vector<32xbf16>
        %mul3A_640 = arith.mulf %bitcast3A_478, %pack3A : vector<32xbf16>
        %mul3A_641 = arith.mulf %bitcast3A_510, %pack3A : vector<32xbf16>
        %mul3A_642 = arith.mulf %bitcast3A_486, %pack3A_391 : vector<32xbf16>
        %mul3A_643 = arith.mulf %bitcast3A_518, %pack3A_391 : vector<32xbf16>
        %mul3A_644 = arith.mulf %bitcast3A_494, %pack3A_396 : vector<32xbf16>
        %mul3A_645 = arith.mulf %bitcast3A_526, %pack3A_396 : vector<32xbf16>
        %mul3A_646 = arith.mulf %bitcast3A_502, %pack3A_401 : vector<32xbf16>
        %mul3A_647 = arith.mulf %bitcast3A_534, %pack3A_401 : vector<32xbf16>
        %add3A_648 = arith.addf %mul3A_640, %mul3A_642 : vector<32xbf16>
        %add3A_649 = arith.addf %mul3A_641, %mul3A_643 : vector<32xbf16>
        %add3A_650 = arith.addf %mul3A_644, %mul3A_646 : vector<32xbf16>
        %add3A_651 = arith.addf %mul3A_645, %mul3A_647 : vector<32xbf16>
        %add3A_652 = arith.addf %add3A_648, %add3A_650 : vector<32xbf16>
        %add3A_653 = arith.addf %add3A_649, %add3A_651 : vector<32xbf16>
        %unpack3A_654 = tpu.unpack_subelements %add3A_652, 0 {pack_format = #tpu.pack_format<interleaved>} : vector<32xbf16> -> vector<16xf32>
        %unpack3A_655 = tpu.unpack_subelements %add3A_652, 1 {pack_format = #tpu.pack_format<interleaved>} : vector<32xbf16> -> vector<16xf32>
        %add3A_656 = arith.constant 64 : i32
        %add3A_657 = vector.broadcast %add3A_656 : i32 to vector<16xi32>
        %add3A_658 = arith.addi %add3A_407, %add3A_657 : vector<16xi32>
        %scatter3A_659 = arith.constant 0 : i32
        %scatter3A_660 = tpu.memref_slice %arg10[%scan3A_362, %scatter3A_659] : memref<2x8240xf32, #tpu.memory_space<vmem>> -> memref<1x8240xf32, #tpu.memory_space<vmem>>
        %scatter3A_661 = tpu.memref_squeeze %scatter3A_660 : memref<1x8240xf32, #tpu.memory_space<vmem>> -> memref<8240xf32, #tpu.memory_space<vmem>>
        tpu.vector_store_idx %scatter3A_661[%add3A_658], %unpack3A_654 : memref<8240xf32, #tpu.memory_space<vmem>>[vector<16xi32>], vector<16xf32>,
        %add3A_662 = arith.constant 80 : i32
        %add3A_663 = vector.broadcast %add3A_662 : i32 to vector<16xi32>
        %add3A_664 = arith.addi %add3A_407, %add3A_663 : vector<16xi32>
        %scatter3A_665 = arith.constant 0 : i32
        %scatter3A_666 = tpu.memref_slice %arg10[%scan3A_362, %scatter3A_665] : memref<2x8240xf32, #tpu.memory_space<vmem>> -> memref<1x8240xf32, #tpu.memory_space<vmem>>
        %scatter3A_667 = tpu.memref_squeeze %scatter3A_666 : memref<1x8240xf32, #tpu.memory_space<vmem>> -> memref<8240xf32, #tpu.memory_space<vmem>>
        tpu.vector_store_idx %scatter3A_667[%add3A_664], %unpack3A_655 : memref<8240xf32, #tpu.memory_space<vmem>>[vector<16xi32>], vector<16xf32>,
        %unpack3A_668 = tpu.unpack_subelements %add3A_653, 0 {pack_format = #tpu.pack_format<interleaved>} : vector<32xbf16> -> vector<16xf32>
        %unpack3A_669 = tpu.unpack_subelements %add3A_653, 1 {pack_format = #tpu.pack_format<interleaved>} : vector<32xbf16> -> vector<16xf32>
        %add3A_670 = arith.constant 96 : i32
        %add3A_671 = vector.broadcast %add3A_670 : i32 to vector<16xi32>
        %add3A_672 = arith.addi %add3A_407, %add3A_671 : vector<16xi32>
        %scatter3A_673 = arith.constant 0 : i32
        %scatter3A_674 = tpu.memref_slice %arg10[%scan3A_362, %scatter3A_673] : memref<2x8240xf32, #tpu.memory_space<vmem>> -> memref<1x8240xf32, #tpu.memory_space<vmem>>
        %scatter3A_675 = tpu.memref_squeeze %scatter3A_674 : memref<1x8240xf32, #tpu.memory_space<vmem>> -> memref<8240xf32, #tpu.memory_space<vmem>>
        tpu.vector_store_idx %scatter3A_675[%add3A_672], %unpack3A_668 : memref<8240xf32, #tpu.memory_space<vmem>>[vector<16xi32>], vector<16xf32>,
        %add3A_676 = arith.constant 112 : i32
        %add3A_677 = vector.broadcast %add3A_676 : i32 to vector<16xi32>
        %add3A_678 = arith.addi %add3A_407, %add3A_677 : vector<16xi32>
        %scatter3A_679 = arith.constant 0 : i32
        %scatter3A_680 = tpu.memref_slice %arg10[%scan3A_362, %scatter3A_679] : memref<2x8240xf32, #tpu.memory_space<vmem>> -> memref<1x8240xf32, #tpu.memory_space<vmem>>
        %scatter3A_681 = tpu.memref_squeeze %scatter3A_680 : memref<1x8240xf32, #tpu.memory_space<vmem>> -> memref<8240xf32, #tpu.memory_space<vmem>>
        tpu.vector_store_idx %scatter3A_681[%add3A_678], %unpack3A_669 : memref<8240xf32, #tpu.memory_space<vmem>>[vector<16xi32>], vector<16xf32>,
        %get3A_682 = arith.constant 1 : i32
        %get3A_683 = arith.constant 0 : i32
        %get3A_684 = arith.index_cast %get3A_682 : i32 to index
        %get3A_685 = arith.index_cast %get3A_683 : i32 to index
        %get3A_686 = arith.index_cast %scan3A_382 : i32 to index
        %get3A_687 = arith.constant 96 : index
        %get3A_688 = tpu.vector_load %arg9[%get3A_684, %get3A_685, %get3A_686, %get3A_687] {strides = array<i32>} : memref<2x4x16x256xf32, #tpu.memory_space<vmem>>, vector<16xf32>,
        %bitcast3A_689 = vector.bitcast %get3A_688 : vector<16xf32> to vector<32xbf16>
        %get3A_690 = arith.constant 1 : i32
        %get3A_691 = arith.constant 1 : i32
        %get3A_692 = arith.index_cast %get3A_690 : i32 to index
        %get3A_693 = arith.index_cast %get3A_691 : i32 to index
        %get3A_694 = arith.index_cast %scan3A_382 : i32 to index
        %get3A_695 = arith.constant 96 : index
        %get3A_696 = tpu.vector_load %arg9[%get3A_692, %get3A_693, %get3A_694, %get3A_695] {strides = array<i32>} : memref<2x4x16x256xf32, #tpu.memory_space<vmem>>, vector<16xf32>,
        %bitcast3A_697 = vector.bitcast %get3A_696 : vector<16xf32> to vector<32xbf16>
        %get3A_698 = arith.constant 1 : i32
        %get3A_699 = arith.constant 2 : i32
        %get3A_700 = arith.index_cast %get3A_698 : i32 to index
        %get3A_701 = arith.index_cast %get3A_699 : i32 to index
        %get3A_702 = arith.index_cast %scan3A_382 : i32 to index
        %get3A_703 = arith.constant 96 : index
        %get3A_704 = tpu.vector_load %arg9[%get3A_700, %get3A_701, %get3A_702, %get3A_703] {strides = array<i32>} : memref<2x4x16x256xf32, #tpu.memory_space<vmem>>, vector<16xf32>,
        %bitcast3A_705 = vector.bitcast %get3A_704 : vector<16xf32> to vector<32xbf16>
        %get3A_706 = arith.constant 1 : i32
        %get3A_707 = arith.constant 3 : i32
        %get3A_708 = arith.index_cast %get3A_706 : i32 to index
        %get3A_709 = arith.index_cast %get3A_707 : i32 to index
        %get3A_710 = arith.index_cast %scan3A_382 : i32 to index
        %get3A_711 = arith.constant 96 : index
        %get3A_712 = tpu.vector_load %arg9[%get3A_708, %get3A_709, %get3A_710, %get3A_711] {strides = array<i32>} : memref<2x4x16x256xf32, #tpu.memory_space<vmem>>, vector<16xf32>,
        %bitcast3A_713 = vector.bitcast %get3A_712 : vector<16xf32> to vector<32xbf16>
        %get3A_714 = arith.constant 1 : i32
        %get3A_715 = arith.constant 0 : i32
        %get3A_716 = arith.index_cast %get3A_714 : i32 to index
        %get3A_717 = arith.index_cast %get3A_715 : i32 to index
        %get3A_718 = arith.index_cast %scan3A_382 : i32 to index
        %get3A_719 = arith.constant 112 : index
        %get3A_720 = tpu.vector_load %arg9[%get3A_716, %get3A_717, %get3A_718, %get3A_719] {strides = array<i32>} : memref<2x4x16x256xf32, #tpu.memory_space<vmem>>, vector<16xf32>,
        %bitcast3A_721 = vector.bitcast %get3A_720 : vector<16xf32> to vector<32xbf16>
        %get3A_722 = arith.constant 1 : i32
        %get3A_723 = arith.constant 1 : i32
        %get3A_724 = arith.index_cast %get3A_722 : i32 to index
        %get3A_725 = arith.index_cast %get3A_723 : i32 to index
        %get3A_726 = arith.index_cast %scan3A_382 : i32 to index
        %get3A_727 = arith.constant 112 : index
        %get3A_728 = tpu.vector_load %arg9[%get3A_724, %get3A_725, %get3A_726, %get3A_727] {strides = array<i32>} : memref<2x4x16x256xf32, #tpu.memory_space<vmem>>, vector<16xf32>,
        %bitcast3A_729 = vector.bitcast %get3A_728 : vector<16xf32> to vector<32xbf16>
        %get3A_730 = arith.constant 1 : i32
        %get3A_731 = arith.constant 2 : i32
        %get3A_732 = arith.index_cast %get3A_730 : i32 to index
        %get3A_733 = arith.index_cast %get3A_731 : i32 to index
        %get3A_734 = arith.index_cast %scan3A_382 : i32 to index
        %get3A_735 = arith.constant 112 : index
        %get3A_736 = tpu.vector_load %arg9[%get3A_732, %get3A_733, %get3A_734, %get3A_735] {strides = array<i32>} : memref<2x4x16x256xf32, #tpu.memory_space<vmem>>, vector<16xf32>,
        %bitcast3A_737 = vector.bitcast %get3A_736 : vector<16xf32> to vector<32xbf16>
        %get3A_738 = arith.constant 1 : i32
        %get3A_739 = arith.constant 3 : i32
        %get3A_740 = arith.index_cast %get3A_738 : i32 to index
        %get3A_741 = arith.index_cast %get3A_739 : i32 to index
        %get3A_742 = arith.index_cast %scan3A_382 : i32 to index
        %get3A_743 = arith.constant 112 : index
        %get3A_744 = tpu.vector_load %arg9[%get3A_740, %get3A_741, %get3A_742, %get3A_743] {strides = array<i32>} : memref<2x4x16x256xf32, #tpu.memory_space<vmem>>, vector<16xf32>,
        %bitcast3A_745 = vector.bitcast %get3A_744 : vector<16xf32> to vector<32xbf16>
        %mul3A_746 = arith.mulf %bitcast3A_583, %pack3A : vector<32xbf16>
        %mul3A_747 = arith.mulf %bitcast3A_615, %pack3A : vector<32xbf16>
        %mul3A_748 = arith.mulf %bitcast3A_591, %pack3A_391 : vector<32xbf16>
        %mul3A_749 = arith.mulf %bitcast3A_623, %pack3A_391 : vector<32xbf16>
        %mul3A_750 = arith.mulf %bitcast3A_599, %pack3A_396 : vector<32xbf16>
        %mul3A_751 = arith.mulf %bitcast3A_631, %pack3A_396 : vector<32xbf16>
        %mul3A_752 = arith.mulf %bitcast3A_607, %pack3A_401 : vector<32xbf16>
        %mul3A_753 = arith.mulf %bitcast3A_639, %pack3A_401 : vector<32xbf16>
        %add3A_754 = arith.addf %mul3A_746, %mul3A_748 : vector<32xbf16>
        %add3A_755 = arith.addf %mul3A_747, %mul3A_749 : vector<32xbf16>
        %add3A_756 = arith.addf %mul3A_750, %mul3A_752 : vector<32xbf16>
        %add3A_757 = arith.addf %mul3A_751, %mul3A_753 : vector<32xbf16>
        %add3A_758 = arith.addf %add3A_754, %add3A_756 : vector<32xbf16>
        %add3A_759 = arith.addf %add3A_755, %add3A_757 : vector<32xbf16>
        %unpack3A_760 = tpu.unpack_subelements %add3A_758, 0 {pack_format = #tpu.pack_format<interleaved>} : vector<32xbf16> -> vector<16xf32>
        %unpack3A_761 = tpu.unpack_subelements %add3A_758, 1 {pack_format = #tpu.pack_format<interleaved>} : vector<32xbf16> -> vector<16xf32>
        %add3A_762 = arith.constant 128 : i32
        %add3A_763 = vector.broadcast %add3A_762 : i32 to vector<16xi32>
        %add3A_764 = arith.addi %add3A_407, %add3A_763 : vector<16xi32>
        %scatter3A_765 = arith.constant 0 : i32
        %scatter3A_766 = tpu.memref_slice %arg10[%scan3A_362, %scatter3A_765] : memref<2x8240xf32, #tpu.memory_space<vmem>> -> memref<1x8240xf32, #tpu.memory_space<vmem>>
        %scatter3A_767 = tpu.memref_squeeze %scatter3A_766 : memref<1x8240xf32, #tpu.memory_space<vmem>> -> memref<8240xf32, #tpu.memory_space<vmem>>
        tpu.vector_store_idx %scatter3A_767[%add3A_764], %unpack3A_760 : memref<8240xf32, #tpu.memory_space<vmem>>[vector<16xi32>], vector<16xf32>,
        %add3A_768 = arith.constant 144 : i32
        %add3A_769 = vector.broadcast %add3A_768 : i32 to vector<16xi32>
        %add3A_770 = arith.addi %add3A_407, %add3A_769 : vector<16xi32>
        %scatter3A_771 = arith.constant 0 : i32
        %scatter3A_772 = tpu.memref_slice %arg10[%scan3A_362, %scatter3A_771] : memref<2x8240xf32, #tpu.memory_space<vmem>> -> memref<1x8240xf32, #tpu.memory_space<vmem>>
        %scatter3A_773 = tpu.memref_squeeze %scatter3A_772 : memref<1x8240xf32, #tpu.memory_space<vmem>> -> memref<8240xf32, #tpu.memory_space<vmem>>
        tpu.vector_store_idx %scatter3A_773[%add3A_770], %unpack3A_761 : memref<8240xf32, #tpu.memory_space<vmem>>[vector<16xi32>], vector<16xf32>,
        %unpack3A_774 = tpu.unpack_subelements %add3A_759, 0 {pack_format = #tpu.pack_format<interleaved>} : vector<32xbf16> -> vector<16xf32>
        %unpack3A_775 = tpu.unpack_subelements %add3A_759, 1 {pack_format = #tpu.pack_format<interleaved>} : vector<32xbf16> -> vector<16xf32>
        %add3A_776 = arith.constant 160 : i32
        %add3A_777 = vector.broadcast %add3A_776 : i32 to vector<16xi32>
        %add3A_778 = arith.addi %add3A_407, %add3A_777 : vector<16xi32>
        %scatter3A_779 = arith.constant 0 : i32
        %scatter3A_780 = tpu.memref_slice %arg10[%scan3A_362, %scatter3A_779] : memref<2x8240xf32, #tpu.memory_space<vmem>> -> memref<1x8240xf32, #tpu.memory_space<vmem>>
        %scatter3A_781 = tpu.memref_squeeze %scatter3A_780 : memref<1x8240xf32, #tpu.memory_space<vmem>> -> memref<8240xf32, #tpu.memory_space<vmem>>
        tpu.vector_store_idx %scatter3A_781[%add3A_778], %unpack3A_774 : memref<8240xf32, #tpu.memory_space<vmem>>[vector<16xi32>], vector<16xf32>,
        %add3A_782 = arith.constant 176 : i32
        %add3A_783 = vector.broadcast %add3A_782 : i32 to vector<16xi32>
        %add3A_784 = arith.addi %add3A_407, %add3A_783 : vector<16xi32>
        %scatter3A_785 = arith.constant 0 : i32
        %scatter3A_786 = tpu.memref_slice %arg10[%scan3A_362, %scatter3A_785] : memref<2x8240xf32, #tpu.memory_space<vmem>> -> memref<1x8240xf32, #tpu.memory_space<vmem>>
        %scatter3A_787 = tpu.memref_squeeze %scatter3A_786 : memref<1x8240xf32, #tpu.memory_space<vmem>> -> memref<8240xf32, #tpu.memory_space<vmem>>
        tpu.vector_store_idx %scatter3A_787[%add3A_784], %unpack3A_775 : memref<8240xf32, #tpu.memory_space<vmem>>[vector<16xi32>], vector<16xf32>,
        %get3A_788 = arith.constant 1 : i32
        %get3A_789 = arith.constant 0 : i32
        %get3A_790 = arith.index_cast %get3A_788 : i32 to index
        %get3A_791 = arith.index_cast %get3A_789 : i32 to index
        %get3A_792 = arith.index_cast %scan3A_382 : i32 to index
        %get3A_793 = arith.constant 128 : index
        %get3A_794 = tpu.vector_load %arg9[%get3A_790, %get3A_791, %get3A_792, %get3A_793] {strides = array<i32>} : memref<2x4x16x256xf32, #tpu.memory_space<vmem>>, vector<16xf32>,
        %bitcast3A_795 = vector.bitcast %get3A_794 : vector<16xf32> to vector<32xbf16>
        %get3A_796 = arith.constant 1 : i32
        %get3A_797 = arith.constant 1 : i32
        %get3A_798 = arith.index_cast %get3A_796 : i32 to index
        %get3A_799 = arith.index_cast %get3A_797 : i32 to index
        %get3A_800 = arith.index_cast %scan3A_382 : i32 to index
        %get3A_801 = arith.constant 128 : index
        %get3A_802 = tpu.vector_load %arg9[%get3A_798, %get3A_799, %get3A_800, %get3A_801] {strides = array<i32>} : memref<2x4x16x256xf32, #tpu.memory_space<vmem>>, vector<16xf32>,
        %bitcast3A_803 = vector.bitcast %get3A_802 : vector<16xf32> to vector<32xbf16>
        %get3A_804 = arith.constant 1 : i32
        %get3A_805 = arith.constant 2 : i32
        %get3A_806 = arith.index_cast %get3A_804 : i32 to index
        %get3A_807 = arith.index_cast %get3A_805 : i32 to index
        %get3A_808 = arith.index_cast %scan3A_382 : i32 to index
        %get3A_809 = arith.constant 128 : index
        %get3A_810 = tpu.vector_load %arg9[%get3A_806, %get3A_807, %get3A_808, %get3A_809] {strides = array<i32>} : memref<2x4x16x256xf32, #tpu.memory_space<vmem>>, vector<16xf32>,
        %bitcast3A_811 = vector.bitcast %get3A_810 : vector<16xf32> to vector<32xbf16>
        %get3A_812 = arith.constant 1 : i32
        %get3A_813 = arith.constant 3 : i32
        %get3A_814 = arith.index_cast %get3A_812 : i32 to index
        %get3A_815 = arith.index_cast %get3A_813 : i32 to index
        %get3A_816 = arith.index_cast %scan3A_382 : i32 to index
        %get3A_817 = arith.constant 128 : index
        %get3A_818 = tpu.vector_load %arg9[%get3A_814, %get3A_815, %get3A_816, %get3A_817] {strides = array<i32>} : memref<2x4x16x256xf32, #tpu.memory_space<vmem>>, vector<16xf32>,
        %bitcast3A_819 = vector.bitcast %get3A_818 : vector<16xf32> to vector<32xbf16>
        %get3A_820 = arith.constant 1 : i32
        %get3A_821 = arith.constant 0 : i32
        %get3A_822 = arith.index_cast %get3A_820 : i32 to index
        %get3A_823 = arith.index_cast %get3A_821 : i32 to index
        %get3A_824 = arith.index_cast %scan3A_382 : i32 to index
        %get3A_825 = arith.constant 144 : index
        %get3A_826 = tpu.vector_load %arg9[%get3A_822, %get3A_823, %get3A_824, %get3A_825] {strides = array<i32>} : memref<2x4x16x256xf32, #tpu.memory_space<vmem>>, vector<16xf32>,
        %bitcast3A_827 = vector.bitcast %get3A_826 : vector<16xf32> to vector<32xbf16>
        %get3A_828 = arith.constant 1 : i32
        %get3A_829 = arith.constant 1 : i32
        %get3A_830 = arith.index_cast %get3A_828 : i32 to index
        %get3A_831 = arith.index_cast %get3A_829 : i32 to index
        %get3A_832 = arith.index_cast %scan3A_382 : i32 to index
        %get3A_833 = arith.constant 144 : index
        %get3A_834 = tpu.vector_load %arg9[%get3A_830, %get3A_831, %get3A_832, %get3A_833] {strides = array<i32>} : memref<2x4x16x256xf32, #tpu.memory_space<vmem>>, vector<16xf32>,
        %bitcast3A_835 = vector.bitcast %get3A_834 : vector<16xf32> to vector<32xbf16>
        %get3A_836 = arith.constant 1 : i32
        %get3A_837 = arith.constant 2 : i32
        %get3A_838 = arith.index_cast %get3A_836 : i32 to index
        %get3A_839 = arith.index_cast %get3A_837 : i32 to index
        %get3A_840 = arith.index_cast %scan3A_382 : i32 to index
        %get3A_841 = arith.constant 144 : index
        %get3A_842 = tpu.vector_load %arg9[%get3A_838, %get3A_839, %get3A_840, %get3A_841] {strides = array<i32>} : memref<2x4x16x256xf32, #tpu.memory_space<vmem>>, vector<16xf32>,
        %bitcast3A_843 = vector.bitcast %get3A_842 : vector<16xf32> to vector<32xbf16>
        %get3A_844 = arith.constant 1 : i32
        %get3A_845 = arith.constant 3 : i32
        %get3A_846 = arith.index_cast %get3A_844 : i32 to index
        %get3A_847 = arith.index_cast %get3A_845 : i32 to index
        %get3A_848 = arith.index_cast %scan3A_382 : i32 to index
        %get3A_849 = arith.constant 144 : index
        %get3A_850 = tpu.vector_load %arg9[%get3A_846, %get3A_847, %get3A_848, %get3A_849] {strides = array<i32>} : memref<2x4x16x256xf32, #tpu.memory_space<vmem>>, vector<16xf32>,
        %bitcast3A_851 = vector.bitcast %get3A_850 : vector<16xf32> to vector<32xbf16>
        %mul3A_852 = arith.mulf %bitcast3A_689, %pack3A : vector<32xbf16>
        %mul3A_853 = arith.mulf %bitcast3A_721, %pack3A : vector<32xbf16>
        %mul3A_854 = arith.mulf %bitcast3A_697, %pack3A_391 : vector<32xbf16>
        %mul3A_855 = arith.mulf %bitcast3A_729, %pack3A_391 : vector<32xbf16>
        %mul3A_856 = arith.mulf %bitcast3A_705, %pack3A_396 : vector<32xbf16>
        %mul3A_857 = arith.mulf %bitcast3A_737, %pack3A_396 : vector<32xbf16>
        %mul3A_858 = arith.mulf %bitcast3A_713, %pack3A_401 : vector<32xbf16>
        %mul3A_859 = arith.mulf %bitcast3A_745, %pack3A_401 : vector<32xbf16>
        %add3A_860 = arith.addf %mul3A_852, %mul3A_854 : vector<32xbf16>
        %add3A_861 = arith.addf %mul3A_853, %mul3A_855 : vector<32xbf16>
        %add3A_862 = arith.addf %mul3A_856, %mul3A_858 : vector<32xbf16>
        %add3A_863 = arith.addf %mul3A_857, %mul3A_859 : vector<32xbf16>
        %add3A_864 = arith.addf %add3A_860, %add3A_862 : vector<32xbf16>
        %add3A_865 = arith.addf %add3A_861, %add3A_863 : vector<32xbf16>
        %unpack3A_866 = tpu.unpack_subelements %add3A_864, 0 {pack_format = #tpu.pack_format<interleaved>} : vector<32xbf16> -> vector<16xf32>
        %unpack3A_867 = tpu.unpack_subelements %add3A_864, 1 {pack_format = #tpu.pack_format<interleaved>} : vector<32xbf16> -> vector<16xf32>
        %add3A_868 = arith.constant 192 : i32
        %add3A_869 = vector.broadcast %add3A_868 : i32 to vector<16xi32>
        %add3A_870 = arith.addi %add3A_407, %add3A_869 : vector<16xi32>
        %scatter3A_871 = arith.constant 0 : i32
        %scatter3A_872 = tpu.memref_slice %arg10[%scan3A_362, %scatter3A_871] : memref<2x8240xf32, #tpu.memory_space<vmem>> -> memref<1x8240xf32, #tpu.memory_space<vmem>>
        %scatter3A_873 = tpu.memref_squeeze %scatter3A_872 : memref<1x8240xf32, #tpu.memory_space<vmem>> -> memref<8240xf32, #tpu.memory_space<vmem>>
        tpu.vector_store_idx %scatter3A_873[%add3A_870], %unpack3A_866 : memref<8240xf32, #tpu.memory_space<vmem>>[vector<16xi32>], vector<16xf32>,
        %add3A_874 = arith.constant 208 : i32
        %add3A_875 = vector.broadcast %add3A_874 : i32 to vector<16xi32>
        %add3A_876 = arith.addi %add3A_407, %add3A_875 : vector<16xi32>
        %scatter3A_877 = arith.constant 0 : i32
        %scatter3A_878 = tpu.memref_slice %arg10[%scan3A_362, %scatter3A_877] : memref<2x8240xf32, #tpu.memory_space<vmem>> -> memref<1x8240xf32, #tpu.memory_space<vmem>>
        %scatter3A_879 = tpu.memref_squeeze %scatter3A_878 : memref<1x8240xf32, #tpu.memory_space<vmem>> -> memref<8240xf32, #tpu.memory_space<vmem>>
        tpu.vector_store_idx %scatter3A_879[%add3A_876], %unpack3A_867 : memref<8240xf32, #tpu.memory_space<vmem>>[vector<16xi32>], vector<16xf32>,
        %unpack3A_880 = tpu.unpack_subelements %add3A_865, 0 {pack_format = #tpu.pack_format<interleaved>} : vector<32xbf16> -> vector<16xf32>
        %unpack3A_881 = tpu.unpack_subelements %add3A_865, 1 {pack_format = #tpu.pack_format<interleaved>} : vector<32xbf16> -> vector<16xf32>
        %add3A_882 = arith.constant 224 : i32
        %add3A_883 = vector.broadcast %add3A_882 : i32 to vector<16xi32>
        %add3A_884 = arith.addi %add3A_407, %add3A_883 : vector<16xi32>
        %scatter3A_885 = arith.constant 0 : i32
        %scatter3A_886 = tpu.memref_slice %arg10[%scan3A_362, %scatter3A_885] : memref<2x8240xf32, #tpu.memory_space<vmem>> -> memref<1x8240xf32, #tpu.memory_space<vmem>>
        %scatter3A_887 = tpu.memref_squeeze %scatter3A_886 : memref<1x8240xf32, #tpu.memory_space<vmem>> -> memref<8240xf32, #tpu.memory_space<vmem>>
        tpu.vector_store_idx %scatter3A_887[%add3A_884], %unpack3A_880 : memref<8240xf32, #tpu.memory_space<vmem>>[vector<16xi32>], vector<16xf32>,
        %add3A_888 = arith.constant 240 : i32
        %add3A_889 = vector.broadcast %add3A_888 : i32 to vector<16xi32>
        %add3A_890 = arith.addi %add3A_407, %add3A_889 : vector<16xi32>
        %scatter3A_891 = arith.constant 0 : i32
        %scatter3A_892 = tpu.memref_slice %arg10[%scan3A_362, %scatter3A_891] : memref<2x8240xf32, #tpu.memory_space<vmem>> -> memref<1x8240xf32, #tpu.memory_space<vmem>>
        %scatter3A_893 = tpu.memref_squeeze %scatter3A_892 : memref<1x8240xf32, #tpu.memory_space<vmem>> -> memref<8240xf32, #tpu.memory_space<vmem>>
        tpu.vector_store_idx %scatter3A_893[%add3A_890], %unpack3A_881 : memref<8240xf32, #tpu.memory_space<vmem>>[vector<16xi32>], vector<16xf32>,
        %get3A_894 = arith.constant 1 : i32
        %get3A_895 = arith.constant 0 : i32
        %get3A_896 = arith.index_cast %get3A_894 : i32 to index
        %get3A_897 = arith.index_cast %get3A_895 : i32 to index
        %get3A_898 = arith.index_cast %scan3A_382 : i32 to index
        %get3A_899 = arith.constant 160 : index
        %get3A_900 = tpu.vector_load %arg9[%get3A_896, %get3A_897, %get3A_898, %get3A_899] {strides = array<i32>} : memref<2x4x16x256xf32, #tpu.memory_space<vmem>>, vector<16xf32>,
        %bitcast3A_901 = vector.bitcast %get3A_900 : vector<16xf32> to vector<32xbf16>
        %get3A_902 = arith.constant 1 : i32
        %get3A_903 = arith.constant 1 : i32
        %get3A_904 = arith.index_cast %get3A_902 : i32 to index
        %get3A_905 = arith.index_cast %get3A_903 : i32 to index
        %get3A_906 = arith.index_cast %scan3A_382 : i32 to index
        %get3A_907 = arith.constant 160 : index
        %get3A_908 = tpu.vector_load %arg9[%get3A_904, %get3A_905, %get3A_906, %get3A_907] {strides = array<i32>} : memref<2x4x16x256xf32, #tpu.memory_space<vmem>>, vector<16xf32>,
        %bitcast3A_909 = vector.bitcast %get3A_908 : vector<16xf32> to vector<32xbf16>
        %get3A_910 = arith.constant 1 : i32
        %get3A_911 = arith.constant 2 : i32
        %get3A_912 = arith.index_cast %get3A_910 : i32 to index
        %get3A_913 = arith.index_cast %get3A_911 : i32 to index
        %get3A_914 = arith.index_cast %scan3A_382 : i32 to index
        %get3A_915 = arith.constant 160 : index
        %get3A_916 = tpu.vector_load %arg9[%get3A_912, %get3A_913, %get3A_914, %get3A_915] {strides = array<i32>} : memref<2x4x16x256xf32, #tpu.memory_space<vmem>>, vector<16xf32>,
        %bitcast3A_917 = vector.bitcast %get3A_916 : vector<16xf32> to vector<32xbf16>
        %get3A_918 = arith.constant 1 : i32
        %get3A_919 = arith.constant 3 : i32
        %get3A_920 = arith.index_cast %get3A_918 : i32 to index
        %get3A_921 = arith.index_cast %get3A_919 : i32 to index
        %get3A_922 = arith.index_cast %scan3A_382 : i32 to index
        %get3A_923 = arith.constant 160 : index
        %get3A_924 = tpu.vector_load %arg9[%get3A_920, %get3A_921, %get3A_922, %get3A_923] {strides = array<i32>} : memref<2x4x16x256xf32, #tpu.memory_space<vmem>>, vector<16xf32>,
        %bitcast3A_925 = vector.bitcast %get3A_924 : vector<16xf32> to vector<32xbf16>
        %get3A_926 = arith.constant 1 : i32
        %get3A_927 = arith.constant 0 : i32
        %get3A_928 = arith.index_cast %get3A_926 : i32 to index
        %get3A_929 = arith.index_cast %get3A_927 : i32 to index
        %get3A_930 = arith.index_cast %scan3A_382 : i32 to index
        %get3A_931 = arith.constant 176 : index
        %get3A_932 = tpu.vector_load %arg9[%get3A_928, %get3A_929, %get3A_930, %get3A_931] {strides = array<i32>} : memref<2x4x16x256xf32, #tpu.memory_space<vmem>>, vector<16xf32>,
        %bitcast3A_933 = vector.bitcast %get3A_932 : vector<16xf32> to vector<32xbf16>
        %get3A_934 = arith.constant 1 : i32
        %get3A_935 = arith.constant 1 : i32
        %get3A_936 = arith.index_cast %get3A_934 : i32 to index
        %get3A_937 = arith.index_cast %get3A_935 : i32 to index
        %get3A_938 = arith.index_cast %scan3A_382 : i32 to index
        %get3A_939 = arith.constant 176 : index
        %get3A_940 = tpu.vector_load %arg9[%get3A_936, %get3A_937, %get3A_938, %get3A_939] {strides = array<i32>} : memref<2x4x16x256xf32, #tpu.memory_space<vmem>>, vector<16xf32>,
        %bitcast3A_941 = vector.bitcast %get3A_940 : vector<16xf32> to vector<32xbf16>
        %get3A_942 = arith.constant 1 : i32
        %get3A_943 = arith.constant 2 : i32
        %get3A_944 = arith.index_cast %get3A_942 : i32 to index
        %get3A_945 = arith.index_cast %get3A_943 : i32 to index
        %get3A_946 = arith.index_cast %scan3A_382 : i32 to index
        %get3A_947 = arith.constant 176 : index
        %get3A_948 = tpu.vector_load %arg9[%get3A_944, %get3A_945, %get3A_946, %get3A_947] {strides = array<i32>} : memref<2x4x16x256xf32, #tpu.memory_space<vmem>>, vector<16xf32>,
        %bitcast3A_949 = vector.bitcast %get3A_948 : vector<16xf32> to vector<32xbf16>
        %get3A_950 = arith.constant 1 : i32
        %get3A_951 = arith.constant 3 : i32
        %get3A_952 = arith.index_cast %get3A_950 : i32 to index
        %get3A_953 = arith.index_cast %get3A_951 : i32 to index
        %get3A_954 = arith.index_cast %scan3A_382 : i32 to index
        %get3A_955 = arith.constant 176 : index
        %get3A_956 = tpu.vector_load %arg9[%get3A_952, %get3A_953, %get3A_954, %get3A_955] {strides = array<i32>} : memref<2x4x16x256xf32, #tpu.memory_space<vmem>>, vector<16xf32>,
        %bitcast3A_957 = vector.bitcast %get3A_956 : vector<16xf32> to vector<32xbf16>
        %mul3A_958 = arith.mulf %bitcast3A_795, %pack3A : vector<32xbf16>
        %mul3A_959 = arith.mulf %bitcast3A_827, %pack3A : vector<32xbf16>
        %mul3A_960 = arith.mulf %bitcast3A_803, %pack3A_391 : vector<32xbf16>
        %mul3A_961 = arith.mulf %bitcast3A_835, %pack3A_391 : vector<32xbf16>
        %mul3A_962 = arith.mulf %bitcast3A_811, %pack3A_396 : vector<32xbf16>
        %mul3A_963 = arith.mulf %bitcast3A_843, %pack3A_396 : vector<32xbf16>
        %mul3A_964 = arith.mulf %bitcast3A_819, %pack3A_401 : vector<32xbf16>
        %mul3A_965 = arith.mulf %bitcast3A_851, %pack3A_401 : vector<32xbf16>
        %add3A_966 = arith.addf %mul3A_958, %mul3A_960 : vector<32xbf16>
        %add3A_967 = arith.addf %mul3A_959, %mul3A_961 : vector<32xbf16>
        %add3A_968 = arith.addf %mul3A_962, %mul3A_964 : vector<32xbf16>
        %add3A_969 = arith.addf %mul3A_963, %mul3A_965 : vector<32xbf16>
        %add3A_970 = arith.addf %add3A_966, %add3A_968 : vector<32xbf16>
        %add3A_971 = arith.addf %add3A_967, %add3A_969 : vector<32xbf16>
        %unpack3A_972 = tpu.unpack_subelements %add3A_970, 0 {pack_format = #tpu.pack_format<interleaved>} : vector<32xbf16> -> vector<16xf32>
        %unpack3A_973 = tpu.unpack_subelements %add3A_970, 1 {pack_format = #tpu.pack_format<interleaved>} : vector<32xbf16> -> vector<16xf32>
        %add3A_974 = arith.constant 256 : i32
        %add3A_975 = vector.broadcast %add3A_974 : i32 to vector<16xi32>
        %add3A_976 = arith.addi %add3A_407, %add3A_975 : vector<16xi32>
        %scatter3A_977 = arith.constant 0 : i32
        %scatter3A_978 = tpu.memref_slice %arg10[%scan3A_362, %scatter3A_977] : memref<2x8240xf32, #tpu.memory_space<vmem>> -> memref<1x8240xf32, #tpu.memory_space<vmem>>
        %scatter3A_979 = tpu.memref_squeeze %scatter3A_978 : memref<1x8240xf32, #tpu.memory_space<vmem>> -> memref<8240xf32, #tpu.memory_space<vmem>>
        tpu.vector_store_idx %scatter3A_979[%add3A_976], %unpack3A_972 : memref<8240xf32, #tpu.memory_space<vmem>>[vector<16xi32>], vector<16xf32>,
        %add3A_980 = arith.constant 272 : i32
        %add3A_981 = vector.broadcast %add3A_980 : i32 to vector<16xi32>
        %add3A_982 = arith.addi %add3A_407, %add3A_981 : vector<16xi32>
        %scatter3A_983 = arith.constant 0 : i32
        %scatter3A_984 = tpu.memref_slice %arg10[%scan3A_362, %scatter3A_983] : memref<2x8240xf32, #tpu.memory_space<vmem>> -> memref<1x8240xf32, #tpu.memory_space<vmem>>
        %scatter3A_985 = tpu.memref_squeeze %scatter3A_984 : memref<1x8240xf32, #tpu.memory_space<vmem>> -> memref<8240xf32, #tpu.memory_space<vmem>>
        tpu.vector_store_idx %scatter3A_985[%add3A_982], %unpack3A_973 : memref<8240xf32, #tpu.memory_space<vmem>>[vector<16xi32>], vector<16xf32>,
        %unpack3A_986 = tpu.unpack_subelements %add3A_971, 0 {pack_format = #tpu.pack_format<interleaved>} : vector<32xbf16> -> vector<16xf32>
        %unpack3A_987 = tpu.unpack_subelements %add3A_971, 1 {pack_format = #tpu.pack_format<interleaved>} : vector<32xbf16> -> vector<16xf32>
        %add3A_988 = arith.constant 288 : i32
        %add3A_989 = vector.broadcast %add3A_988 : i32 to vector<16xi32>
        %add3A_990 = arith.addi %add3A_407, %add3A_989 : vector<16xi32>
        %scatter3A_991 = arith.constant 0 : i32
        %scatter3A_992 = tpu.memref_slice %arg10[%scan3A_362, %scatter3A_991] : memref<2x8240xf32, #tpu.memory_space<vmem>> -> memref<1x8240xf32, #tpu.memory_space<vmem>>
        %scatter3A_993 = tpu.memref_squeeze %scatter3A_992 : memref<1x8240xf32, #tpu.memory_space<vmem>> -> memref<8240xf32, #tpu.memory_space<vmem>>
        tpu.vector_store_idx %scatter3A_993[%add3A_990], %unpack3A_986 : memref<8240xf32, #tpu.memory_space<vmem>>[vector<16xi32>], vector<16xf32>,
        %add3A_994 = arith.constant 304 : i32
        %add3A_995 = vector.broadcast %add3A_994 : i32 to vector<16xi32>
        %add3A_996 = arith.addi %add3A_407, %add3A_995 : vector<16xi32>
        %scatter3A_997 = arith.constant 0 : i32
        %scatter3A_998 = tpu.memref_slice %arg10[%scan3A_362, %scatter3A_997] : memref<2x8240xf32, #tpu.memory_space<vmem>> -> memref<1x8240xf32, #tpu.memory_space<vmem>>
        %scatter3A_999 = tpu.memref_squeeze %scatter3A_998 : memref<1x8240xf32, #tpu.memory_space<vmem>> -> memref<8240xf32, #tpu.memory_space<vmem>>
        tpu.vector_store_idx %scatter3A_999[%add3A_996], %unpack3A_987 : memref<8240xf32, #tpu.memory_space<vmem>>[vector<16xi32>], vector<16xf32>,
        %get3A_1000 = arith.constant 1 : i32
        %get3A_1001 = arith.constant 0 : i32
        %get3A_1002 = arith.index_cast %get3A_1000 : i32 to index
        %get3A_1003 = arith.index_cast %get3A_1001 : i32 to index
        %get3A_1004 = arith.index_cast %scan3A_382 : i32 to index
        %get3A_1005 = arith.constant 192 : index
        %get3A_1006 = tpu.vector_load %arg9[%get3A_1002, %get3A_1003, %get3A_1004, %get3A_1005] {strides = array<i32>} : memref<2x4x16x256xf32, #tpu.memory_space<vmem>>, vector<16xf32>,
        %bitcast3A_1007 = vector.bitcast %get3A_1006 : vector<16xf32> to vector<32xbf16>
        %get3A_1008 = arith.constant 1 : i32
        %get3A_1009 = arith.constant 1 : i32
        %get3A_1010 = arith.index_cast %get3A_1008 : i32 to index
        %get3A_1011 = arith.index_cast %get3A_1009 : i32 to index
        %get3A_1012 = arith.index_cast %scan3A_382 : i32 to index
        %get3A_1013 = arith.constant 192 : index
        %get3A_1014 = tpu.vector_load %arg9[%get3A_1010, %get3A_1011, %get3A_1012, %get3A_1013] {strides = array<i32>} : memref<2x4x16x256xf32, #tpu.memory_space<vmem>>, vector<16xf32>,
        %bitcast3A_1015 = vector.bitcast %get3A_1014 : vector<16xf32> to vector<32xbf16>
        %get3A_1016 = arith.constant 1 : i32
        %get3A_1017 = arith.constant 2 : i32
        %get3A_1018 = arith.index_cast %get3A_1016 : i32 to index
        %get3A_1019 = arith.index_cast %get3A_1017 : i32 to index
        %get3A_1020 = arith.index_cast %scan3A_382 : i32 to index
        %get3A_1021 = arith.constant 192 : index
        %get3A_1022 = tpu.vector_load %arg9[%get3A_1018, %get3A_1019, %get3A_1020, %get3A_1021] {strides = array<i32>} : memref<2x4x16x256xf32, #tpu.memory_space<vmem>>, vector<16xf32>,
        %bitcast3A_1023 = vector.bitcast %get3A_1022 : vector<16xf32> to vector<32xbf16>
        %get3A_1024 = arith.constant 1 : i32
        %get3A_1025 = arith.constant 3 : i32
        %get3A_1026 = arith.index_cast %get3A_1024 : i32 to index
        %get3A_1027 = arith.index_cast %get3A_1025 : i32 to index
        %get3A_1028 = arith.index_cast %scan3A_382 : i32 to index
        %get3A_1029 = arith.constant 192 : index
        %get3A_1030 = tpu.vector_load %arg9[%get3A_1026, %get3A_1027, %get3A_1028, %get3A_1029] {strides = array<i32>} : memref<2x4x16x256xf32, #tpu.memory_space<vmem>>, vector<16xf32>,
        %bitcast3A_1031 = vector.bitcast %get3A_1030 : vector<16xf32> to vector<32xbf16>
        %get3A_1032 = arith.constant 1 : i32
        %get3A_1033 = arith.constant 0 : i32
        %get3A_1034 = arith.index_cast %get3A_1032 : i32 to index
        %get3A_1035 = arith.index_cast %get3A_1033 : i32 to index
        %get3A_1036 = arith.index_cast %scan3A_382 : i32 to index
        %get3A_1037 = arith.constant 208 : index
        %get3A_1038 = tpu.vector_load %arg9[%get3A_1034, %get3A_1035, %get3A_1036, %get3A_1037] {strides = array<i32>} : memref<2x4x16x256xf32, #tpu.memory_space<vmem>>, vector<16xf32>,
        %bitcast3A_1039 = vector.bitcast %get3A_1038 : vector<16xf32> to vector<32xbf16>
        %get3A_1040 = arith.constant 1 : i32
        %get3A_1041 = arith.constant 1 : i32
        %get3A_1042 = arith.index_cast %get3A_1040 : i32 to index
        %get3A_1043 = arith.index_cast %get3A_1041 : i32 to index
        %get3A_1044 = arith.index_cast %scan3A_382 : i32 to index
        %get3A_1045 = arith.constant 208 : index
        %get3A_1046 = tpu.vector_load %arg9[%get3A_1042, %get3A_1043, %get3A_1044, %get3A_1045] {strides = array<i32>} : memref<2x4x16x256xf32, #tpu.memory_space<vmem>>, vector<16xf32>,
        %bitcast3A_1047 = vector.bitcast %get3A_1046 : vector<16xf32> to vector<32xbf16>
        %get3A_1048 = arith.constant 1 : i32
        %get3A_1049 = arith.constant 2 : i32
        %get3A_1050 = arith.index_cast %get3A_1048 : i32 to index
        %get3A_1051 = arith.index_cast %get3A_1049 : i32 to index
        %get3A_1052 = arith.index_cast %scan3A_382 : i32 to index
        %get3A_1053 = arith.constant 208 : index
        %get3A_1054 = tpu.vector_load %arg9[%get3A_1050, %get3A_1051, %get3A_1052, %get3A_1053] {strides = array<i32>} : memref<2x4x16x256xf32, #tpu.memory_space<vmem>>, vector<16xf32>,
        %bitcast3A_1055 = vector.bitcast %get3A_1054 : vector<16xf32> to vector<32xbf16>
        %get3A_1056 = arith.constant 1 : i32
        %get3A_1057 = arith.constant 3 : i32
        %get3A_1058 = arith.index_cast %get3A_1056 : i32 to index
        %get3A_1059 = arith.index_cast %get3A_1057 : i32 to index
        %get3A_1060 = arith.index_cast %scan3A_382 : i32 to index
        %get3A_1061 = arith.constant 208 : index
        %get3A_1062 = tpu.vector_load %arg9[%get3A_1058, %get3A_1059, %get3A_1060, %get3A_1061] {strides = array<i32>} : memref<2x4x16x256xf32, #tpu.memory_space<vmem>>, vector<16xf32>,
        %bitcast3A_1063 = vector.bitcast %get3A_1062 : vector<16xf32> to vector<32xbf16>
        %mul3A_1064 = arith.mulf %bitcast3A_901, %pack3A : vector<32xbf16>
        %mul3A_1065 = arith.mulf %bitcast3A_933, %pack3A : vector<32xbf16>
        %mul3A_1066 = arith.mulf %bitcast3A_909, %pack3A_391 : vector<32xbf16>
        %mul3A_1067 = arith.mulf %bitcast3A_941, %pack3A_391 : vector<32xbf16>
        %mul3A_1068 = arith.mulf %bitcast3A_917, %pack3A_396 : vector<32xbf16>
        %mul3A_1069 = arith.mulf %bitcast3A_949, %pack3A_396 : vector<32xbf16>
        %mul3A_1070 = arith.mulf %bitcast3A_925, %pack3A_401 : vector<32xbf16>
        %mul3A_1071 = arith.mulf %bitcast3A_957, %pack3A_401 : vector<32xbf16>
        %add3A_1072 = arith.addf %mul3A_1064, %mul3A_1066 : vector<32xbf16>
        %add3A_1073 = arith.addf %mul3A_1065, %mul3A_1067 : vector<32xbf16>
        %add3A_1074 = arith.addf %mul3A_1068, %mul3A_1070 : vector<32xbf16>
        %add3A_1075 = arith.addf %mul3A_1069, %mul3A_1071 : vector<32xbf16>
        %add3A_1076 = arith.addf %add3A_1072, %add3A_1074 : vector<32xbf16>
        %add3A_1077 = arith.addf %add3A_1073, %add3A_1075 : vector<32xbf16>
        %unpack3A_1078 = tpu.unpack_subelements %add3A_1076, 0 {pack_format = #tpu.pack_format<interleaved>} : vector<32xbf16> -> vector<16xf32>
        %unpack3A_1079 = tpu.unpack_subelements %add3A_1076, 1 {pack_format = #tpu.pack_format<interleaved>} : vector<32xbf16> -> vector<16xf32>
        %add3A_1080 = arith.constant 320 : i32
        %add3A_1081 = vector.broadcast %add3A_1080 : i32 to vector<16xi32>
        %add3A_1082 = arith.addi %add3A_407, %add3A_1081 : vector<16xi32>
        %scatter3A_1083 = arith.constant 0 : i32
        %scatter3A_1084 = tpu.memref_slice %arg10[%scan3A_362, %scatter3A_1083] : memref<2x8240xf32, #tpu.memory_space<vmem>> -> memref<1x8240xf32, #tpu.memory_space<vmem>>
        %scatter3A_1085 = tpu.memref_squeeze %scatter3A_1084 : memref<1x8240xf32, #tpu.memory_space<vmem>> -> memref<8240xf32, #tpu.memory_space<vmem>>
        tpu.vector_store_idx %scatter3A_1085[%add3A_1082], %unpack3A_1078 : memref<8240xf32, #tpu.memory_space<vmem>>[vector<16xi32>], vector<16xf32>,
        %add3A_1086 = arith.constant 336 : i32
        %add3A_1087 = vector.broadcast %add3A_1086 : i32 to vector<16xi32>
        %add3A_1088 = arith.addi %add3A_407, %add3A_1087 : vector<16xi32>
        %scatter3A_1089 = arith.constant 0 : i32
        %scatter3A_1090 = tpu.memref_slice %arg10[%scan3A_362, %scatter3A_1089] : memref<2x8240xf32, #tpu.memory_space<vmem>> -> memref<1x8240xf32, #tpu.memory_space<vmem>>
        %scatter3A_1091 = tpu.memref_squeeze %scatter3A_1090 : memref<1x8240xf32, #tpu.memory_space<vmem>> -> memref<8240xf32, #tpu.memory_space<vmem>>
        tpu.vector_store_idx %scatter3A_1091[%add3A_1088], %unpack3A_1079 : memref<8240xf32, #tpu.memory_space<vmem>>[vector<16xi32>], vector<16xf32>,
        %unpack3A_1092 = tpu.unpack_subelements %add3A_1077, 0 {pack_format = #tpu.pack_format<interleaved>} : vector<32xbf16> -> vector<16xf32>
        %unpack3A_1093 = tpu.unpack_subelements %add3A_1077, 1 {pack_format = #tpu.pack_format<interleaved>} : vector<32xbf16> -> vector<16xf32>
        %add3A_1094 = arith.constant 352 : i32
        %add3A_1095 = vector.broadcast %add3A_1094 : i32 to vector<16xi32>
        %add3A_1096 = arith.addi %add3A_407, %add3A_1095 : vector<16xi32>
        %scatter3A_1097 = arith.constant 0 : i32
        %scatter3A_1098 = tpu.memref_slice %arg10[%scan3A_362, %scatter3A_1097] : memref<2x8240xf32, #tpu.memory_space<vmem>> -> memref<1x8240xf32, #tpu.memory_space<vmem>>
        %scatter3A_1099 = tpu.memref_squeeze %scatter3A_1098 : memref<1x8240xf32, #tpu.memory_space<vmem>> -> memref<8240xf32, #tpu.memory_space<vmem>>
        tpu.vector_store_idx %scatter3A_1099[%add3A_1096], %unpack3A_1092 : memref<8240xf32, #tpu.memory_space<vmem>>[vector<16xi32>], vector<16xf32>,
        %add3A_1100 = arith.constant 368 : i32
        %add3A_1101 = vector.broadcast %add3A_1100 : i32 to vector<16xi32>
        %add3A_1102 = arith.addi %add3A_407, %add3A_1101 : vector<16xi32>
        %scatter3A_1103 = arith.constant 0 : i32
        %scatter3A_1104 = tpu.memref_slice %arg10[%scan3A_362, %scatter3A_1103] : memref<2x8240xf32, #tpu.memory_space<vmem>> -> memref<1x8240xf32, #tpu.memory_space<vmem>>
        %scatter3A_1105 = tpu.memref_squeeze %scatter3A_1104 : memref<1x8240xf32, #tpu.memory_space<vmem>> -> memref<8240xf32, #tpu.memory_space<vmem>>
        tpu.vector_store_idx %scatter3A_1105[%add3A_1102], %unpack3A_1093 : memref<8240xf32, #tpu.memory_space<vmem>>[vector<16xi32>], vector<16xf32>,
        %get3A_1106 = arith.constant 1 : i32
        %get3A_1107 = arith.constant 0 : i32
        %get3A_1108 = arith.index_cast %get3A_1106 : i32 to index
        %get3A_1109 = arith.index_cast %get3A_1107 : i32 to index
        %get3A_1110 = arith.index_cast %scan3A_382 : i32 to index
        %get3A_1111 = arith.constant 224 : index
        %get3A_1112 = tpu.vector_load %arg9[%get3A_1108, %get3A_1109, %get3A_1110, %get3A_1111] {strides = array<i32>} : memref<2x4x16x256xf32, #tpu.memory_space<vmem>>, vector<16xf32>,
        %bitcast3A_1113 = vector.bitcast %get3A_1112 : vector<16xf32> to vector<32xbf16>
        %get3A_1114 = arith.constant 1 : i32
        %get3A_1115 = arith.constant 1 : i32
        %get3A_1116 = arith.index_cast %get3A_1114 : i32 to index
        %get3A_1117 = arith.index_cast %get3A_1115 : i32 to index
        %get3A_1118 = arith.index_cast %scan3A_382 : i32 to index
        %get3A_1119 = arith.constant 224 : index
        %get3A_1120 = tpu.vector_load %arg9[%get3A_1116, %get3A_1117, %get3A_1118, %get3A_1119] {strides = array<i32>} : memref<2x4x16x256xf32, #tpu.memory_space<vmem>>, vector<16xf32>,
        %bitcast3A_1121 = vector.bitcast %get3A_1120 : vector<16xf32> to vector<32xbf16>
        %get3A_1122 = arith.constant 1 : i32
        %get3A_1123 = arith.constant 2 : i32
        %get3A_1124 = arith.index_cast %get3A_1122 : i32 to index
        %get3A_1125 = arith.index_cast %get3A_1123 : i32 to index
        %get3A_1126 = arith.index_cast %scan3A_382 : i32 to index
        %get3A_1127 = arith.constant 224 : index
        %get3A_1128 = tpu.vector_load %arg9[%get3A_1124, %get3A_1125, %get3A_1126, %get3A_1127] {strides = array<i32>} : memref<2x4x16x256xf32, #tpu.memory_space<vmem>>, vector<16xf32>,
        %bitcast3A_1129 = vector.bitcast %get3A_1128 : vector<16xf32> to vector<32xbf16>
        %get3A_1130 = arith.constant 1 : i32
        %get3A_1131 = arith.constant 3 : i32
        %get3A_1132 = arith.index_cast %get3A_1130 : i32 to index
        %get3A_1133 = arith.index_cast %get3A_1131 : i32 to index
        %get3A_1134 = arith.index_cast %scan3A_382 : i32 to index
        %get3A_1135 = arith.constant 224 : index
        %get3A_1136 = tpu.vector_load %arg9[%get3A_1132, %get3A_1133, %get3A_1134, %get3A_1135] {strides = array<i32>} : memref<2x4x16x256xf32, #tpu.memory_space<vmem>>, vector<16xf32>,
        %bitcast3A_1137 = vector.bitcast %get3A_1136 : vector<16xf32> to vector<32xbf16>
        %get3A_1138 = arith.constant 1 : i32
        %get3A_1139 = arith.constant 0 : i32
        %get3A_1140 = arith.index_cast %get3A_1138 : i32 to index
        %get3A_1141 = arith.index_cast %get3A_1139 : i32 to index
        %get3A_1142 = arith.index_cast %scan3A_382 : i32 to index
        %get3A_1143 = arith.constant 240 : index
        %get3A_1144 = tpu.vector_load %arg9[%get3A_1140, %get3A_1141, %get3A_1142, %get3A_1143] {strides = array<i32>} : memref<2x4x16x256xf32, #tpu.memory_space<vmem>>, vector<16xf32>,
        %bitcast3A_1145 = vector.bitcast %get3A_1144 : vector<16xf32> to vector<32xbf16>
        %get3A_1146 = arith.constant 1 : i32
        %get3A_1147 = arith.constant 1 : i32
        %get3A_1148 = arith.index_cast %get3A_1146 : i32 to index
        %get3A_1149 = arith.index_cast %get3A_1147 : i32 to index
        %get3A_1150 = arith.index_cast %scan3A_382 : i32 to index
        %get3A_1151 = arith.constant 240 : index
        %get3A_1152 = tpu.vector_load %arg9[%get3A_1148, %get3A_1149, %get3A_1150, %get3A_1151] {strides = array<i32>} : memref<2x4x16x256xf32, #tpu.memory_space<vmem>>, vector<16xf32>,
        %bitcast3A_1153 = vector.bitcast %get3A_1152 : vector<16xf32> to vector<32xbf16>
        %get3A_1154 = arith.constant 1 : i32
        %get3A_1155 = arith.constant 2 : i32
        %get3A_1156 = arith.index_cast %get3A_1154 : i32 to index
        %get3A_1157 = arith.index_cast %get3A_1155 : i32 to index
        %get3A_1158 = arith.index_cast %scan3A_382 : i32 to index
        %get3A_1159 = arith.constant 240 : index
        %get3A_1160 = tpu.vector_load %arg9[%get3A_1156, %get3A_1157, %get3A_1158, %get3A_1159] {strides = array<i32>} : memref<2x4x16x256xf32, #tpu.memory_space<vmem>>, vector<16xf32>,
        %bitcast3A_1161 = vector.bitcast %get3A_1160 : vector<16xf32> to vector<32xbf16>
        %get3A_1162 = arith.constant 1 : i32
        %get3A_1163 = arith.constant 3 : i32
        %get3A_1164 = arith.index_cast %get3A_1162 : i32 to index
        %get3A_1165 = arith.index_cast %get3A_1163 : i32 to index
        %get3A_1166 = arith.index_cast %scan3A_382 : i32 to index
        %get3A_1167 = arith.constant 240 : index
        %get3A_1168 = tpu.vector_load %arg9[%get3A_1164, %get3A_1165, %get3A_1166, %get3A_1167] {strides = array<i32>} : memref<2x4x16x256xf32, #tpu.memory_space<vmem>>, vector<16xf32>,
        %bitcast3A_1169 = vector.bitcast %get3A_1168 : vector<16xf32> to vector<32xbf16>
        %mul3A_1170 = arith.mulf %bitcast3A_1007, %pack3A : vector<32xbf16>
        %mul3A_1171 = arith.mulf %bitcast3A_1039, %pack3A : vector<32xbf16>
        %mul3A_1172 = arith.mulf %bitcast3A_1015, %pack3A_391 : vector<32xbf16>
        %mul3A_1173 = arith.mulf %bitcast3A_1047, %pack3A_391 : vector<32xbf16>
        %mul3A_1174 = arith.mulf %bitcast3A_1023, %pack3A_396 : vector<32xbf16>
        %mul3A_1175 = arith.mulf %bitcast3A_1055, %pack3A_396 : vector<32xbf16>
        %mul3A_1176 = arith.mulf %bitcast3A_1031, %pack3A_401 : vector<32xbf16>
        %mul3A_1177 = arith.mulf %bitcast3A_1063, %pack3A_401 : vector<32xbf16>
        %add3A_1178 = arith.addf %mul3A_1170, %mul3A_1172 : vector<32xbf16>
        %add3A_1179 = arith.addf %mul3A_1171, %mul3A_1173 : vector<32xbf16>
        %add3A_1180 = arith.addf %mul3A_1174, %mul3A_1176 : vector<32xbf16>
        %add3A_1181 = arith.addf %mul3A_1175, %mul3A_1177 : vector<32xbf16>
        %add3A_1182 = arith.addf %add3A_1178, %add3A_1180 : vector<32xbf16>
        %add3A_1183 = arith.addf %add3A_1179, %add3A_1181 : vector<32xbf16>
        %unpack3A_1184 = tpu.unpack_subelements %add3A_1182, 0 {pack_format = #tpu.pack_format<interleaved>} : vector<32xbf16> -> vector<16xf32>
        %unpack3A_1185 = tpu.unpack_subelements %add3A_1182, 1 {pack_format = #tpu.pack_format<interleaved>} : vector<32xbf16> -> vector<16xf32>
        %add3A_1186 = arith.constant 384 : i32
        %add3A_1187 = vector.broadcast %add3A_1186 : i32 to vector<16xi32>
        %add3A_1188 = arith.addi %add3A_407, %add3A_1187 : vector<16xi32>
        %scatter3A_1189 = arith.constant 0 : i32
        %scatter3A_1190 = tpu.memref_slice %arg10[%scan3A_362, %scatter3A_1189] : memref<2x8240xf32, #tpu.memory_space<vmem>> -> memref<1x8240xf32, #tpu.memory_space<vmem>>
        %scatter3A_1191 = tpu.memref_squeeze %scatter3A_1190 : memref<1x8240xf32, #tpu.memory_space<vmem>> -> memref<8240xf32, #tpu.memory_space<vmem>>
        tpu.vector_store_idx %scatter3A_1191[%add3A_1188], %unpack3A_1184 : memref<8240xf32, #tpu.memory_space<vmem>>[vector<16xi32>], vector<16xf32>,
        %add3A_1192 = arith.constant 400 : i32
        %add3A_1193 = vector.broadcast %add3A_1192 : i32 to vector<16xi32>
        %add3A_1194 = arith.addi %add3A_407, %add3A_1193 : vector<16xi32>
        %scatter3A_1195 = arith.constant 0 : i32
        %scatter3A_1196 = tpu.memref_slice %arg10[%scan3A_362, %scatter3A_1195] : memref<2x8240xf32, #tpu.memory_space<vmem>> -> memref<1x8240xf32, #tpu.memory_space<vmem>>
        %scatter3A_1197 = tpu.memref_squeeze %scatter3A_1196 : memref<1x8240xf32, #tpu.memory_space<vmem>> -> memref<8240xf32, #tpu.memory_space<vmem>>
        tpu.vector_store_idx %scatter3A_1197[%add3A_1194], %unpack3A_1185 : memref<8240xf32, #tpu.memory_space<vmem>>[vector<16xi32>], vector<16xf32>,
        %unpack3A_1198 = tpu.unpack_subelements %add3A_1183, 0 {pack_format = #tpu.pack_format<interleaved>} : vector<32xbf16> -> vector<16xf32>
        %unpack3A_1199 = tpu.unpack_subelements %add3A_1183, 1 {pack_format = #tpu.pack_format<interleaved>} : vector<32xbf16> -> vector<16xf32>
        %add3A_1200 = arith.constant 416 : i32
        %add3A_1201 = vector.broadcast %add3A_1200 : i32 to vector<16xi32>
        %add3A_1202 = arith.addi %add3A_407, %add3A_1201 : vector<16xi32>
        %scatter3A_1203 = arith.constant 0 : i32
        %scatter3A_1204 = tpu.memref_slice %arg10[%scan3A_362, %scatter3A_1203] : memref<2x8240xf32, #tpu.memory_space<vmem>> -> memref<1x8240xf32, #tpu.memory_space<vmem>>
        %scatter3A_1205 = tpu.memref_squeeze %scatter3A_1204 : memref<1x8240xf32, #tpu.memory_space<vmem>> -> memref<8240xf32, #tpu.memory_space<vmem>>
        tpu.vector_store_idx %scatter3A_1205[%add3A_1202], %unpack3A_1198 : memref<8240xf32, #tpu.memory_space<vmem>>[vector<16xi32>], vector<16xf32>,
        %add3A_1206 = arith.constant 432 : i32
        %add3A_1207 = vector.broadcast %add3A_1206 : i32 to vector<16xi32>
        %add3A_1208 = arith.addi %add3A_407, %add3A_1207 : vector<16xi32>
        %scatter3A_1209 = arith.constant 0 : i32
        %scatter3A_1210 = tpu.memref_slice %arg10[%scan3A_362, %scatter3A_1209] : memref<2x8240xf32, #tpu.memory_space<vmem>> -> memref<1x8240xf32, #tpu.memory_space<vmem>>
        %scatter3A_1211 = tpu.memref_squeeze %scatter3A_1210 : memref<1x8240xf32, #tpu.memory_space<vmem>> -> memref<8240xf32, #tpu.memory_space<vmem>>
        tpu.vector_store_idx %scatter3A_1211[%add3A_1208], %unpack3A_1199 : memref<8240xf32, #tpu.memory_space<vmem>>[vector<16xi32>], vector<16xf32>,
        %mul3A_1212 = arith.mulf %bitcast3A_1113, %pack3A : vector<32xbf16>
        %mul3A_1213 = arith.mulf %bitcast3A_1145, %pack3A : vector<32xbf16>
        %mul3A_1214 = arith.mulf %bitcast3A_1121, %pack3A_391 : vector<32xbf16>
        %mul3A_1215 = arith.mulf %bitcast3A_1153, %pack3A_391 : vector<32xbf16>
        %mul3A_1216 = arith.mulf %bitcast3A_1129, %pack3A_396 : vector<32xbf16>
        %mul3A_1217 = arith.mulf %bitcast3A_1161, %pack3A_396 : vector<32xbf16>
        %mul3A_1218 = arith.mulf %bitcast3A_1137, %pack3A_401 : vector<32xbf16>
        %mul3A_1219 = arith.mulf %bitcast3A_1169, %pack3A_401 : vector<32xbf16>
        %add3A_1220 = arith.addf %mul3A_1212, %mul3A_1214 : vector<32xbf16>
        %add3A_1221 = arith.addf %mul3A_1213, %mul3A_1215 : vector<32xbf16>
        %add3A_1222 = arith.addf %mul3A_1216, %mul3A_1218 : vector<32xbf16>
        %add3A_1223 = arith.addf %mul3A_1217, %mul3A_1219 : vector<32xbf16>
        %add3A_1224 = arith.addf %add3A_1220, %add3A_1222 : vector<32xbf16>
        %add3A_1225 = arith.addf %add3A_1221, %add3A_1223 : vector<32xbf16>
        %unpack3A_1226 = tpu.unpack_subelements %add3A_1224, 0 {pack_format = #tpu.pack_format<interleaved>} : vector<32xbf16> -> vector<16xf32>
        %unpack3A_1227 = tpu.unpack_subelements %add3A_1224, 1 {pack_format = #tpu.pack_format<interleaved>} : vector<32xbf16> -> vector<16xf32>
        %add3A_1228 = arith.constant 448 : i32
        %add3A_1229 = vector.broadcast %add3A_1228 : i32 to vector<16xi32>
        %add3A_1230 = arith.addi %add3A_407, %add3A_1229 : vector<16xi32>
        %scatter3A_1231 = arith.constant 0 : i32
        %scatter3A_1232 = tpu.memref_slice %arg10[%scan3A_362, %scatter3A_1231] : memref<2x8240xf32, #tpu.memory_space<vmem>> -> memref<1x8240xf32, #tpu.memory_space<vmem>>
        %scatter3A_1233 = tpu.memref_squeeze %scatter3A_1232 : memref<1x8240xf32, #tpu.memory_space<vmem>> -> memref<8240xf32, #tpu.memory_space<vmem>>
        tpu.vector_store_idx %scatter3A_1233[%add3A_1230], %unpack3A_1226 : memref<8240xf32, #tpu.memory_space<vmem>>[vector<16xi32>], vector<16xf32>,
        %add3A_1234 = arith.constant 464 : i32
        %add3A_1235 = vector.broadcast %add3A_1234 : i32 to vector<16xi32>
        %add3A_1236 = arith.addi %add3A_407, %add3A_1235 : vector<16xi32>
        %scatter3A_1237 = arith.constant 0 : i32
        %scatter3A_1238 = tpu.memref_slice %arg10[%scan3A_362, %scatter3A_1237] : memref<2x8240xf32, #tpu.memory_space<vmem>> -> memref<1x8240xf32, #tpu.memory_space<vmem>>
        %scatter3A_1239 = tpu.memref_squeeze %scatter3A_1238 : memref<1x8240xf32, #tpu.memory_space<vmem>> -> memref<8240xf32, #tpu.memory_space<vmem>>
        tpu.vector_store_idx %scatter3A_1239[%add3A_1236], %unpack3A_1227 : memref<8240xf32, #tpu.memory_space<vmem>>[vector<16xi32>], vector<16xf32>,
        %unpack3A_1240 = tpu.unpack_subelements %add3A_1225, 0 {pack_format = #tpu.pack_format<interleaved>} : vector<32xbf16> -> vector<16xf32>
        %unpack3A_1241 = tpu.unpack_subelements %add3A_1225, 1 {pack_format = #tpu.pack_format<interleaved>} : vector<32xbf16> -> vector<16xf32>
        %add3A_1242 = arith.constant 480 : i32
        %add3A_1243 = vector.broadcast %add3A_1242 : i32 to vector<16xi32>
        %add3A_1244 = arith.addi %add3A_407, %add3A_1243 : vector<16xi32>
        %scatter3A_1245 = arith.constant 0 : i32
        %scatter3A_1246 = tpu.memref_slice %arg10[%scan3A_362, %scatter3A_1245] : memref<2x8240xf32, #tpu.memory_space<vmem>> -> memref<1x8240xf32, #tpu.memory_space<vmem>>
        %scatter3A_1247 = tpu.memref_squeeze %scatter3A_1246 : memref<1x8240xf32, #tpu.memory_space<vmem>> -> memref<8240xf32, #tpu.memory_space<vmem>>
        tpu.vector_store_idx %scatter3A_1247[%add3A_1244], %unpack3A_1240 : memref<8240xf32, #tpu.memory_space<vmem>>[vector<16xi32>], vector<16xf32>,
        %add3A_1248 = arith.constant 496 : i32
        %add3A_1249 = vector.broadcast %add3A_1248 : i32 to vector<16xi32>
        %add3A_1250 = arith.addi %add3A_407, %add3A_1249 : vector<16xi32>
        %scatter3A_1251 = arith.constant 0 : i32
        %scatter3A_1252 = tpu.memref_slice %arg10[%scan3A_362, %scatter3A_1251] : memref<2x8240xf32, #tpu.memory_space<vmem>> -> memref<1x8240xf32, #tpu.memory_space<vmem>>
        %scatter3A_1253 = tpu.memref_squeeze %scatter3A_1252 : memref<1x8240xf32, #tpu.memory_space<vmem>> -> memref<8240xf32, #tpu.memory_space<vmem>>
        tpu.vector_store_idx %scatter3A_1253[%add3A_1250], %unpack3A_1241 : memref<8240xf32, #tpu.memory_space<vmem>>[vector<16xi32>], vector<16xf32>,
      }
      %scan3A_367 = arith.constant 16 : i32
      %mul3A_368 = arith.constant 1054720 : i32
      %mul3A_369 = arith.muli %add3A, %mul3A_368 : i32
      %mul3A_370 = arith.constant 8240 : i32
      %mul3A_371 = arith.muli %add3A_250, %mul3A_370 : i32
      %add3A_372 = arith.addi %mul3A_369, %mul3A_371 : i32
      %dma_start3A_373 = arith.constant 1 : i32
      %dma_start3A_374 = arith.constant 0 : i32
      %dma_start3A_375 = tpu.memref_slice %arg10[%dma_start3A_373, %dma_start3A_374] : memref<2x8240xf32, #tpu.memory_space<vmem>> -> memref<1x8240xf32, #tpu.memory_space<vmem>>
      %dma_start3A_376 = tpu.memref_squeeze %dma_start3A_375 : memref<1x8240xf32, #tpu.memory_space<vmem>> -> memref<8240xf32, #tpu.memory_space<vmem>>
      %dma_start3A_377 = tpu.memref_slice %arg4[%add3A_372] : memref<33751040xf32, #tpu.memory_space<hbm>> -> memref<8240xf32, #tpu.memory_space<hbm>>
      %dma_start3A_378 = tpu.memref_slice %arg4[%add3A_372] : memref<33751040xf32, #tpu.memory_space<hbm>> -> memref<8240xf32, #tpu.memory_space<hbm>>
      %dma_start3A_379 = arith.constant 0 : i32
      %dma_start3A_380 = tpu.memref_slice %arg10[%dma_start3A_373, %dma_start3A_379] : memref<2x8240xf32, #tpu.memory_space<vmem>> -> memref<1x8240xf32, #tpu.memory_space<vmem>>
      %dma_start3A_381 = tpu.memref_squeeze %dma_start3A_380 : memref<1x8240xf32, #tpu.memory_space<vmem>> -> memref<8240xf32, #tpu.memory_space<vmem>>
      tpu.enqueue_dma source(%dma_start3A_381 : memref<8240xf32, #tpu.memory_space<vmem>>) target(%dma_start3A_378 : memref<8240xf32, #tpu.memory_space<hbm>>) target_semaphore(%arg14 : memref<!tpu.dma_semaphore, #tpu.memory_space<semaphore_mem>>)
    }
    %scan3A_93 = arith.constant 64 : i32
    %mul3A_94 = arith.constant 1054720 : i32
    %mul3A_95 = arith.muli %add3A, %mul3A_94 : i32
    %add3A_96 = arith.constant 1038240 : i32
    %add3A_97 = arith.addi %mul3A_95, %add3A_96 : i32
    %dma_wait3A = arith.constant 0 : i32
    %dma_wait3A_98 = arith.constant 0 : i32
    %dma_wait3A_99 = tpu.memref_slice %arg10[%dma_wait3A, %dma_wait3A_98] : memref<2x8240xf32, #tpu.memory_space<vmem>> -> memref<1x8240xf32, #tpu.memory_space<vmem>>
    %dma_wait3A_100 = tpu.memref_squeeze %dma_wait3A_99 : memref<1x8240xf32, #tpu.memory_space<vmem>> -> memref<8240xf32, #tpu.memory_space<vmem>>
    %dma_wait3A_101 = tpu.memref_slice %arg4[%add3A_97] : memref<33751040xf32, #tpu.memory_space<hbm>> -> memref<8240xf32, #tpu.memory_space<hbm>>
    %dma_wait3A_102 = tpu.memref_slice %arg4[%add3A_97] : memref<33751040xf32, #tpu.memory_space<hbm>> -> memref<8240xf32, #tpu.memory_space<hbm>>
    %dma_wait3A_103 = arith.constant 0 : i32
    %dma_wait3A_104 = tpu.memref_slice %arg10[%dma_wait3A, %dma_wait3A_103] : memref<2x8240xf32, #tpu.memory_space<vmem>> -> memref<1x8240xf32, #tpu.memory_space<vmem>>
    %dma_wait3A_105 = tpu.memref_squeeze %dma_wait3A_104 : memref<1x8240xf32, #tpu.memory_space<vmem>> -> memref<8240xf32, #tpu.memory_space<vmem>>
    tpu.wait_dma2 semaphore(%arg13 : memref<!tpu.dma_semaphore, #tpu.memory_space<semaphore_mem>>) src(%dma_wait3A_105 : memref<8240xf32, #tpu.memory_space<vmem>>) dst(%dma_wait3A_102 : memref<8240xf32, #tpu.memory_space<hbm>>)
    %mul3A_106 = arith.constant 1054720 : i32
    %mul3A_107 = arith.muli %add3A, %mul3A_106 : i32
    %add3A_108 = arith.constant 1046480 : i32
    %add3A_109 = arith.addi %mul3A_107, %add3A_108 : i32
    %dma_wait3A_110 = arith.constant 1 : i32
    %dma_wait3A_111 = arith.constant 0 : i32
    %dma_wait3A_112 = tpu.memref_slice %arg10[%dma_wait3A_110, %dma_wait3A_111] : memref<2x8240xf32, #tpu.memory_space<vmem>> -> memref<1x8240xf32, #tpu.memory_space<vmem>>
    %dma_wait3A_113 = tpu.memref_squeeze %dma_wait3A_112 : memref<1x8240xf32, #tpu.memory_space<vmem>> -> memref<8240xf32, #tpu.memory_space<vmem>>
    %dma_wait3A_114 = tpu.memref_slice %arg4[%add3A_109] : memref<33751040xf32, #tpu.memory_space<hbm>> -> memref<8240xf32, #tpu.memory_space<hbm>>
    %dma_wait3A_115 = tpu.memref_slice %arg4[%add3A_109] : memref<33751040xf32, #tpu.memory_space<hbm>> -> memref<8240xf32, #tpu.memory_space<hbm>>
    %dma_wait3A_116 = arith.constant 0 : i32
    %dma_wait3A_117 = tpu.memref_slice %arg10[%dma_wait3A_110, %dma_wait3A_116] : memref<2x8240xf32, #tpu.memory_space<vmem>> -> memref<1x8240xf32, #tpu.memory_space<vmem>>
    %dma_wait3A_118 = tpu.memref_squeeze %dma_wait3A_117 : memref<1x8240xf32, #tpu.memory_space<vmem>> -> memref<8240xf32, #tpu.memory_space<vmem>>
    tpu.wait_dma2 semaphore(%arg14 : memref<!tpu.dma_semaphore, #tpu.memory_space<semaphore_mem>>) src(%dma_wait3A_118 : memref<8240xf32, #tpu.memory_space<vmem>>) dst(%dma_wait3A_115 : memref<8240xf32, #tpu.memory_space<hbm>>)
    return
  }
}

</mosaic_0001>

<sc_bundles>
// kernel: _sc_call.3.cloned.1.call-start
scs
__scs_entry_jumppad:
0x0: {  	(pc) =	sbr.rel $0x88, $3  }
0x1: {  	(tag) =	ssettag $0x0;
	lr =	simm.s32 $0x1  }
0x2: {  	[smem:$0x3F9F] =	sst lr;
	_ =	strace $0xD0000000  }
0x3: {  	_ = 	snop  }
0x4: {  	_ = 	snop  }
0x5: {  	_ = 	snop  }
0x6: {  	_ = 	snop  }
0x7: {  	_ = 	snop  }
__scs_overlays_trampoline_lowered:
0x8: {  	[smem:$0x3FAE] =	sst s0  }
0x9: {  	[smem:$0x3FAF] =	sst s1  }
0xa: {  	[smem:$0x3FB0] =	sst s2  }
0xb: {  	[smem:$0x3FB1] =	sst s3  }
0xc: {  	[smem:$0x3FB2] =	sst s4  }
0xd: {  	[smem:$0x3FB3] =	sst s5  }
0xe: {  	[smem:$0x3FB4] =	sst s6  }
0xf: {  	[smem:$0x3FB5] =	sst s7  }
0x10: {  	[smem:$0x3FB6] =	sst s8  }
0x11: {  	[smem:$0x3FB7] =	sst s9;
	s0 =	simm.s32 @!p0 $0x0  }
0x12: {  	s1 =	sld [smem:$0x3F9D];
	s0 =	simm.s32 @p0 $0x1  }
0x13: {  	[smem:$0x3FB8] =	sst s0;
	s0 =	simm.s32 @!p1 $0x0  }
0x14: {  	s2 =	sld [smem:$0x3F9C];
	s0 =	simm.s32 @p1 $0x1  }
0x15: {  	[smem:$0x3FB9] =	sst s0;
	s0 =	simm.s32 @!p2 $0x0  }
0x16: {  	s3 =	sld [smem:$0x3FDB];
	s0 =	simm.s32 @p2 $0x1  }
0x17: {  	s4 =	simm.s32 $0x1BF5;
	[smem:$0x3FBB] =	sst s0  }
0x18: {  	s0 =	sld [smem:$0x3F9E];
	_ =	swait.ge [sflag:s4], $0x0  }
0x19: {  	s7 =	sld [smem:$0x3F9F]  }
0x1a: {  	s8 =	sadd.s32 $0xFFFFE003, lr  }
0x1b: {  	s9 =	sadd.s32 $0xFFFFFEF7, lr;
	s5 =	simm.s32 $0xFFFFFFFF;
	p2 =	slt.u32 s8, $0xFFFFF086  }
0x1c: {  	p1 =	slt.u32 s9, $0xF7A;
	s5 =	simm.s32 @!p2 $0x0  }
0x1d: {  	s5 =	simm.s32 @p1 $0x1;
	p0 =	seq.s32 s7, s2  }
0x1e: {  	s7 =	smul.u32 @!p0 $0xF7A, s2;
	p2 =	seq.s32 @!p0 s5, $0x0  }
0x1f: {  	s9 =	smul.u32 $0xF7A, s1;
	s8 =	simm.s32 @!p0 $0x1BF5;
	p2 =	por !p2, p0  }
0x20: {  	[sflag:s8] =	ssyncset.s32 @!p0 $0xFFFFF086;
	s6 =	sadd.s32 @!p0 s3, s7;
	s7 =	simm.s32 @!p0 $0x108  }
0x21: {  	s3 =	sadd.s32 s3, s9;
	s6 =	sadd.s32 @!p0 $0x88, s6;
	s7 =	simm.s32 @p2 $0x1082  }
0x22: {  	[simem:s7], [sflag:s8] =	dma.local @!p0 [hbm:s6], $0xF7A  }
0x23: {  	s9 =	sor.u32 $0xD0000000, s2;
	s6 =	simm.s32 $0x108;
	_ =	swait.ge @!p0 [sflag:s8], $0x0  }
0x24: {  	s3 =	sadd.s32 $0x88, s3;
	s6 =	simm.s32 @!p1 $0x1082;
	[sflag:s4] =	ssyncset.s32 $0xFFFFF086  }
0x25: {  	[simem:s6], [sflag:s4] =	dma.local [hbm:s3], $0xF7A  }
0x26: {  	[smem:$0x3F9F] =	sst s1;
	(tag) =	ssettag s2;
	_ =	strace s9  }
0x27: {  	s1 =	sld [smem:$0x3FAF]  }
0x28: {  	s2 =	sld [smem:$0x3FB0]  }
0x29: {  	s4 =	sld [smem:$0x3FB2]  }
0x2a: {  	p0 =	seq.s32 s5, $0x0;
	s5 =	sld [smem:$0x3FB3]  }
0x2b: {  	s6 =	sld [smem:$0x3FB4]  }
0x2c: {  	s7 =	sld [smem:$0x3FB5]  }
0x2d: {  	s3 =	simm.s32 $0x108;
	s8 =	sld [smem:$0x3FB6]  }
0x2e: {  	s3 =	simm.s32 @!p0 $0x1082;
	s9 =	sld [smem:$0x3FB7]  }
0x2f: {  	lr =	sadd.s32 s0, s3;
	s0 =	sld [smem:$0x3FAE]  }
0x30: {  	s3 =	sld [smem:$0x3FB1]  }
0x31: {  	[smem:$0x3FBA] =	sst s10  }
0x32: {  	s10 =	sld [smem:$0x3FB8];
	_ =	sdelay $0x3  }
0x33: {  	p0 =	seq.s32 s10, $0x1;
	s10 =	sld [smem:$0x3FBA];
	_ =	sdelay $0x3  }
0x34: {  	[smem:$0x3FBA] =	sst s10  }
0x35: {  	s10 =	sld [smem:$0x3FB9];
	_ =	sdelay $0x3  }
0x36: {  	p1 =	seq.s32 s10, $0x1;
	s10 =	sld [smem:$0x3FBA];
	_ =	sdelay $0x3  }
0x37: {  	[smem:$0x3FBA] =	sst s10  }
0x38: {  	s10 =	sld [smem:$0x3FBB]  }
0x39: {  	_ = 	snop;
	(pc) =	sbr.ind lr, $3  }
0x3a: {  	_ = 	snop  }
0x3b: {  	_ = 	snop  }
0x3c: {  	p2 =	seq.s32 s10, $0x1;
	s10 =	sld [smem:$0x3FBA]  }
0x3d: {  	_ =	shalt  }
0x3e: {  	_ =	shalt  }
0x3f: {  	_ =	shalt  }
0x40: {  	_ =	shalt  }
0x41: {  	_ =	shalt  }
0x42: {  	_ =	shalt  }
0x43: {  	_ =	shalt  }
0x44: {  	_ =	shalt  }
0x45: {  	_ =	shalt  }
0x46: {  	_ =	shalt  }
0x47: {  	_ =	shalt  }
0x48: {  	_ =	shalt  }
0x49: {  	_ =	shalt  }
0x4a: {  	_ =	shalt  }
0x4b: {  	_ =	shalt  }
0x4c: {  	_ =	shalt  }
0x4d: {  	_ =	shalt  }
0x4e: {  	_ =	shalt  }
0x4f: {  	_ =	shalt  }
0x50: {  	_ =	shalt  }
0x51: {  	_ =	shalt  }
0x52: {  	_ =	shalt  }
0x53: {  	_ =	shalt  }
0x54: {  	_ =	shalt  }
0x55: {  	_ =	shalt  }
0x56: {  	_ =	shalt  }
0x57: {  	_ =	shalt  }
0x58: {  	_ =	shalt  }
0x59: {  	_ =	shalt  }
0x5a: {  	_ =	shalt  }
0x5b: {  	_ =	shalt  }
0x5c: {  	_ =	shalt  }
0x5d: {  	_ =	shalt  }
0x5e: {  	_ =	shalt  }
0x5f: {  	_ =	shalt  }
0x60: {  	_ =	shalt  }
0x61: {  	_ =	shalt  }
0x62: {  	_ =	shalt  }
0x63: {  	_ =	shalt  }
0x64: {  	_ =	shalt  }
0x65: {  	_ =	shalt  }
0x66: {  	_ =	shalt  }
0x67: {  	_ =	shalt  }
0x68: {  	_ =	shalt  }
0x69: {  	_ =	shalt  }
0x6a: {  	_ =	shalt  }
0x6b: {  	_ =	shalt  }
0x6c: {  	_ =	shalt  }
0x6d: {  	_ =	shalt  }
0x6e: {  	_ =	shalt  }
0x6f: {  	_ =	shalt  }
0x70: {  	_ =	shalt  }
0x71: {  	_ =	shalt  }
0x72: {  	_ =	shalt  }
0x73: {  	_ =	shalt  }
0x74: {  	_ =	shalt  }
0x75: {  	_ =	shalt  }
0x76: {  	_ =	shalt  }
0x77: {  	_ =	shalt  }
0x78: {  	_ =	shalt  }
0x79: {  	_ =	shalt  }
0x7a: {  	_ =	shalt  }
0x7b: {  	_ =	shalt  }
0x7c: {  	_ =	shalt  }
0x7d: {  	_ =	shalt  }
0x7e: {  	_ =	shalt  }
0x7f: {  	_ =	shalt  }
0x80: {  	_ =	shalt  }
0x81: {  	_ =	shalt  }
0x82: {  	_ =	shalt  }
0x83: {  	_ =	shalt  }
0x84: {  	_ =	shalt  }
0x85: {  	_ =	shalt  }
0x86: {  	_ =	shalt  }
0x87: {  	_ =	shalt  }
.Lfunc_end0:
.L_simem_size_0:
called_computation_lowered:
.L_overlay_start_0:
0x88: {  	s2 =	sld [smem:$0x3FD9]  }
0x89: {  	s3 =	sld [smem:$0x3FFE];
	_ =	sdelay $0x1  }
0x8a: {  	s1 =	srdreg.scid  }
0x8b: {  	s0 =	sand.u32 $0x1, s1  }
0x8c: {  	s17 =	sshll.u32 s0, $0xA;
	s2 =	sadd.s32 s3, s2  }
0x8d: {  	s2 =	sadd.s32 s2, s17  }
0x8e: {  	[smem:$0x3FC6] =	sst s2  }
0x8f: {  	_ = 	snop  }
0x90: {  	s2 =	sld [smem:$0x3FC9]  }
0x91: {  	s18 =	sld [smem:$0x3FD0];
	(tm) =	ssettm $0x1  }
0x92: {  	s4 =	sld [smem:$0x3FFB];
	_ =	sdelay $0x3  }
0x93: {  	_ =	strace s4  }
0x94: {  	s4 =	sld [smem:$0x3FFC];
	_ =	sdelay $0x3  }
0x95: {  	_ =	strace s4  }
0x96: {  	s4 =	sld [smem:$0x3FFD];
	_ =	sdelay $0x3  }
0x97: {  	_ =	strace s4  }
0x98: {  	_ =	strace $0x8FFFFFFF  }
0x99: {  	s19 =	sld [smem:$0x3FDB];
	_ =	sdelay $0x1  }
0x9a: {  	s5 =	simm.s32 $_scs_section_size  }
0x9b: {  	s6 =	simm.s32 $_size__tile_overlayer_lowered;
	s7 =	simm.s32 $_tile_overlayer_lowered  }
0x9c: {  	s22 =	simm.s32 $0x1BFF;
	s21 =	sshll.u32 s7, $0x1;
	s4 =	sadd.s32 s5, s19  }
0x9d: {  	s8 =	simm.s32 $0x0;
	s20 =	sshll.u32 s6, $0x1;
	s6 =	sadd.s32 s21, s4  }
0x9e: {  	[timem:s8], [sflag:s22] =	dma.local [hbm:s6], s20  }
0x9f: {  	_ =	swait.ge [sflag:s22], s20  }
0xa0: {  	s5 =	ssub.s32 $0x0, s20;
	[sflag:s22] =	ssyncset.done $0x0  }
0xa1: {  	[sflag:s22] =	ssyncadd.s32 s5;
	_ =	sdelay $0x1  }
0xa2: {  	s23 =	simm.s32 $0x1B8B  }
0xa3: {  	_ =	swait.ge [sflag:s23], $0x1  }
0xa4: {  	[sflag:s23] =	ssyncset.done $0x0  }
0xa5: {  	s25 =	simm.s32 $0x1B8E;
	s24 =	sld [smem:$0x3FFE];
	[sflag:s23] =	ssyncadd.s32 $0xFFFFFFFF  }
0xa6: {  	s26 =	simm.s32 $execute0_lowered;
	[smem:$0x3FD2] =	sst s25  }
0xa7: {  	s6 =	sshll.u32 s26, $0x1;
	_ =	strace $0x80000046;
	[dreg:$0x1] =	wrdreg $0xFFFFFFFF  }
0xa8: {  	s28 =	simm.s32 $_size_execute0_lowered;
	s4 =	sadd.s32 s4, s6;
	[dreg:$0x0] =	wrdreg $0x0  }
0xa9: {  	s6 =	sshll.u32 s28, $0x1;
	[dreg:$0x2] =	wrdreg s4  }
0xaa: {  	[dreg:$0x3] =	wrdreg s6  }
0xab: {  	[dreg:$0x4] =	wrdreg $0xC0  }
0xac: {  	_ =	task [dreg:s8], $0x5FFFF  }
0xad: {  	[dreg:$0x1] =	wrdreg $0xFFFFFFFF  }
0xae: {  	[dreg:$0x0] =	wrdreg $0x60  }
0xaf: {  	[dreg:$0x2] =	wrdreg s2  }
0xb0: {  	[dreg:$0x3] =	wrdreg s24  }
0xb1: {  	[dreg:$0x4] =	wrdreg s18  }
0xb2: {  	[dreg:$0x5] =	wrdreg $0x9  }
0xb3: {  	_ =	task.clear_ibuf [dreg:s8], $0x6FFFF;
	_ =	strace $0x90000046  }
0xb4: {  	s29 =	simm.s32 $0x9;
	_ =	strace $0x80000048  }
0xb5: {  	_ =	swait.ge [sflag:s29], $0x1  }
0xb6: {  	[sflag:s29] =	ssyncadd.s32 $0xFFFFFFFF  }
0xb7: {  	_ =	strace $0x90000048  }
0xb8: {  	_ =	sfence  }
0xb9: {  	s30 =	sld [smem:$0x0];
	_ =	sdelay $0x2  }
0xba: {  	s31 =	sshll.u32 s1, $0xD;
	s1 =	sshrl.u32 s1, $0x2  }
0xbb: {  	s3 =	sand.u32 $0x4000, s31;
	s1 =	sadd.s32 s1, s30  }
0xbc: {  	s0 =	sor.u32 s3, s0;
	s1 =	sshll.u32 s1, $0x11  }
0xbd: {  	s0 =	sor.u32 s1, s0  }
0xbe: {  	s0 =	sadd.s32 $0x8F2B, s0  }
0xbf: {  	[sflag:s0] =	ssyncadd.remote.s32 $0x1  }
0xc0: {  	_ =	sfence.sel $0xFFFF  }
0xc1: {  	[dreg:$0x0] =	wrdreg $0xFFFFFFFF;
	(pc) =	sbr.abs _section_cstart, $3  }
0xc2: {  	[dreg:$0x1] =	wrdreg $0xFFFFFFFF  }
0xc3: {  	_ =	task.clear_ibuf [dreg:s8], $0x2FFFF;
	_ =	strace $0x9FFFFFFF  }
0xc4: {  	(tm) =	ssettm $0x7FFFFFFF  }
0xc5: {  	_ =	shalt  }
tec
execute0_lowered:
.L_overlay_start_1:
0x0: {  	(tag) =	ssettag $0x1  }
0x1: {  	s0 =	rddreg [dreg:$0x0]  }
0x2: {  	s1 =	rddreg [dreg:$0x1];
	s6 =	stileid.u32;
	v0 =	vlaneseq.u32  }
0x3: {  	s2 =	rddreg [dreg:$0x2];
	s4 =	srdreg.scid;
	s9 =	simm.s32 $0x5;
	v1 =	vmul.u32 $0x203, v0;
	v5 =	vor.u32 $0x10, v0  }
0x4: {  	s11 =	simm.s32 $0x10;
	s17 =	simm.s32 $0x7840;
	s18 =	simm.s32 $0x3040;
	v6 =	vor.u32 $0x20, v0;
	v7 =	vor.u32 $0x30, v0;
	v8 =	vor.u32 $0x40, v0  }
0x5: {  	s19 =	simm.s32 $0x8840;
	s20 =	simm.s32 $0x9840;
	s21 =	simm.s32 $0xA840;
	v9 =	vor.u32 $0x50, v0;
	v10 =	vor.u32 $0x60, v0;
	v11 =	vor.u32 $0x70, v0  }
0x6: {  	s22 =	simm.s32 $0xB840;
	s23 =	simm.s32 $0xC840;
	s24 =	simm.s32 $0x1;
	v12 =	vor.u32 $0x80, v0;
	v13 =	vor.u32 $0x90, v0;
	v14 =	vor.u32 $0xA0, v0  }
0x7: {  	s28 =	simm.s32 $0x2;
	s29 =	simm.s32 $0xF870;
	s30 =	simm.s32 $0x3;
	v15 =	vor.u32 $0xB0, v0;
	v16 =	vor.u32 $0xC0, v0;
	v17 =	vor.u32 $0xD0, v0  }
0x8: {  	s31 =	simm.s32 $0x4;
	s3 =	sshrl.u32 s6, $0x1;
	s4 =	sand.u32 $0x1, s4;
	v18 =	vor.u32 $0xE0, v0;
	v19 =	vor.u32 $0xF0, v0;
	v20 =	vor.u32 $0x100, v0  }
0x9: {  	s6 =	sshll.u32 s6, $0x1;
	v21 =	vor.u32 $0x110, v0;
	v22 =	vor.u32 $0x120, v0;
	v23 =	vor.u32 $0x130, v0;
	s5 =	smul.u32 $0xC40, s3;
	s3 =	simm.s32 $0x0  }
0xa: {  	v24 =	vor.u32 $0x140, v0;
	v25 =	vor.u32 $0x150, v0;
	v26 =	vor.u32 $0x160, v0;
	s7 =	ssub.s32 $0x2, s4;
	s8 =	sor.u32 s4, s6;
	s4 =	sadd.s32 $0x400, s1  }
0xb: {  	v27 =	vor.u32 $0x170, v0;
	v28 =	vor.u32 $0x180, v0;
	v29 =	vor.u32 $0x190, v0;
	[smem:$0x7FF] =	sst s3;
	s25 =	sshrl.u32 s7, $0x1;
	s6 =	smul.u32 $0x300, s8  }
0xc: {  	v30 =	vor.u32 $0x1A0, v0;
	v31 =	vor.u32 $0x1B0, v0;
	v32 =	vor.u32 $0x1C0, v0;
	s1 =	simm.s32 $0x0;
	_ =	strace $0x80000047;
	s26 =	ssub.s32 s7, s25  }
0xd: {  	v33 =	vor.u32 $0x1D0, v0;
	v34 =	vor.u32 $0x1E0, v0;
	v2 =	vmov s5;
	s7 =	smul.u32 $0x101800, s8;
	s25 =	simm.s32 $0xD840;
	s5 =	sadd.s32 s0, s6  }
0xe: {  	v35 =	vor.u32 $0x1F0, v0;
	v3 =	vadd.s32 $0x1, v1;
	v4 =	vadd.s32 $0x2, v1;
	s6 =	sadd.s32 $0x6000, s0;
	s8 =	smax.u32 s26, $0x1;
	s26 =	simm.s32 $0x3840  }
.LBB2_1:
0xf: {  	[tilespmem:s3], [sflag:$0x5] =	stream.linear.gather [hbm4b:s5+s3], $0x1800, $0x38;
	[tilespmem:$0x118A0] =	vst v63  }
0x10: {  	_ =	swait.ge [sflag:s9], $0x1800  }
0x11: {  	[sflag:s9] =	ssyncset.done $0x0  }
0x12: {  	s0 =	simm.s32 $0x1800;
	[sflag:s9] =	ssyncadd.s32 $0xFFFFE800  }
0x13: {  	[tilespmem:s0], [sflag:$0x5] =	stream.linear.gather [hbm4b:s6+s3], $0x40, $0x38;
	[tilespmem:$0x118A0] =	vst v63  }
0x14: {  	_ =	swait.ge [sflag:s9], $0x40  }
0x15: {  	[sflag:s9] =	ssyncset.done $0x0  }
0x16: {  	[sflag:s9] =	ssyncadd.s32 $0xFFFFFFC0  }
0x17: {  	s13 =	simm.s32 $0x0;
	v36 =	vld [tilespmem:$0x1820]  }
0x18: {  	v37 =	vld [tilespmem:s13+$0x1000]  }
0x19: {  	v38 =	vld [tilespmem:$0x1830];
	_ =	sdelay $0x3  }
0x1a: {  	(erf) = vrcp.f32 v36;
	v50 =	vadd.f32 $-8.000000110e-01, v37  }
0x1b: {  	(erf) = vrcp.f32 v38  }
0x1c: {  	(erf) = vrcp.f32 v50;
	_ =	sdelay $0x4  }
0x1d: {  	s10 =	simm.s32 $0x10;
	v39 =	vld [tilespmem:s13+$0x0]  }
0x1e: {  	v41 =	vld [tilespmem:s10+$0x1000]  }
0x1f: {  	v40 =	vld [tilespmem:s13+$0x800];
	v36 =	vpop (erf)  }
0x20: {  	v37 =	vpop (erf)  }
0x21: {  	v38 =	vld [tilespmem:$0x1800];
	v42 =	vpop (erf)  }
0x22: {  	v43 =	vmul.f32 v42, v39  }
0x23: {  	v41 =	vadd.f32 $-8.000000110e-01, v41;
	v39 =	vld [tilespmem:$0x1810]  }
0x24: {  	v40 =	vmul.f32 v42, v40;
	v51 =	vmul.f32 $2.480000000e+02, v43  }
0x25: {  	(erf) = vrcp.f32 v41  }
0x26: {  	v40 =	vmul.f32 $2.480000000e+02, v40;
	v42 =	vsub.f32 v38, v51;
	_ =	sdelay $0x1  }
0x27: {  	v40 =	vadd.f32 v40, v39;
	v52 =	vmul.f32 v42, v36  }
0x28: {  	v53 =	vld [tilespmem:s10+$0x0]  }
0x29: {  	v54 =	vld [tilespmem:s10+$0x800];
	v40 =	vmul.f32 v40, v37;
	v41 =	vmax.f32 v52, $-1.000000000e+00  }
0x2a: {  	v41 =	vmin.f32 v41, $1.000000000e+00  }
0x2b: {  	v40 =	vmax.f32 v40, $-1.000000000e+00;
	v41 =	vadd.f32 $1.000000000e+00, v41  }
0x2c: {  	v40 =	vmin.f32 v40, $1.000000000e+00  }
0x2d: {  	v45 =	vpop (erf);
	v40 =	vadd.f32 $1.000000000e+00, v40;
	v41 =	vmul.f32 $5.000000000e-01, v41  }
0x2e: {  	s0 =	simm.s32 $0x20;
	v42 =	vmul.f32 v45, v53;
	v43 =	vmul.f32 v45, v54  }
0x2f: {  	v44 =	vld [tilespmem:s0+$0x1000];
	v40 =	vmul.f32 $5.000000000e-01, v40;
	v41 =	vmul.f32 $5.500000000e+01, v41  }
0x30: {  	v42 =	vmul.f32 $2.480000000e+02, v42;
	v43 =	vmul.f32 $2.480000000e+02, v43  }
0x31: {  	v46 =	vmul.f32 $5.500000000e+01, v40;
	v55 =	vtrunc.f32 v41  }
0x32: {  	v40 =	vcvt.f32.s32 v55  }
0x33: {  	v42 =	vsub.f32 v38, v42;
	v43 =	vadd.f32 v43, v39;
	v56 =	vtrunc.f32 v46  }
0x34: {  	v44 =	vadd.f32 $-8.000000110e-01, v44;
	v45 =	vcvt.f32.s32 v56;
	v47 =	vcvt.s32.f32 v40  }
0x35: {  	v42 =	vmul.f32 v42, v36;
	v43 =	vmul.f32 v43, v37  }
0x36: {  	(erf) = vrcp.f32 v44;
	v58 =	vcvt.s32.f32 v45;
	v57 =	vsub.f32 v41, v47  }
0x37: {  	v60 =	vmax.f32 v42, $-1.000000000e+00;
	v43 =	vmax.f32 v43, $-1.000000000e+00  }
0x38: {  	v62 =	vmin.f32 v60, $1.000000000e+00;
	v48 =	vsub.f32 v46, v58;
	v49 =	vsub.f32 $1.000000000e+00, v57  }
0x39: {  	v43 =	vmin.f32 v43, $1.000000000e+00;
	v51 =	vadd.f32 $1.000000000e+00, v62  }
0x3a: {  	v52 =	vadd.s32 $0x1, v40;
	v59 =	vadd.s32 $0x1, v45;
	v50 =	vmul.f32 v49, v48  }
0x3b: {  	v51 =	vmul.f32 $5.000000000e-01, v51;
	vm0 =	vlt.s32 v59, $0x37;
	v41 =	vld [tilespmem:s0+$0x0];
	v63 =	vsub.f32 $1.000000000e+00, v48  }
0x3c: {  	v54 =	vadd.f32 $1.000000000e+00, v43;
	vm15 =	vlt.s32 v52, $0x37;
	v61 =	vnsel vm0, $0x37, v59;
	[tilespmem:s13+$0x4840] =	vst v50  }
0x3d: {  	v43 =	vmul.f32 $5.500000000e+01, v51;
	v53 =	vmul.u32 $0x38, v61;
	v55 =	vmul.f32 v49, v63;
	v42 =	vld [tilespmem:s0+$0x800]  }
0x3e: {  	s12 =	simm.s32 $0x30;
	v51 =	vmul.f32 $5.000000000e-01, v54;
	v46 =	vmul.u32 $0x38, v45;
	v50 =	vmul.f32 v63, v57  }
0x3f: {  	s14 =	simm.s32 $0x100;
	v47 =	vnsel vm15, $0x37, v52;
	v44 =	vmul.f32 v57, v48;
	v49 =	vadd.s32 v2, v53;
	v48 =	vpop (erf);
	v45 =	vld [tilespmem:s12+$0x1000];
	[tilespmem:s13+$0x3840] =	vst v55  }
.LBB2_2:
0x40: {  	p0 =	sne.s32 s14, $0x1FC0;
	v41 =	vmul.f32 v48, v41;
	v46 =	vadd.s32 v2, v46;
	v52 =	vadd.s32 v40, v49;
	[tilespmem:s13+$0x4040] =	vst v50  }
0x41: {  	v49 =	vadd.s32 v47, v49;
	v50 =	vmul.f32 $5.500000000e+01, v51;
	v51 =	vtrunc.f32 v43;
	[tilespmem:s13+$0x2840] =	vst v52  }
0x42: {  	v42 =	vmul.f32 v48, v42;
	v48 =	vadd.s32 v40, v46;
	v40 =	vcvt.f32.s32 v51;
	[tilespmem:s13+$0x3040] =	vst v49  }
0x43: {  	v41 =	vmul.f32 $2.480000000e+02, v41;
	v46 =	vadd.s32 v47, v46;
	v49 =	vtrunc.f32 v50;
	[tilespmem:s13+$0x5040] =	vst v44  }
0x44: {  	v44 =	vadd.f32 $-8.000000110e-01, v45;
	v45 =	vcvt.f32.s32 v49;
	v47 =	vcvt.s32.f32 v40;
	[tilespmem:s13+$0x1840] =	vst v48  }
0x45: {  	v41 =	vsub.f32 v38, v41;
	v42 =	vmul.f32 $2.480000000e+02, v42;
	v52 =	vadd.s32 $0x1, v40;
	[tilespmem:s13+$0x2040] =	vst v46;
	s13 =	smov.u32 s10;
	s10 =	smov.u32 s0;
	s0 =	smov.u32 s12  }
0x46: {  	(erf) = vrcp.f32 v44;
	v43 =	vsub.f32 v43, v47;
	v44 =	vcvt.s32.f32 v45  }
0x47: {  	v42 =	vadd.f32 v42, v39;
	v41 =	vmul.f32 v41, v36;
	v46 =	vadd.s32 $0x1, v45  }
0x48: {  	vm0 =	vlt.s32 v46, $0x37;
	v44 =	vsub.f32 v50, v44;
	v47 =	vsub.f32 $1.000000000e+00, v43  }
0x49: {  	v42 =	vmul.f32 v42, v37;
	v41 =	vmax.f32 v41, $-1.000000000e+00;
	v46 =	vnsel vm0, $0x37, v46  }
0x4a: {  	v48 =	vmin.f32 v41, $1.000000000e+00;
	v50 =	vsub.f32 $1.000000000e+00, v44;
	v49 =	vmul.f32 v47, v44  }
.Ltmp0:
0x4b: {  	v51 =	vmul.u32 $0x38, v46;
	v42 =	vmax.f32 v42, $-1.000000000e+00;
	v48 =	vadd.f32 $1.000000000e+00, v48;
	v41 =	vld [tilespmem:s0+$0x0];
	(pc) =	sbr.rel @p0 .LBB2_2-.Ltmp0, $4  }
0x4c: {  	vm0 =	vlt.s32 v52, $0x37;
	v46 =	vmul.u32 $0x38, v45;
	v53 =	vmin.f32 v42, $1.000000000e+00;
	[tilespmem:s13+$0x4840] =	vst v49  }
0x4d: {  	v54 =	vmul.f32 $5.000000000e-01, v48;
	v53 =	vadd.f32 $1.000000000e+00, v53;
	v55 =	vmul.f32 v47, v50;
	v42 =	vld [tilespmem:s0+$0x800]  }
0x4e: {  	s12 =	sshra.s32 s14, $0x2;
	v44 =	vmul.f32 v43, v44;
	v49 =	vadd.s32 v2, v51;
	v50 =	vmul.f32 v50, v43  }
0x4f: {  	s14 =	sadd.s32 $0x40, s14;
	v47 =	vnsel vm0, $0x37, v52;
	v43 =	vmul.f32 $5.500000000e+01, v54;
	v51 =	vmul.f32 $5.000000000e-01, v53;
	v45 =	vld [tilespmem:s12+$0x1000];
	v48 =	vpop (erf);
	[tilespmem:s13+$0x3840] =	vst v55  }
0x50: {  	_ = 	snop  }
0x51: {  	v51 =	vmul.f32 $5.500000000e+01, v51;
	v52 =	vtrunc.f32 v43  }
0x52: {  	v41 =	vmul.f32 v48, v41;
	v52 =	vcvt.f32.s32 v52  }
0x53: {  	v46 =	vadd.s32 v2, v46;
	v42 =	vmul.f32 v48, v42;
	v53 =	vtrunc.f32 v51  }
0x54: {  	v53 =	vcvt.f32.s32 v53;
	v54 =	vcvt.s32.f32 v52;
	v45 =	vadd.f32 $-8.000000110e-01, v45  }
0x55: {  	[tilespmem:s13+$0x4040] =	vst v50;
	v61 =	vadd.s32 v40, v49;
	v41 =	vmul.f32 $2.480000000e+02, v41;
	v42 =	vmul.f32 $2.480000000e+02, v42  }
0x56: {  	[tilespmem:s13+$0x5040] =	vst v44;
	v43 =	vsub.f32 v43, v54;
	v63 =	vcvt.s32.f32 v53;
	(erf) = vrcp.f32 v45  }
0x57: {  	v62 =	vadd.s32 v47, v49;
	[tilespmem:s13+$0x2840] =	vst v61;
	v41 =	vsub.f32 v38, v41;
	v57 =	vadd.f32 v42, v39  }
0x58: {  	[tilespmem:s13+$0x3040] =	vst v62;
	v49 =	vadd.s32 v40, v46;
	v54 =	vsub.f32 v51, v63;
	v55 =	vsub.f32 $1.000000000e+00, v43  }
0x59: {  	v46 =	vadd.s32 v47, v46;
	[tilespmem:s13+$0x1840] =	vst v49;
	v41 =	vmul.f32 v41, v36;
	v40 =	vmul.f32 v57, v37  }
0x5a: {  	[tilespmem:s13+$0x2040] =	vst v46;
	v56 =	vmul.f32 v55, v54  }
0x5b: {  	v46 =	vld [tilespmem:s12+$0x0];
	v59 =	vadd.s32 $0x1, v52;
	v41 =	vmax.f32 v41, $-1.000000000e+00;
	v40 =	vmax.f32 v40, $-1.000000000e+00  }
0x5c: {  	v60 =	vadd.s32 $0x1, v53;
	v41 =	vmin.f32 v41, $1.000000000e+00;
	v40 =	vmin.f32 v40, $1.000000000e+00;
	[tilespmem:s10+$0x4840] =	vst v56  }
0x5d: {  	vm0 =	vlt.s32 v60, $0x37;
	v41 =	vadd.f32 $1.000000000e+00, v41;
	v40 =	vadd.f32 $1.000000000e+00, v40;
	v58 =	vld [tilespmem:s12+$0x800]  }
0x5e: {  	vm11 =	vlt.s32 v59, $0x37;
	v48 =	vnsel vm0, $0x37, v60;
	v61 =	vsub.f32 $1.000000000e+00, v54  }
0x5f: {  	v63 =	vmul.u32 $0x38, v53;
	v41 =	vmul.f32 $5.000000000e-01, v41;
	v40 =	vmul.f32 $5.000000000e-01, v40;
	v62 =	vpop (erf)  }
0x60: {  	v48 =	vmul.u32 $0x38, v48;
	v45 =	vmul.f32 v55, v61;
	v46 =	vmul.f32 v62, v46  }
0x61: {  	v53 =	vnsel vm11, $0x37, v59;
	v49 =	vmul.f32 v61, v43;
	v40 =	vmul.f32 $5.500000000e+01, v40  }
0x62: {  	v48 =	vadd.s32 v2, v48;
	v42 =	vmul.f32 v62, v58;
	v46 =	vmul.f32 $2.480000000e+02, v46  }
0x63: {  	v43 =	vmul.f32 v43, v54;
	v55 =	vadd.s32 v2, v63;
	v41 =	vmul.f32 $5.500000000e+01, v41  }
0x64: {  	v60 =	vtrunc.f32 v40;
	v42 =	vmul.f32 $2.480000000e+02, v42;
	v51 =	vsub.f32 v38, v46  }
0x65: {  	v57 =	vadd.s32 v52, v48;
	v48 =	vadd.s32 v53, v48;
	v46 =	vcvt.f32.s32 v60  }
0x66: {  	v58 =	vtrunc.f32 v41;
	v54 =	vadd.f32 v42, v39;
	v56 =	vmul.f32 v51, v36  }
0x67: {  	v50 =	vadd.s32 v52, v55;
	v39 =	vcvt.f32.s32 v58;
	v62 =	vcvt.s32.f32 v46  }
0x68: {  	v42 =	vadd.s32 v53, v55;
	v63 =	vadd.s32 $0x1, v46;
	v59 =	vmul.f32 v54, v37  }
0x69: {  	v46 =	vmul.u32 $0x38, v46;
	vm12 =	vlt.s32 v63, $0x37;
	v36 =	vmax.f32 v56, $-1.000000000e+00  }
0x6a: {  	v61 =	vcvt.s32.f32 v39;
	v36 =	vmin.f32 v36, $1.000000000e+00;
	v37 =	vmax.f32 v59, $-1.000000000e+00  }
0x6b: {  	[tilespmem:s10+$0x2840] =	vst v57;
	v52 =	vsub.f32 v40, v62;
	v36 =	vadd.f32 $1.000000000e+00, v36;
	v37 =	vmin.f32 v37, $1.000000000e+00  }
0x6c: {  	[tilespmem:s10+$0x3040] =	vst v48;
	v54 =	vadd.s32 $0x1, v39;
	v44 =	vnsel vm12, $0x37, v63;
	v37 =	vadd.f32 $1.000000000e+00, v37  }
0x6d: {  	[tilespmem:s10+$0x3840] =	vst v45;
	v41 =	vsub.f32 v41, v61;
	v55 =	vsub.f32 $1.000000000e+00, v52;
	v36 =	vmul.f32 $5.000000000e-01, v36  }
0x6e: {  	[tilespmem:s10+$0x4040] =	vst v49;
	v49 =	vadd.s32 v2, v46;
	v59 =	vmul.u32 $0x38, v44;
	v37 =	vmul.f32 $5.000000000e-01, v37  }
0x6f: {  	[tilespmem:s10+$0x5040] =	vst v43;
	v53 =	vsub.f32 $1.000000000e+00, v41;
	v43 =	vmul.f32 v55, v41;
	v36 =	vmul.f32 $5.500000000e+01, v36  }
0x70: {  	[tilespmem:s10+$0x1840] =	vst v50;
	vm13 =	vlt.s32 v54, $0x37;
	v38 =	vmul.f32 v41, v52;
	v37 =	vmul.f32 $5.500000000e+01, v37  }
0x71: {  	[tilespmem:s10+$0x2040] =	vst v42;
	v42 =	vadd.s32 v2, v59;
	v56 =	vmul.f32 v53, v52;
	v57 =	vtrunc.f32 v36  }
0x72: {  	v63 =	vadd.s32 v39, v42;
	[tilespmem:s0+$0x4040] =	vst v43;
	v48 =	vcvt.f32.s32 v57;
	v58 =	vtrunc.f32 v37  }
0x73: {  	v45 =	vnsel vm13, $0x37, v54;
	v40 =	vmul.f32 v53, v55;
	[tilespmem:s0+$0x2840] =	vst v63;
	v60 =	vcvt.f32.s32 v58  }
0x74: {  	v47 =	vadd.s32 v45, v42;
	v39 =	vadd.s32 v39, v49;
	[tilespmem:s0+$0x4840] =	vst v56;
	v61 =	vcvt.s32.f32 v48  }
0x75: {  	[tilespmem:s0+$0x3840] =	vst v40;
	v40 =	vadd.s32 v45, v49;
	v56 =	vadd.s32 $0x1, v48;
	v62 =	vcvt.s32.f32 v60  }
0x76: {  	[tilespmem:s0+$0x3040] =	vst v47;
	v36 =	vsub.f32 v36, v61;
	v50 =	vadd.s32 $0x1, v60;
	v57 =	vmul.u32 $0x38, v60  }
0x77: {  	[tilespmem:s0+$0x5040] =	vst v38;
	vm15 =	vlt.s32 v56, $0x37;
	vm14 =	vlt.s32 v50, $0x37;
	v37 =	vsub.f32 v37, v62  }
0x78: {  	[tilespmem:s0+$0x1840] =	vst v39;
	v51 =	vsub.f32 $1.000000000e+00, v36;
	v53 =	vnsel vm14, $0x37, v50;
	v61 =	vadd.s32 v2, v57  }
0x79: {  	[tilespmem:s0+$0x2040] =	vst v40;
	v58 =	vnsel vm15, $0x37, v56;
	v39 =	vmul.u32 $0x38, v53;
	v62 =	vadd.s32 v48, v61  }
0x7a: {  	v63 =	vadd.s32 v58, v61;
	v54 =	vmul.f32 v51, v37;
	[tilespmem:s12+$0x1840] =	vst v62  }
0x7b: {  	v52 =	vsub.f32 $1.000000000e+00, v37;
	[tilespmem:s12+$0x2040] =	vst v63;
	v39 =	vadd.s32 v2, v39  }
0x7c: {  	[tilespmem:s12+$0x4840] =	vst v54;
	v59 =	vadd.s32 v48, v39  }
0x7d: {  	v55 =	vmul.f32 v51, v52;
	v60 =	vadd.s32 v58, v39;
	[tilespmem:s12+$0x2840] =	vst v59  }
0x7e: {  	v38 =	vmul.f32 v52, v36;
	[tilespmem:s12+$0x3040] =	vst v60  }
0x7f: {  	v36 =	vmul.f32 v36, v37;
	[tilespmem:s12+$0x3840] =	vst v55  }
0x80: {  	[tilespmem:s12+$0x4040] =	vst v38  }
0x81: {  	s13 =	simm.s32 $0x5840;
	[tilespmem:s12+$0x5040] =	vst v36;
	s12 =	simm.s32 $0x1840  }
0x82: {  	[tilespmem:s13], [sflag:$0x1] =	stream.indirect.gather [hbm4b:s4+s11], $0x100, s12, s11, $0xb8;
	[tilespmem:$0x118A0] =	vst v63  }
0x83: {  	s14 =	simm.s32 $0x2040;
	s15 =	simm.s32 $0x6840  }
0x84: {  	[tilespmem:s15], [sflag:$0x1] =	stream.indirect.gather [hbm4b:s4+s11], $0x100, s14, s11, $0xb8;
	[tilespmem:$0x118A0] =	vst v63  }
0x85: {  	s16 =	simm.s32 $0x2840  }
0x86: {  	[tilespmem:s17], [sflag:$0x1] =	stream.indirect.gather [hbm4b:s4+s11], $0x100, s16, s11, $0xb8;
	[tilespmem:$0x118A0] =	vst v63  }
0x87: {  	s0 =	simm.s32 $0x0  }
0x88: {  	[tilespmem:s19], [sflag:$0x1] =	stream.indirect.gather [hbm4b:s4+s11], $0x100, s18, s11, $0xb8;
	[tilespmem:$0x118A0] =	vst v63  }
.LBB2_4:
0x89: {  	s10 =	sshllo.u32 s0, $0x1  }
0x8a: {  	s12 =	sshll.u32 s10, $0x4  }
0x8b: {  	s13 =	sadd.s32 $0x1840, s12  }
0x8c: {  	[tilespmem:s20], [sflag:$0x2] =	stream.indirect.gather [hbm4b:s4+s11], $0x100, s13, s11, $0xb8;
	[tilespmem:$0x118A0] =	vst v63  }
0x8d: {  	s14 =	sadd.s32 $0x2040, s12  }
0x8e: {  	[tilespmem:s21], [sflag:$0x2] =	stream.indirect.gather [hbm4b:s4+s11], $0x100, s14, s11, $0xb8;
	[tilespmem:$0x118A0] =	vst v63  }
0x8f: {  	s15 =	sadd.s32 $0x2840, s12  }
0x90: {  	[tilespmem:s22], [sflag:$0x2] =	stream.indirect.gather [hbm4b:s4+s11], $0x100, s15, s11, $0xb8;
	[tilespmem:$0x118A0] =	vst v63  }
0x91: {  	s16 =	sadd.s32 $0x3040, s12  }
0x92: {  	[tilespmem:s23], [sflag:$0x2] =	stream.indirect.gather [hbm4b:s4+s11], $0x100, s16, s11, $0xb8;
	[tilespmem:$0x118A0] =	vst v63  }
0x93: {  	_ =	swait.ge [sflag:s24], $0x1000  }
0x94: {  	[sflag:s24] =	ssyncset.done $0x0  }
0x95: {  	[sflag:s24] =	ssyncadd.s32 $0xFFFFF000  }
0x96: {  	_ =	swait.ge [sflag:s24], $0x1000  }
0x97: {  	[sflag:s24] =	ssyncset.done $0x0  }
0x98: {  	[sflag:s24] =	ssyncadd.s32 $0xFFFFF000  }
0x99: {  	_ =	swait.ge [sflag:s24], $0x1000  }
0x9a: {  	[sflag:s24] =	ssyncset.done $0x0  }
0x9b: {  	[sflag:s24] =	ssyncadd.s32 $0xFFFFF000  }
0x9c: {  	_ =	swait.ge [sflag:s24], $0x1000  }
0x9d: {  	p0 =	seq.s32 s0, $0x0;
	[sflag:s24] =	ssyncset.done $0x0  }
0x9e: {  	s13 =	simm.s32 @!p0 $0x3;
	[sflag:s24] =	ssyncadd.s32 $0xFFFFF000  }
0x9f: {  	_ =	swait.ge @!p0 [sflag:s13], $0x2030  }
0xa0: {  	[sflag:s13] =	ssyncset.done @!p0 $0x0  }
0xa1: {  	[sflag:s13] =	ssyncadd.s32 @!p0 $0xFFFFDFD0;
	s13 =	sshll.u32 s0, $0x5  }
0xa2: {  	v36 =	vld [tilespmem:s13+$0x0];
	_ =	sdelay $0x4  }
0xa3: {  	[tilespmem:v1+s25+$0x0] =	vst.idx.msk $0xffff, v36  }
0xa4: {  	v36 =	vld [tilespmem:s13+$0x800];
	_ =	sdelay $0x4  }
0xa5: {  	[tilespmem:v3+s25+$0x0] =	vst.idx.msk $0xffff, v36  }
0xa6: {  	v37 =	vld [tilespmem:s13+$0x1000];
	_ =	sdelay $0x1  }
0xa7: {  	s14 =	sshll.u32 s0, $0x1  }
0xa8: {  	s14 =	sshll.u32 s14, $0x4  }
0xa9: {  	v36 =	vmov s14  }
0xaa: {  	s15 =	simm.s32 $0x7840;
	s16 =	simm.s32 $0x0;
	s14 =	simm.s32 $0x3;
	v38 =	vor.u32 $0x1000, v36;
	v39 =	vor.u32 $0x1800, v36;
	[tilespmem:v4+s25+$0x0] =	vst.idx.msk $0xffff, v37;
	v37 =	vor.u32 $0x800, v36  }
.LBB2_5:
0xab: {  	v40 =	vmov s16  }
0xac: {  	v41 =	vand.u32 $0x8, v40  }
0xad: {  	v40 =	vand.u32 $0x7, v40;
	v42 =	vor.u32 v36, v41  }
0xae: {  	v46 =	vld [tilespmem:s15+$0xFFFFE000];
	v43 =	vor.u32 v37, v41;
	v42 =	vor.u32 v40, v42  }
0xaf: {  	v47 =	vld [tilespmem:s15+$0xFFFFF000];
	v44 =	vor.u32 v38, v41;
	v43 =	vor.u32 v40, v43  }
0xb0: {  	v48 =	vld [tilespmem:s15+$0x0];
	v41 =	vor.u32 v39, v41;
	v44 =	vor.u32 v40, v44  }
0xb1: {  	v49 =	vld [tilespmem:s15+$0x1000];
	v40 =	vor.u32 v40, v41  }
0xb2: {  	v50 =	vld [tilespmem:s15+$0xFFFFE010]  }
0xb3: {  	v61 =	vld.idx.msk [tilespmem:v42+s26+$0x0], $0xffff  }
0xb4: {  	v62 =	vld.idx.msk [tilespmem:v43+s26+$0x0], $0xffff  }
0xb5: {  	v44 =	vld.idx.msk [tilespmem:v44+s26+$0x0], $0xffff  }
0xb6: {  	v45 =	vld.idx.msk [tilespmem:v40+s26+$0x0], $0xffff  }
0xb7: {  	v51 =	vld [tilespmem:s15+$0xFFFFF010]  }
0xb8: {  	v52 =	vld [tilespmem:s15+$0x10]  }
0xb9: {  	v53 =	vld [tilespmem:s15+$0x1010];
	v43 =	vpack.i.f32.bf16 v61, v61  }
0xba: {  	v42 =	vpack.i.f32.bf16 v62, v62;
	v40 =	vpack.i.f32.bf16 v44, v44;
	v63 =	vmul.bf16 v46, v43  }
0xbb: {  	v41 =	vpack.i.f32.bf16 v45, v45;
	v60 =	vmul.bf16 v50, v43;
	v47 =	vmul.bf16 v47, v42  }
0xbc: {  	v55 =	vld [tilespmem:s15+$0x20];
	v48 =	vmul.bf16 v48, v40;
	v49 =	vmul.bf16 v49, v41  }
0xbd: {  	v54 =	vadd.s32 s14, v0;
	v56 =	vld [tilespmem:s15+$0x1020];
	v51 =	vmul.bf16 v51, v42;
	v52 =	vmul.bf16 v52, v40  }
0xbe: {  	v58 =	vld [tilespmem:s15+$0x1030];
	v53 =	vmul.bf16 v53, v41;
	v44 =	vadd.bf16 v47, v63;
	v61 =	vadd.bf16 v49, v48  }
0xbf: {  	v45 =	vld [tilespmem:s15+$0xFFFFE020];
	v62 =	vadd.s32 s14, v5;
	v46 =	vadd.bf16 v51, v60  }
0xc0: {  	v50 =	vld [tilespmem:s15+$0xFFFFF020];
	v52 =	vadd.bf16 v53, v52;
	v63 =	vadd.s32 s14, v6;
	v44 =	vadd.bf16 v61, v44  }
0xc1: {  	v57 =	vadd.s32 s14, v7;
	v48 =	vld [tilespmem:s15+$0xFFFFE030]  }
0xc2: {  	v51 =	vld [tilespmem:s15+$0xFFFFF030];
	v46 =	vadd.bf16 v52, v46;
	v59 =	vunpack.i.l.bf16.f32 v44  }
0xc3: {  	v53 =	vld [tilespmem:s15+$0x30];
	v44 =	vunpack.i.u.bf16.f32 v44;
	[tilespmem:v54+s25+$0x0] =	vst.idx.msk $0xffff, v59  }
0xc4: {  	v60 =	vunpack.i.l.bf16.f32 v46;
	[tilespmem:v62+s25+$0x0] =	vst.idx.msk $0xffff, v44  }
0xc5: {  	v61 =	vmul.bf16 v45, v43;
	v46 =	vunpack.i.u.bf16.f32 v46;
	[tilespmem:v63+s25+$0x0] =	vst.idx.msk $0xffff, v60  }
0xc6: {  	v45 =	vmul.bf16 v48, v43;
	v59 =	vmul.bf16 v56, v41;
	[tilespmem:v57+s25+$0x0] =	vst.idx.msk $0xffff, v46  }
0xc7: {  	v62 =	vmul.bf16 v50, v42;
	v57 =	vmul.bf16 v55, v40;
	v46 =	vld [tilespmem:s15+$0xFFFFE040]  }
0xc8: {  	v53 =	vmul.bf16 v53, v40;
	v50 =	vadd.s32 s14, v8;
	v63 =	vmul.bf16 v51, v42;
	v49 =	vld [tilespmem:s15+$0xFFFFF040]  }
0xc9: {  	v60 =	vmul.bf16 v58, v41;
	v44 =	vadd.bf16 v62, v61;
	v52 =	vld [tilespmem:s15+$0x40];
	v61 =	vadd.bf16 v59, v57  }
0xca: {  	v62 =	vadd.s32 s14, v9;
	v55 =	vld [tilespmem:s15+$0x1040];
	v45 =	vadd.bf16 v63, v45  }
0xcb: {  	v56 =	vld [tilespmem:s15+$0xFFFFF050];
	v53 =	vadd.bf16 v60, v53;
	v63 =	vadd.s32 s14, v10;
	v44 =	vadd.bf16 v61, v44  }
0xcc: {  	v51 =	vld [tilespmem:s15+$0xFFFFE050];
	v60 =	vadd.s32 s14, v11  }
0xcd: {  	v54 =	vld [tilespmem:s15+$0x50];
	v45 =	vadd.bf16 v53, v45;
	v61 =	vunpack.i.l.bf16.f32 v44  }
0xce: {  	v58 =	vld [tilespmem:s15+$0x1050];
	v44 =	vunpack.i.u.bf16.f32 v44;
	[tilespmem:v50+s25+$0x0] =	vst.idx.msk $0xffff, v61  }
0xcf: {  	[tilespmem:v62+s25+$0x0] =	vst.idx.msk $0xffff, v44;
	v62 =	vunpack.i.l.bf16.f32 v45  }
0xd0: {  	v57 =	vmul.bf16 v56, v42;
	v45 =	vunpack.i.u.bf16.f32 v45;
	[tilespmem:v63+s25+$0x0] =	vst.idx.msk $0xffff, v62  }
0xd1: {  	v59 =	vmul.bf16 v52, v40;
	v44 =	vmul.bf16 v46, v43;
	[tilespmem:v60+s25+$0x0] =	vst.idx.msk $0xffff, v45  }
0xd2: {  	v63 =	vmul.bf16 v49, v42;
	v60 =	vmul.bf16 v55, v41;
	v46 =	vld [tilespmem:s15+$0xFFFFE060]  }
0xd3: {  	v61 =	vmul.bf16 v54, v40;
	v50 =	vadd.s32 s14, v12;
	v62 =	vmul.bf16 v58, v41;
	v49 =	vld [tilespmem:s15+$0xFFFFF060]  }
0xd4: {  	v45 =	vmul.bf16 v51, v43;
	v52 =	vld [tilespmem:s15+$0x60];
	v44 =	vadd.bf16 v63, v44;
	v63 =	vadd.bf16 v60, v59  }
0xd5: {  	v48 =	vadd.s32 s14, v13;
	v55 =	vld [tilespmem:s15+$0x1060];
	v53 =	vadd.bf16 v62, v61  }
0xd6: {  	v51 =	vld [tilespmem:s15+$0xFFFFE070];
	v61 =	vadd.s32 s14, v14;
	v45 =	vadd.bf16 v57, v45;
	v44 =	vadd.bf16 v63, v44  }
0xd7: {  	v62 =	vadd.s32 s14, v15;
	v60 =	vld [tilespmem:s15+$0xFFFFF070]  }
0xd8: {  	v54 =	vld [tilespmem:s15+$0x70];
	v45 =	vadd.bf16 v53, v45;
	v63 =	vunpack.i.l.bf16.f32 v44  }
0xd9: {  	v58 =	vld [tilespmem:s15+$0x1070];
	v44 =	vunpack.i.u.bf16.f32 v44;
	[tilespmem:v50+s25+$0x0] =	vst.idx.msk $0xffff, v63  }
0xda: {  	v53 =	vunpack.i.l.bf16.f32 v45;
	[tilespmem:v48+s25+$0x0] =	vst.idx.msk $0xffff, v44  }
0xdb: {  	v45 =	vunpack.i.u.bf16.f32 v45;
	v57 =	vmul.bf16 v49, v42;
	[tilespmem:v61+s25+$0x0] =	vst.idx.msk $0xffff, v53  }
0xdc: {  	v59 =	vmul.bf16 v60, v42;
	v60 =	vmul.bf16 v52, v40;
	[tilespmem:v62+s25+$0x0] =	vst.idx.msk $0xffff, v45  }
0xdd: {  	v44 =	vmul.bf16 v46, v43;
	v61 =	vmul.bf16 v55, v41;
	v46 =	vld [tilespmem:s15+$0xFFFFE080]  }
0xde: {  	v63 =	vmul.bf16 v58, v41;
	v50 =	vadd.s32 s14, v16;
	v45 =	vmul.bf16 v51, v43;
	v49 =	vld [tilespmem:s15+$0xFFFFF080]  }
0xdf: {  	v62 =	vmul.bf16 v54, v40;
	v44 =	vadd.bf16 v57, v44;
	v52 =	vld [tilespmem:s15+$0x80];
	v60 =	vadd.bf16 v61, v60  }
0xe0: {  	v48 =	vadd.s32 s14, v17;
	v55 =	vld [tilespmem:s15+$0x1080];
	v45 =	vadd.bf16 v59, v45  }
0xe1: {  	v51 =	vld [tilespmem:s15+$0xFFFFE090];
	v61 =	vadd.s32 s14, v18;
	v53 =	vadd.bf16 v63, v62;
	v44 =	vadd.bf16 v60, v44  }
0xe2: {  	v56 =	vld [tilespmem:s15+$0xFFFFF090];
	v62 =	vadd.s32 s14, v19  }
0xe3: {  	v54 =	vld [tilespmem:s15+$0x90];
	v45 =	vadd.bf16 v53, v45;
	v63 =	vunpack.i.l.bf16.f32 v44  }
0xe4: {  	v60 =	vld [tilespmem:s15+$0x1090];
	v44 =	vunpack.i.u.bf16.f32 v44;
	[tilespmem:v50+s25+$0x0] =	vst.idx.msk $0xffff, v63  }
0xe5: {  	v53 =	vunpack.i.l.bf16.f32 v45;
	[tilespmem:v48+s25+$0x0] =	vst.idx.msk $0xffff, v44  }
0xe6: {  	v45 =	vunpack.i.u.bf16.f32 v45;
	v57 =	vmul.bf16 v49, v42;
	[tilespmem:v61+s25+$0x0] =	vst.idx.msk $0xffff, v53  }
0xe7: {  	v59 =	vmul.bf16 v56, v42;
	v44 =	vmul.bf16 v46, v43;
	[tilespmem:v62+s25+$0x0] =	vst.idx.msk $0xffff, v45  }
0xe8: {  	v61 =	vmul.bf16 v52, v40;
	v62 =	vmul.bf16 v55, v41;
	v46 =	vld [tilespmem:s15+$0xFFFFE0A0]  }
0xe9: {  	v63 =	vmul.bf16 v54, v40;
	v50 =	vadd.s32 s14, v20;
	v60 =	vmul.bf16 v60, v41;
	v49 =	vld [tilespmem:s15+$0xFFFFF0A0]  }
0xea: {  	v45 =	vmul.bf16 v51, v43;
	v44 =	vadd.bf16 v57, v44;
	v52 =	vld [tilespmem:s15+$0xA0];
	v61 =	vadd.bf16 v62, v61  }
0xeb: {  	v55 =	vld [tilespmem:s15+$0x10A0];
	v53 =	vadd.bf16 v60, v63;
	v62 =	vadd.s32 s14, v21  }
0xec: {  	v56 =	vld [tilespmem:s15+$0xFFFFF0B0];
	v63 =	vadd.s32 s14, v22;
	v45 =	vadd.bf16 v59, v45;
	v44 =	vadd.bf16 v61, v44  }
0xed: {  	v51 =	vld [tilespmem:s15+$0xFFFFE0B0];
	v60 =	vadd.s32 s14, v23  }
0xee: {  	v54 =	vld [tilespmem:s15+$0xB0];
	v45 =	vadd.bf16 v53, v45;
	v61 =	vunpack.i.l.bf16.f32 v44  }
0xef: {  	v58 =	vld [tilespmem:s15+$0x10B0];
	v44 =	vunpack.i.u.bf16.f32 v44;
	[tilespmem:v50+s25+$0x0] =	vst.idx.msk $0xffff, v61  }
0xf0: {  	[tilespmem:v62+s25+$0x0] =	vst.idx.msk $0xffff, v44;
	v62 =	vunpack.i.l.bf16.f32 v45  }
0xf1: {  	v57 =	vmul.bf16 v56, v42;
	v45 =	vunpack.i.u.bf16.f32 v45;
	[tilespmem:v63+s25+$0x0] =	vst.idx.msk $0xffff, v62  }
0xf2: {  	v59 =	vmul.bf16 v52, v40;
	v44 =	vmul.bf16 v46, v43;
	[tilespmem:v60+s25+$0x0] =	vst.idx.msk $0xffff, v45  }
0xf3: {  	v63 =	vmul.bf16 v49, v42;
	v60 =	vmul.bf16 v55, v41;
	v46 =	vld [tilespmem:s15+$0xFFFFE0C0]  }
0xf4: {  	v61 =	vmul.bf16 v54, v40;
	v50 =	vadd.s32 s14, v24;
	v62 =	vmul.bf16 v58, v41;
	v49 =	vld [tilespmem:s15+$0xFFFFF0C0]  }
0xf5: {  	v45 =	vmul.bf16 v51, v43;
	v52 =	vld [tilespmem:s15+$0xC0];
	v44 =	vadd.bf16 v63, v44;
	v63 =	vadd.bf16 v60, v59  }
0xf6: {  	v55 =	vld [tilespmem:s15+$0x10C0];
	v53 =	vadd.bf16 v62, v61;
	v60 =	vadd.s32 s14, v25  }
0xf7: {  	v51 =	vld [tilespmem:s15+$0xFFFFE0D0];
	v61 =	vadd.s32 s14, v26;
	v45 =	vadd.bf16 v57, v45;
	v44 =	vadd.bf16 v63, v44  }
0xf8: {  	v56 =	vld [tilespmem:s15+$0xFFFFF0D0];
	v62 =	vadd.s32 s14, v27  }
0xf9: {  	v54 =	vld [tilespmem:s15+$0xD0];
	v45 =	vadd.bf16 v53, v45;
	v63 =	vunpack.i.l.bf16.f32 v44  }
0xfa: {  	v58 =	vld [tilespmem:s15+$0x10D0];
	v44 =	vunpack.i.u.bf16.f32 v44;
	[tilespmem:v50+s25+$0x0] =	vst.idx.msk $0xffff, v63  }
0xfb: {  	v59 =	vunpack.i.l.bf16.f32 v45;
	[tilespmem:v60+s25+$0x0] =	vst.idx.msk $0xffff, v44  }
0xfc: {  	v45 =	vunpack.i.u.bf16.f32 v45;
	[tilespmem:v61+s25+$0x0] =	vst.idx.msk $0xffff, v59  }
0xfd: {  	[tilespmem:v62+s25+$0x0] =	vst.idx.msk $0xffff, v45  }
0xfe: {  	v44 =	vld [tilespmem:s15+$0xFFFFE0E0]  }
0xff: {  	v47 =	vmul.bf16 v51, v43;
	v45 =	vmul.bf16 v46, v43;
	v46 =	vld [tilespmem:s15+$0xFFFFF0E0]  }
0x100: {  	v48 =	vmul.bf16 v49, v42;
	v54 =	vmul.bf16 v54, v40;
	v49 =	vld [tilespmem:s15+$0xE0]  }
0x101: {  	v60 =	vmul.bf16 v52, v40;
	v61 =	vmul.bf16 v55, v41;
	v52 =	vld [tilespmem:s15+$0x10E0]  }
0x102: {  	v63 =	vmul.bf16 v58, v41;
	v62 =	vmul.bf16 v56, v42;
	v55 =	vld [tilespmem:s15+$0xFFFFE0F0]  }
0x103: {  	v60 =	vadd.bf16 v61, v60;
	v61 =	vld [tilespmem:s15+$0xFFFFF0F0];
	v45 =	vadd.bf16 v48, v45  }
0x104: {  	v51 =	vld [tilespmem:s15+$0xF0];
	v47 =	vadd.bf16 v62, v47;
	v62 =	vadd.bf16 v63, v54  }
0x105: {  	v63 =	vld [tilespmem:s15+$0x10F0];
	v54 =	vadd.s32 s14, v28  }
0x106: {  	v45 =	vadd.bf16 v60, v45;
	v47 =	vadd.bf16 v62, v47;
	v60 =	vadd.s32 s14, v29  }
0x107: {  	v62 =	vadd.s32 s14, v31;
	v44 =	vmul.bf16 v44, v43;
	v43 =	vmul.bf16 v55, v43  }
0x108: {  	v53 =	vunpack.i.u.bf16.f32 v45;
	v46 =	vmul.bf16 v46, v42;
	v42 =	vmul.bf16 v61, v42  }
0x109: {  	v61 =	vadd.s32 s14, v30;
	v49 =	vmul.bf16 v49, v40;
	v52 =	vmul.bf16 v52, v41  }
0x10a: {  	v45 =	vunpack.i.l.bf16.f32 v45;
	v40 =	vmul.bf16 v51, v40;
	v41 =	vmul.bf16 v63, v41  }
0x10b: {  	v44 =	vadd.bf16 v46, v44;
	v63 =	vadd.bf16 v52, v49;
	v52 =	vadd.s32 s14, v32  }
0x10c: {  	v57 =	vadd.s32 s14, v33;
	v59 =	vadd.s32 s14, v34;
	[tilespmem:v54+s25+$0x0] =	vst.idx.msk $0xffff, v45;
	v42 =	vadd.bf16 v42, v43  }
0x10d: {  	v54 =	vunpack.i.l.bf16.f32 v47;
	[tilespmem:v60+s25+$0x0] =	vst.idx.msk $0xffff, v53;
	v40 =	vadd.bf16 v41, v40;
	v58 =	vadd.bf16 v63, v44  }
0x10e: {  	p1 =	sne.s32 s14, $0x1E30;
	v60 =	vunpack.i.u.bf16.f32 v47;
	[tilespmem:v61+s25+$0x0] =	vst.idx.msk $0xffff, v54;
	v61 =	vadd.s32 s14, v35  }
.Ltmp1:
0x10f: {  	v40 =	vadd.bf16 v40, v42;
	[tilespmem:v62+s25+$0x0] =	vst.idx.msk $0xffff, v60;
	v62 =	vunpack.i.l.bf16.f32 v58;
	(pc) =	sbr.rel @p1 .LBB2_5-.Ltmp1, $4  }
0x110: {  	v41 =	vunpack.i.u.bf16.f32 v58;
	[tilespmem:v52+s25+$0x0] =	vst.idx.msk $0xffff, v62  }
0x111: {  	v63 =	vunpack.i.l.bf16.f32 v40;
	[tilespmem:v57+s25+$0x0] =	vst.idx.msk $0xffff, v41  }
0x112: {  	v40 =	vunpack.i.u.bf16.f32 v40;
	[tilespmem:v59+s25+$0x0] =	vst.idx.msk $0xffff, v63  }
0x113: {  	s16 =	sadd.s32 $0x1, s16;
	s15 =	sadd.s32 $0x100, s15;
	s14 =	sadd.s32 $0x203, s14;
	[tilespmem:v61+s25+$0x0] =	vst.idx.msk $0xffff, v40  }
0x114: {  	s14 =	smul.u32 $0x4060, s0;
	_ =	sdelay $0x1  }
0x115: {  	s14 =	sadd.s32 s7, s14  }
0x116: {  	s14 =	sshrl.u32 s14, $0x3  }
0x117: {  	p1 =	seq.s32 s0, $0x3F;
	s14 =	sadd.s32 s2, s14  }
0x118: {  	[hbm4b:s14+s3] =	stream.linear.scatter [tilespmem:s25], [sflag:$0x3], $0x2030, $0x38;
	[tilespmem:$0x118A0] =	vst v63  }
0x119: {  	s15 =	simm.s32 @!p1 $0x10;
	s16 =	simm.s32 @!p1 $0x5840;
	s14 =	sadd.s32 @!p1 $0x1860, s13  }
0x11a: {  	[tilespmem:s16], [sflag:$0x1] =	stream.indirect.gather @!p1 [hbm4b:s4+s15], $0x100, s14, s15, $0xb8;
	[tilespmem:$0x118A0] =	vst v63  }
0x11b: {  	s14 =	sadd.s32 @!p1 $0x2060, s13;
	s16 =	simm.s32 @!p1 $0x6840  }
0x11c: {  	[tilespmem:s16], [sflag:$0x1] =	stream.indirect.gather @!p1 [hbm4b:s4+s15], $0x100, s14, s15, $0xb8;
	[tilespmem:$0x118A0] =	vst v63  }
0x11d: {  	s14 =	sadd.s32 @!p1 $0x2860, s13;
	s16 =	simm.s32 @!p1 $0x7840  }
0x11e: {  	[tilespmem:s16], [sflag:$0x1] =	stream.indirect.gather @!p1 [hbm4b:s4+s15], $0x100, s14, s15, $0xb8;
	[tilespmem:$0x118A0] =	vst v63  }
0x11f: {  	s13 =	sadd.s32 @!p1 $0x3060, s13;
	s14 =	simm.s32 @!p1 $0x8840  }
0x120: {  	[tilespmem:s14], [sflag:$0x1] =	stream.indirect.gather @!p1 [hbm4b:s4+s15], $0x100, s13, s15, $0xb8;
	[tilespmem:$0x118A0] =	vst v63  }
0x121: {  	_ =	swait.ge [sflag:s28], $0x1000  }
0x122: {  	[sflag:s28] =	ssyncset.done $0x0  }
0x123: {  	[sflag:s28] =	ssyncadd.s32 $0xFFFFF000  }
0x124: {  	_ =	swait.ge [sflag:s28], $0x1000  }
0x125: {  	[sflag:s28] =	ssyncset.done $0x0  }
0x126: {  	[sflag:s28] =	ssyncadd.s32 $0xFFFFF000  }
0x127: {  	_ =	swait.ge [sflag:s28], $0x1000  }
0x128: {  	[sflag:s28] =	ssyncset.done $0x0  }
0x129: {  	[sflag:s28] =	ssyncadd.s32 $0xFFFFF000  }
0x12a: {  	_ =	swait.ge [sflag:s28], $0x1000  }
0x12b: {  	[sflag:s28] =	ssyncset.done $0x0  }
0x12c: {  	s13 =	simm.s32 @!p0 $0x4;
	[sflag:s28] =	ssyncadd.s32 $0xFFFFF000  }
0x12d: {  	_ =	swait.ge @!p0 [sflag:s13], $0x2030  }
0x12e: {  	[sflag:s13] =	ssyncset.done @!p0 $0x0  }
0x12f: {  	[sflag:s13] =	ssyncadd.s32 @!p0 $0xFFFFDFD0  }
0x130: {  	v36 =	vld [tilespmem:s12+$0x0];
	_ =	sdelay $0x4  }
0x131: {  	[tilespmem:v1+s29+$0x0] =	vst.idx.msk $0xffff, v36  }
0x132: {  	v36 =	vld [tilespmem:s12+$0x800];
	_ =	sdelay $0x4  }
0x133: {  	[tilespmem:v3+s29+$0x0] =	vst.idx.msk $0xffff, v36  }
0x134: {  	v37 =	vld [tilespmem:s12+$0x1000];
	_ =	sdelay $0x3  }
0x135: {  	v36 =	vmov s12  }
0x136: {  	s14 =	simm.s32 $0x0;
	s13 =	simm.s32 $0x3;
	v38 =	vor.u32 $0x1000, v36;
	v39 =	vor.u32 $0x1800, v36;
	s12 =	simm.s32 $0x0;
	[tilespmem:v4+s29+$0x0] =	vst.idx.msk $0xffff, v37;
	v37 =	vor.u32 $0x800, v36  }
.LBB2_7:
0x137: {  	v40 =	vmov s14  }
0x138: {  	v41 =	vand.u32 $0x8, v40  }
0x139: {  	s15 =	sshra.s32 s12, $0x2;
	v40 =	vand.u32 $0x7, v40;
	v42 =	vor.u32 v36, v41  }
0x13a: {  	v46 =	vld [tilespmem:s15+$0x9840];
	v43 =	vor.u32 v37, v41;
	v42 =	vor.u32 v40, v42  }
0x13b: {  	v47 =	vld [tilespmem:s15+$0xA840];
	v44 =	vor.u32 v38, v41;
	v43 =	vor.u32 v40, v43  }
0x13c: {  	v48 =	vld [tilespmem:s15+$0xB840];
	v41 =	vor.u32 v39, v41;
	v44 =	vor.u32 v40, v44  }
0x13d: {  	v49 =	vld [tilespmem:s15+$0xC840];
	v40 =	vor.u32 v40, v41  }
0x13e: {  	v50 =	vld [tilespmem:s15+$0x9850]  }
0x13f: {  	v61 =	vld.idx.msk [tilespmem:v42+s26+$0x0], $0xffff  }
0x140: {  	v62 =	vld.idx.msk [tilespmem:v43+s26+$0x0], $0xffff  }
0x141: {  	v44 =	vld.idx.msk [tilespmem:v44+s26+$0x0], $0xffff  }
0x142: {  	v45 =	vld.idx.msk [tilespmem:v40+s26+$0x0], $0xffff  }
0x143: {  	v51 =	vld [tilespmem:s15+$0xA850]  }
0x144: {  	v52 =	vld [tilespmem:s15+$0xB850]  }
0x145: {  	v53 =	vld [tilespmem:s15+$0xC850];
	v43 =	vpack.i.f32.bf16 v61, v61  }
0x146: {  	v42 =	vpack.i.f32.bf16 v62, v62;
	v40 =	vpack.i.f32.bf16 v44, v44;
	v63 =	vmul.bf16 v46, v43  }
0x147: {  	v41 =	vpack.i.f32.bf16 v45, v45;
	v60 =	vmul.bf16 v50, v43;
	v47 =	vmul.bf16 v47, v42  }
0x148: {  	v55 =	vld [tilespmem:s15+$0xB860];
	v48 =	vmul.bf16 v48, v40;
	v49 =	vmul.bf16 v49, v41  }
0x149: {  	v54 =	vadd.s32 s13, v0;
	v56 =	vld [tilespmem:s15+$0xC860];
	v51 =	vmul.bf16 v51, v42;
	v52 =	vmul.bf16 v52, v40  }
0x14a: {  	v58 =	vld [tilespmem:s15+$0xC870];
	v53 =	vmul.bf16 v53, v41;
	v44 =	vadd.bf16 v47, v63;
	v61 =	vadd.bf16 v49, v48  }
0x14b: {  	v45 =	vld [tilespmem:s15+$0x9860];
	v62 =	vadd.s32 s13, v5;
	v46 =	vadd.bf16 v51, v60  }
0x14c: {  	v50 =	vld [tilespmem:s15+$0xA860];
	v52 =	vadd.bf16 v53, v52;
	v63 =	vadd.s32 s13, v6;
	v44 =	vadd.bf16 v61, v44  }
0x14d: {  	v57 =	vadd.s32 s13, v7;
	v48 =	vld [tilespmem:s15+$0x9870]  }
0x14e: {  	v51 =	vld [tilespmem:s15+$0xA870];
	v46 =	vadd.bf16 v52, v46;
	v59 =	vunpack.i.l.bf16.f32 v44  }
0x14f: {  	v53 =	vld [tilespmem:s15+$0xB870];
	v44 =	vunpack.i.u.bf16.f32 v44;
	[tilespmem:v54+s29+$0x0] =	vst.idx.msk $0xffff, v59  }
0x150: {  	v60 =	vunpack.i.l.bf16.f32 v46;
	[tilespmem:v62+s29+$0x0] =	vst.idx.msk $0xffff, v44  }
0x151: {  	v61 =	vmul.bf16 v45, v43;
	v46 =	vunpack.i.u.bf16.f32 v46;
	[tilespmem:v63+s29+$0x0] =	vst.idx.msk $0xffff, v60  }
0x152: {  	v45 =	vmul.bf16 v48, v43;
	v59 =	vmul.bf16 v56, v41;
	[tilespmem:v57+s29+$0x0] =	vst.idx.msk $0xffff, v46  }
0x153: {  	v62 =	vmul.bf16 v50, v42;
	v57 =	vmul.bf16 v55, v40;
	v46 =	vld [tilespmem:s15+$0x9880]  }
0x154: {  	v53 =	vmul.bf16 v53, v40;
	v50 =	vadd.s32 s13, v8;
	v63 =	vmul.bf16 v51, v42;
	v49 =	vld [tilespmem:s15+$0xA880]  }
0x155: {  	v60 =	vmul.bf16 v58, v41;
	v44 =	vadd.bf16 v62, v61;
	v52 =	vld [tilespmem:s15+$0xB880];
	v61 =	vadd.bf16 v59, v57  }
0x156: {  	v62 =	vadd.s32 s13, v9;
	v55 =	vld [tilespmem:s15+$0xC880];
	v45 =	vadd.bf16 v63, v45  }
0x157: {  	v56 =	vld [tilespmem:s15+$0xA890];
	v53 =	vadd.bf16 v60, v53;
	v63 =	vadd.s32 s13, v10;
	v44 =	vadd.bf16 v61, v44  }
0x158: {  	v51 =	vld [tilespmem:s15+$0x9890];
	v60 =	vadd.s32 s13, v11  }
0x159: {  	v54 =	vld [tilespmem:s15+$0xB890];
	v45 =	vadd.bf16 v53, v45;
	v61 =	vunpack.i.l.bf16.f32 v44  }
0x15a: {  	v58 =	vld [tilespmem:s15+$0xC890];
	v44 =	vunpack.i.u.bf16.f32 v44;
	[tilespmem:v50+s29+$0x0] =	vst.idx.msk $0xffff, v61  }
0x15b: {  	[tilespmem:v62+s29+$0x0] =	vst.idx.msk $0xffff, v44;
	v62 =	vunpack.i.l.bf16.f32 v45  }
0x15c: {  	v57 =	vmul.bf16 v56, v42;
	v45 =	vunpack.i.u.bf16.f32 v45;
	[tilespmem:v63+s29+$0x0] =	vst.idx.msk $0xffff, v62  }
0x15d: {  	v59 =	vmul.bf16 v52, v40;
	v44 =	vmul.bf16 v46, v43;
	[tilespmem:v60+s29+$0x0] =	vst.idx.msk $0xffff, v45  }
0x15e: {  	v63 =	vmul.bf16 v49, v42;
	v60 =	vmul.bf16 v55, v41;
	v46 =	vld [tilespmem:s15+$0x98A0]  }
0x15f: {  	v61 =	vmul.bf16 v54, v40;
	v50 =	vadd.s32 s13, v12;
	v62 =	vmul.bf16 v58, v41;
	v49 =	vld [tilespmem:s15+$0xA8A0]  }
0x160: {  	v45 =	vmul.bf16 v51, v43;
	v52 =	vld [tilespmem:s15+$0xB8A0];
	v44 =	vadd.bf16 v63, v44;
	v63 =	vadd.bf16 v60, v59  }
0x161: {  	v48 =	vadd.s32 s13, v13;
	v55 =	vld [tilespmem:s15+$0xC8A0];
	v53 =	vadd.bf16 v62, v61  }
0x162: {  	v51 =	vld [tilespmem:s15+$0x98B0];
	v61 =	vadd.s32 s13, v14;
	v45 =	vadd.bf16 v57, v45;
	v44 =	vadd.bf16 v63, v44  }
0x163: {  	v62 =	vadd.s32 s13, v15;
	v60 =	vld [tilespmem:s15+$0xA8B0]  }
0x164: {  	v54 =	vld [tilespmem:s15+$0xB8B0];
	v45 =	vadd.bf16 v53, v45;
	v63 =	vunpack.i.l.bf16.f32 v44  }
0x165: {  	v58 =	vld [tilespmem:s15+$0xC8B0];
	v44 =	vunpack.i.u.bf16.f32 v44;
	[tilespmem:v50+s29+$0x0] =	vst.idx.msk $0xffff, v63  }
0x166: {  	v53 =	vunpack.i.l.bf16.f32 v45;
	[tilespmem:v48+s29+$0x0] =	vst.idx.msk $0xffff, v44  }
0x167: {  	v45 =	vunpack.i.u.bf16.f32 v45;
	v57 =	vmul.bf16 v49, v42;
	[tilespmem:v61+s29+$0x0] =	vst.idx.msk $0xffff, v53  }
0x168: {  	v59 =	vmul.bf16 v60, v42;
	v60 =	vmul.bf16 v52, v40;
	[tilespmem:v62+s29+$0x0] =	vst.idx.msk $0xffff, v45  }
0x169: {  	v44 =	vmul.bf16 v46, v43;
	v61 =	vmul.bf16 v55, v41;
	v46 =	vld [tilespmem:s15+$0x98C0]  }
0x16a: {  	v63 =	vmul.bf16 v58, v41;
	v50 =	vadd.s32 s13, v16;
	v45 =	vmul.bf16 v51, v43;
	v49 =	vld [tilespmem:s15+$0xA8C0]  }
0x16b: {  	v62 =	vmul.bf16 v54, v40;
	v44 =	vadd.bf16 v57, v44;
	v52 =	vld [tilespmem:s15+$0xB8C0];
	v60 =	vadd.bf16 v61, v60  }
0x16c: {  	v48 =	vadd.s32 s13, v17;
	v55 =	vld [tilespmem:s15+$0xC8C0];
	v45 =	vadd.bf16 v59, v45  }
0x16d: {  	v51 =	vld [tilespmem:s15+$0x98D0];
	v61 =	vadd.s32 s13, v18;
	v53 =	vadd.bf16 v63, v62;
	v44 =	vadd.bf16 v60, v44  }
0x16e: {  	v56 =	vld [tilespmem:s15+$0xA8D0];
	v62 =	vadd.s32 s13, v19  }
0x16f: {  	v54 =	vld [tilespmem:s15+$0xB8D0];
	v45 =	vadd.bf16 v53, v45;
	v63 =	vunpack.i.l.bf16.f32 v44  }
0x170: {  	v60 =	vld [tilespmem:s15+$0xC8D0];
	v44 =	vunpack.i.u.bf16.f32 v44;
	[tilespmem:v50+s29+$0x0] =	vst.idx.msk $0xffff, v63  }
0x171: {  	v53 =	vunpack.i.l.bf16.f32 v45;
	[tilespmem:v48+s29+$0x0] =	vst.idx.msk $0xffff, v44  }
0x172: {  	v45 =	vunpack.i.u.bf16.f32 v45;
	v57 =	vmul.bf16 v49, v42;
	[tilespmem:v61+s29+$0x0] =	vst.idx.msk $0xffff, v53  }
0x173: {  	v59 =	vmul.bf16 v56, v42;
	v44 =	vmul.bf16 v46, v43;
	[tilespmem:v62+s29+$0x0] =	vst.idx.msk $0xffff, v45  }
0x174: {  	v61 =	vmul.bf16 v52, v40;
	v62 =	vmul.bf16 v55, v41;
	v46 =	vld [tilespmem:s15+$0x98E0]  }
0x175: {  	v63 =	vmul.bf16 v54, v40;
	v50 =	vadd.s32 s13, v20;
	v60 =	vmul.bf16 v60, v41;
	v49 =	vld [tilespmem:s15+$0xA8E0]  }
0x176: {  	v45 =	vmul.bf16 v51, v43;
	v44 =	vadd.bf16 v57, v44;
	v52 =	vld [tilespmem:s15+$0xB8E0];
	v61 =	vadd.bf16 v62, v61  }
0x177: {  	v55 =	vld [tilespmem:s15+$0xC8E0];
	v53 =	vadd.bf16 v60, v63;
	v62 =	vadd.s32 s13, v21  }
0x178: {  	v56 =	vld [tilespmem:s15+$0xA8F0];
	v63 =	vadd.s32 s13, v22;
	v45 =	vadd.bf16 v59, v45;
	v44 =	vadd.bf16 v61, v44  }
0x179: {  	v51 =	vld [tilespmem:s15+$0x98F0];
	v60 =	vadd.s32 s13, v23  }
0x17a: {  	v54 =	vld [tilespmem:s15+$0xB8F0];
	v45 =	vadd.bf16 v53, v45;
	v61 =	vunpack.i.l.bf16.f32 v44  }
0x17b: {  	v58 =	vld [tilespmem:s15+$0xC8F0];
	v44 =	vunpack.i.u.bf16.f32 v44;
	[tilespmem:v50+s29+$0x0] =	vst.idx.msk $0xffff, v61  }
0x17c: {  	[tilespmem:v62+s29+$0x0] =	vst.idx.msk $0xffff, v44;
	v62 =	vunpack.i.l.bf16.f32 v45  }
0x17d: {  	v57 =	vmul.bf16 v56, v42;
	v45 =	vunpack.i.u.bf16.f32 v45;
	[tilespmem:v63+s29+$0x0] =	vst.idx.msk $0xffff, v62  }
0x17e: {  	v59 =	vmul.bf16 v52, v40;
	v44 =	vmul.bf16 v46, v43;
	[tilespmem:v60+s29+$0x0] =	vst.idx.msk $0xffff, v45  }
0x17f: {  	v63 =	vmul.bf16 v49, v42;
	v60 =	vmul.bf16 v55, v41;
	v46 =	vld [tilespmem:s15+$0x9900]  }
0x180: {  	v61 =	vmul.bf16 v54, v40;
	v50 =	vadd.s32 s13, v24;
	v62 =	vmul.bf16 v58, v41;
	v49 =	vld [tilespmem:s15+$0xA900]  }
0x181: {  	v45 =	vmul.bf16 v51, v43;
	v52 =	vld [tilespmem:s15+$0xB900];
	v44 =	vadd.bf16 v63, v44;
	v63 =	vadd.bf16 v60, v59  }
0x182: {  	v55 =	vld [tilespmem:s15+$0xC900];
	v53 =	vadd.bf16 v62, v61;
	v60 =	vadd.s32 s13, v25  }
0x183: {  	v51 =	vld [tilespmem:s15+$0x9910];
	v61 =	vadd.s32 s13, v26;
	v45 =	vadd.bf16 v57, v45;
	v44 =	vadd.bf16 v63, v44  }
0x184: {  	v56 =	vld [tilespmem:s15+$0xA910];
	v62 =	vadd.s32 s13, v27  }
0x185: {  	v54 =	vld [tilespmem:s15+$0xB910];
	v45 =	vadd.bf16 v53, v45;
	v63 =	vunpack.i.l.bf16.f32 v44  }
0x186: {  	v58 =	vld [tilespmem:s15+$0xC910];
	v44 =	vunpack.i.u.bf16.f32 v44;
	[tilespmem:v50+s29+$0x0] =	vst.idx.msk $0xffff, v63  }
0x187: {  	v59 =	vunpack.i.l.bf16.f32 v45;
	[tilespmem:v60+s29+$0x0] =	vst.idx.msk $0xffff, v44  }
0x188: {  	v45 =	vunpack.i.u.bf16.f32 v45;
	[tilespmem:v61+s29+$0x0] =	vst.idx.msk $0xffff, v59  }
0x189: {  	[tilespmem:v62+s29+$0x0] =	vst.idx.msk $0xffff, v45  }
0x18a: {  	v44 =	vld [tilespmem:s15+$0x9920]  }
0x18b: {  	v47 =	vmul.bf16 v51, v43;
	v45 =	vmul.bf16 v46, v43;
	v46 =	vld [tilespmem:s15+$0xA920]  }
0x18c: {  	v48 =	vmul.bf16 v49, v42;
	v54 =	vmul.bf16 v54, v40;
	v49 =	vld [tilespmem:s15+$0xB920]  }
0x18d: {  	v60 =	vmul.bf16 v52, v40;
	v61 =	vmul.bf16 v55, v41;
	v52 =	vld [tilespmem:s15+$0xC920]  }
0x18e: {  	v63 =	vmul.bf16 v58, v41;
	v62 =	vmul.bf16 v56, v42;
	v55 =	vld [tilespmem:s15+$0x9930]  }
0x18f: {  	v60 =	vadd.bf16 v61, v60;
	v61 =	vld [tilespmem:s15+$0xA930];
	v45 =	vadd.bf16 v48, v45  }
0x190: {  	v51 =	vld [tilespmem:s15+$0xB930];
	v47 =	vadd.bf16 v62, v47;
	v62 =	vadd.bf16 v63, v54  }
0x191: {  	v63 =	vld [tilespmem:s15+$0xC930];
	v54 =	vadd.s32 s13, v28  }
0x192: {  	v45 =	vadd.bf16 v60, v45;
	v47 =	vadd.bf16 v62, v47;
	v60 =	vadd.s32 s13, v29  }
0x193: {  	v62 =	vadd.s32 s13, v31;
	v44 =	vmul.bf16 v44, v43;
	v43 =	vmul.bf16 v55, v43  }
0x194: {  	v53 =	vunpack.i.u.bf16.f32 v45;
	v46 =	vmul.bf16 v46, v42;
	v42 =	vmul.bf16 v61, v42  }
0x195: {  	v61 =	vadd.s32 s13, v30;
	v49 =	vmul.bf16 v49, v40;
	v52 =	vmul.bf16 v52, v41  }
0x196: {  	v45 =	vunpack.i.l.bf16.f32 v45;
	v40 =	vmul.bf16 v51, v40;
	v41 =	vmul.bf16 v63, v41  }
0x197: {  	v44 =	vadd.bf16 v46, v44;
	v63 =	vadd.bf16 v52, v49;
	v52 =	vadd.s32 s13, v32  }
0x198: {  	v57 =	vadd.s32 s13, v33;
	v59 =	vadd.s32 s13, v34;
	[tilespmem:v54+s29+$0x0] =	vst.idx.msk $0xffff, v45;
	v42 =	vadd.bf16 v42, v43  }
0x199: {  	v54 =	vunpack.i.l.bf16.f32 v47;
	[tilespmem:v60+s29+$0x0] =	vst.idx.msk $0xffff, v53;
	v40 =	vadd.bf16 v41, v40;
	v58 =	vadd.bf16 v63, v44  }
0x19a: {  	p0 =	sne.s32 s12, $0x3C00;
	v60 =	vunpack.i.u.bf16.f32 v47;
	[tilespmem:v61+s29+$0x0] =	vst.idx.msk $0xffff, v54;
	v61 =	vadd.s32 s13, v35  }
.Ltmp2:
0x19b: {  	v40 =	vadd.bf16 v40, v42;
	[tilespmem:v62+s29+$0x0] =	vst.idx.msk $0xffff, v60;
	v62 =	vunpack.i.l.bf16.f32 v58;
	(pc) =	sbr.rel @p0 .LBB2_7-.Ltmp2, $4  }
0x19c: {  	v41 =	vunpack.i.u.bf16.f32 v58;
	[tilespmem:v52+s29+$0x0] =	vst.idx.msk $0xffff, v62  }
0x19d: {  	v63 =	vunpack.i.l.bf16.f32 v40;
	[tilespmem:v57+s29+$0x0] =	vst.idx.msk $0xffff, v41  }
0x19e: {  	v40 =	vunpack.i.u.bf16.f32 v40;
	[tilespmem:v59+s29+$0x0] =	vst.idx.msk $0xffff, v63  }
0x19f: {  	s14 =	sadd.s32 $0x1, s14;
	s12 =	sadd.s32 $0x400, s12;
	s13 =	sadd.s32 $0x203, s13;
	[tilespmem:v61+s29+$0x0] =	vst.idx.msk $0xffff, v40  }
0x1a0: {  	s0 =	sadd.s32 $0x1, s0  }
0x1a1: {  	s10 =	smul.u32 $0x2030, s10;
	p0 =	sne.s32 s0, $0x40  }
.Ltmp3:
0x1a2: {  	_ = 	snop;
	(pc) =	sbr.rel @p0 .LBB2_4-.Ltmp3, $4  }
0x1a3: {  	s10 =	sadd.s32 s7, s10  }
0x1a4: {  	s10 =	sshrl.u32 s10, $0x3  }
0x1a5: {  	s10 =	sadd.s32 s2, s10  }
0x1a6: {  	[hbm4b:s10+s3] =	stream.linear.scatter [tilespmem:s29], [sflag:$0x4], $0x2030, $0x38;
	[tilespmem:$0x118A0] =	vst v63  }
0x1a7: {  	s1 =	sadd.s32 $0x1, s1  }
0x1a8: {  	_ =	swait.ge [sflag:s30], $0x2030;
	p0 =	sne.s32 s1, s8  }
.Ltmp4:
0x1a9: {  	[sflag:s30] =	ssyncset.done $0x0;
	(pc) =	sbr.rel @p0 .LBB2_1-.Ltmp4, $4  }
0x1aa: {  	[sflag:s30] =	ssyncadd.s32 $0xFFFFDFD0  }
0x1ab: {  	_ =	swait.ge [sflag:s31], $0x2030  }
0x1ac: {  	[sflag:s31] =	ssyncset.done $0x0  }
0x1ad: {  	[sflag:s31] =	ssyncadd.s32 $0xFFFFDFD0  }
0x1ae: {  	_ =	sfence.sel $0x180000  }
0x1af: {  	[bflag:$0x0] =	sbarrier.arrive $0xFFFF  }
0x1b0: {  	_ =	strace $0x90000047  }
0x1b1: {  	s0 =	stileid.u32;
	[bflag:$0x2] =	sbarrier.arrive $0xFFFF  }
0x1b2: {  	p0 =	sne.s32 s0, $0x0;
	s0 =	rddreg [dreg:$0x3]  }
0x1b3: {  	s0 =	sadd.s32 @!p0 $0x100000, s0  }
0x1b4: {  	[sflag:s0] =	ssyncadd.tile.s32 @!p0 $0x1;
	_ =	shalt  }
.Lfunc_end2:
_tile_overlayer_lowered:
.L_overlay_start_2:
0x1b5: {  	(tag) =	ssettag $0x2  }
0x1b6: {  	s0 =	rddreg [dreg:$0x0];
	s2 =	stileid.u32  }
0x1b7: {  	s1 =	rddreg [dreg:$0x1];
	p0 =	sne.s32 s2, $0x0  }
0x1b8: {  	s3 =	rddreg [dreg:$0x2];
	[bflag:$0x3] =	sbarrier.arrive $0xFFFF;
	s2 =	simm.s32 @!p0 $0x1C05  }
0x1b9: {  	[timem:s3], [sflag:s2] =	dma.local @!p0 [hbm:s0], s1  }
0x1ba: {  	s0 =	simm.s32 @!p0 $0x5  }
0x1bb: {  	_ =	swait.ge @!p0 [sflag:s0], s1  }
0x1bc: {  	s1 =	ssub.s32 @!p0 $0x0, s1;
	[sflag:s0] =	ssyncset.done @!p0 $0x0  }
0x1bd: {  	[sflag:s0] =	ssyncadd.s32 @!p0 s1  }
0x1be: {  	[bflag:$0x3] =	sbarrier.arrive $0xFFFF  }
0x1bf: {  	_ =	shalt  }

</sc_bundles>
